<compile_context>
chip_gen: v7x
topology: tpu7x:2x2x1
jax: 0.10.2.dev20260603
libtpu: 0.0.44.dev20260713+nightly
codegen_flags: <defaults>
</compile_context>

<pallas_src>
import dataclasses
import functools

import jax
import jax.numpy as jnp
from jax import lax
from jax.experimental import pallas as pl
from jax.experimental.pallas import tpu as pltpu
from jax.experimental.pallas import tpu_sc as plsc

NC = 2
NS = 16
NW = NC * NS
L = 16
C = 128


def _round_up(a, b):
    return (a + b - 1) // b * b


def _sc_compiler_params():
    cp = pltpu.CompilerParams()
    if "needs_layout_passes" in pltpu.CompilerParams.__dataclass_fields__:
        cp = dataclasses.replace(cp, needs_layout_passes=False)
    return cp


def _sc_degree(src_flat, np_pad):
    ew = src_flat.shape[1]
    mesh = plsc.VectorSubcoreMesh(core_axis_name="c", subcore_axis_name="s")

    @functools.partial(
        pl.kernel,
        out_type=jax.ShapeDtypeStruct((NW, np_pad), jnp.float32),
        mesh=mesh,
        scratch_types=[
            pltpu.VMEM((ew,), jnp.int32),
            pltpu.VMEM((np_pad,), jnp.float32),
            pltpu.SemaphoreType.DMA,
        ],
        compiler_params=_sc_compiler_params(),
    )
    def deg_kernel(src_hbm, out_hbm, idx_v, acc_v, sem):
        wid = lax.axis_index("s") * NC + lax.axis_index("c")
        pltpu.async_copy(src_hbm.at[wid], idx_v, sem).wait()
        zeros16 = jnp.zeros((L,), jnp.float32)

        @pl.loop(0, np_pad // L)
        def _(i):
            acc_v[pl.ds(i * L, L)] = zeros16

        ones16 = jnp.ones((L,), jnp.float32)

        @pl.loop(0, ew // L)
        def _(i):
            idx = idx_v[pl.ds(i * L, L)]
            plsc.addupdate_scatter(acc_v, [idx], ones16)

        pltpu.async_copy(acc_v, out_hbm.at[wid], sem).wait()

    return deg_kernel(src_flat)


def _sc_spmv(xs, srcp, dstp, zero_nd, k0, k1, nacc, sv=None):
    np_pad, d = xs.shape
    rows_per = nacc // NS
    if sv is None:
        sv = k0
    mesh = plsc.VectorSubcoreMesh(core_axis_name="c", subcore_axis_name="s")

    @functools.partial(
        pl.kernel,
        out_type=jax.ShapeDtypeStruct((NC, np_pad, d), jnp.float32),
        mesh=mesh,
        scratch_types=[
            pltpu.VMEM_SHARED((nacc, d), jnp.float32),
            pltpu.VMEM((sv, C), jnp.int32),
            pltpu.VMEM((C,), jnp.int32),
            pltpu.VMEM((C,), jnp.int32),
            pltpu.VMEM((C, d), jnp.float32),
            pltpu.VMEM((C, d), jnp.float32),
            pltpu.SemaphoreType.DMA,
            pltpu.SemaphoreType.DMA,
            pltpu.SemaphoreType.DMA,
            pltpu.SemaphoreType.DMA,
        ],
        compiler_params=_sc_compiler_params(),
    )
    def spmv_kernel(xs_hbm, srcp_hbm, dstp_hbm, zero_hbm, out_hbm,
                    acc_sh, src_v, didx0, didx1, rows0, rows1,
                    g0, g1, i0, i1):
        c = lax.axis_index("c")
        s = lax.axis_index("s")

        def run_edges(base, my_kc):
            half = my_kc // 2
            pltpu.sync_copy(srcp_hbm.at[s].at[pl.ds(base, my_kc)],
                            src_v.at[pl.ds(0, my_kc)])
            pltpu.async_copy(dstp_hbm.at[s].at[base], didx0, i0)
            pltpu.async_copy(dstp_hbm.at[s].at[base + 1], didx1, i1)
            pltpu.sync_copy(zero_hbm.at[pl.ds(s * rows_per, rows_per)],
                            acc_sh.at[pl.ds(s * rows_per, rows_per)])
            plsc.subcore_barrier()

            pltpu.async_copy(xs_hbm.at[src_v.at[0]], rows0, g0)

            @pl.loop(0, half)
            def _(t):
                k = t * 2
                pltpu.async_copy(xs_hbm.at[src_v.at[k + 1]], rows1, g1)
                pltpu.make_async_copy(xs_hbm.at[src_v.at[k]], rows0,
                                      g0).wait()
                pltpu.make_async_copy(dstp_hbm.at[s].at[base + k], didx0,
                                      i0).wait()
                pltpu.sync_copy(rows0, acc_sh.at[didx0], add=True)

                @pl.when(t < half - 1)
                def _():
                    pltpu.async_copy(dstp_hbm.at[s].at[base + k + 2],
                                     didx0, i0)
                    pltpu.async_copy(xs_hbm.at[src_v.at[k + 2]], rows0, g0)

                pltpu.make_async_copy(xs_hbm.at[src_v.at[k + 1]], rows1,
                                      g1).wait()
                pltpu.make_async_copy(dstp_hbm.at[s].at[base + k + 1],
                                      didx1, i1).wait()
                pltpu.sync_copy(rows1, acc_sh.at[didx1], add=True)

                @pl.when(t < half - 1)
                def _():
                    pltpu.async_copy(dstp_hbm.at[s].at[base + k + 3],
                                     didx1, i1)

        @pl.when(c == 0)
        def _():
            run_edges(0, k0)

        @pl.when(c == 1)
        def _():
            run_edges(k0, k1)

        plsc.subcore_barrier()
        pltpu.sync_copy(acc_sh.at[pl.ds(s * rows_per, rows_per)],
                        out_hbm.at[c].at[pl.ds(s * rows_per, rows_per)])

        if np_pad > nacc:
            @pl.when(s == NS - 1)
            def _():
                pltpu.sync_copy(zero_hbm.at[pl.ds(nacc, np_pad - nacc)],
                                out_hbm.at[c].at[pl.ds(nacc, np_pad - nacc)])

    return spmv_kernel(xs, srcp, dstp, zero_nd)


def _tc_prepare(deg_part, x_pad):
    np_pad, d = x_pad.shape
    r = np_pad // 8

    def body(deg_ref, x_ref, dinv_ref, xs_ref):
        deg = jnp.sum(deg_ref[...], axis=0)
        dinv = jnp.where(deg > 0, lax.rsqrt(deg), 0.0)[:, None]
        dinv_ref[...] = dinv
        xs_ref[...] = x_ref[...] * dinv

    return pl.pallas_call(
        body,
        grid=(np_pad // r,),
        in_specs=[pl.BlockSpec((NW, r), lambda i: (0, i)),
                  pl.BlockSpec((r, d), lambda i: (i, 0))],
        out_specs=[pl.BlockSpec((r, 1), lambda i: (i, 0)),
                   pl.BlockSpec((r, d), lambda i: (i, 0))],
        out_shape=[jax.ShapeDtypeStruct((np_pad, 1), jnp.float32),
                   jax.ShapeDtypeStruct((np_pad, d), jnp.float32)],
    )(deg_part, x_pad)


def _tc_combine(parts, dinv):
    np_pad, d = parts.shape[1], parts.shape[2]
    r = np_pad // 8

    def body(p_ref, dinv_ref, tx1_ref, xs2_ref):
        s = p_ref[0] + p_ref[1]
        dinv = dinv_ref[...]
        tx1 = -dinv * s
        tx1_ref[...] = tx1
        xs2_ref[...] = dinv * tx1

    return pl.pallas_call(
        body,
        grid=(np_pad // r,),
        in_specs=[pl.BlockSpec((NC, r, d), lambda i: (0, i, 0)),
                  pl.BlockSpec((r, 1), lambda i: (i, 0))],
        out_specs=[pl.BlockSpec((r, d), lambda i: (i, 0)),
                   pl.BlockSpec((r, d), lambda i: (i, 0))],
        out_shape=[jax.ShapeDtypeStruct((np_pad, d), jnp.float32),
                   jax.ShapeDtypeStruct((np_pad, d), jnp.float32)],
    )(parts, dinv)


def _tc_final(x_pad, tx1, qparts, dinv, w_cat, b_x, b_h, lin_w, lin_b, df):
    np_pad, d = x_pad.shape
    r = np_pad // 8

    def body(x_ref, t1_ref, q_ref, dinv_ref, w_ref, bx_ref, bh_ref,
             lw_ref, lb_ref, out_ref):
        xb = x_ref[...]
        t2 = -2.0 * dinv_ref[...] * (q_ref[0] + q_ref[1]) - xb
        cat = jnp.concatenate([xb, t1_ref[...], t2], axis=1)
        y = (jnp.dot(cat, w_ref[...], preferred_element_type=jnp.float32)
             + bx_ref[...] + bh_ref[...])
        z = jax.nn.sigmoid(y[:, :df])
        ht = jnp.tanh(y[:, df:])
        h = jnp.maximum((1.0 - z) * ht, 0.0)
        out_ref[...] = (jnp.dot(h, lw_ref[...],
                                preferred_element_type=jnp.float32)
                        + lb_ref[...])

    return pl.pallas_call(
        body,
        grid=(np_pad // r,),
        in_specs=[pl.BlockSpec((r, d), lambda i: (i, 0)),
                  pl.BlockSpec((r, d), lambda i: (i, 0)),
                  pl.BlockSpec((NC, r, d), lambda i: (0, i, 0)),
                  pl.BlockSpec((r, 1), lambda i: (i, 0)),
                  pl.BlockSpec((3 * d, 2 * df), lambda i: (0, 0)),
                  pl.BlockSpec((1, 2 * df), lambda i: (0, 0)),
                  pl.BlockSpec((1, 2 * df), lambda i: (0, 0)),
                  pl.BlockSpec((df, d), lambda i: (0, 0)),
                  pl.BlockSpec((1, d), lambda i: (0, 0))],
        out_specs=pl.BlockSpec((r, d), lambda i: (i, 0)),
        out_shape=jax.ShapeDtypeStruct((np_pad, d), jnp.float32),
    )(x_pad, tx1, qparts, dinv, w_cat, b_x, b_h, lin_w, lin_b)


def kernel(x, edge_index, Wz_x, bz_x, Wz_h, bz_h, Wr_x, br_x, Wr_h, br_h,
           Wh_x, bh_x, Wh_h, bh_h, lin_W, lin_b):
    n, d = x.shape
    df = Wz_x.shape[-1]
    e = edge_index.shape[1]
    np_pad = _round_up(n + 1, 2048)
    nacc = np_pad
    kc = _round_up(max(_round_up(e, NS * C) // (NS * C), 16), 8)
    k0 = min(_round_up(int(kc * 0.75), 8), kc - 8, 120)
    k1 = kc - k0
    ep = NS * kc * C

    src = edge_index[0].astype(jnp.int32)
    dst = edge_index[1].astype(jnp.int32)
    padv = jnp.full((ep - e,), n, jnp.int32)
    src_pad = jnp.concatenate([src, padv])
    dst_pad = jnp.concatenate([dst, padv])
    src_flat = src_pad.reshape(NW, ep // NW)
    srcp = src_pad.reshape(NS, kc, C)
    dstp = dst_pad.reshape(NS, kc, C)
    x_padded = jnp.concatenate([x, jnp.zeros((np_pad - n, d), x.dtype)],
                               axis=0)
    zero_nd = jnp.zeros((np_pad, d), jnp.float32)

    deg_part = _sc_degree(src_flat, np_pad)
    dinv, xs = _tc_prepare(deg_part, x_padded)
    p = _sc_spmv(xs, srcp, dstp, zero_nd, k0, k1, nacc)
    tx1, xs2 = _tc_combine(p, dinv)
    q = _sc_spmv(xs2, srcp, dstp, zero_nd, k0, k1, nacc)

    w_cat = jnp.concatenate(
        [jnp.concatenate([Wz_x[k], Wh_x[k]], axis=1) for k in range(3)],
        axis=0)
    b_x = jnp.concatenate([bz_x, bh_x]).reshape(1, 2 * df)
    b_h = jnp.concatenate([bz_h, bh_h]).reshape(1, 2 * df)
    out = _tc_final(x_padded, tx1, q, dinv, w_cat, b_x, b_h,
                    lin_W, lin_b.reshape(1, d), df)
    return out[:n]

# --- scband reference (transcript-rebuilt; emitter-appended) ---
"""Pipeline reference for scband-recurrent-gnn-26396869001322 (READ-ONLY COPY).

The authoritative reference and input builder live on the scoring server;
editing this copy changes nothing except your own understanding.
"""

import jax, jax.numpy as jnp
import numpy as np

N = 10000
E = 320000
D_IN = 128
D_F = 256


def _lap_matvec(x, src, dst, w, n):
    # scaled Laplacian (lambda_max=2, sym norm, no self-loop residue): L_hat = -D^{-1/2} A D^{-1/2}
    msg = w[:, None] * x[src]
    return jax.ops.segment_sum(msg, dst, num_segments=n)


def _cheb(x, src, dst, w, W, b, n):
    # ChebConv K=3: Tx0 = x, Tx1 = L_hat x, Tx2 = 2 L_hat Tx1 - Tx0
    Tx0 = x
    out = Tx0 @ W[0]
    Tx1 = _lap_matvec(Tx0, src, dst, w, n)
    out = out + Tx1 @ W[1]
    Tx2 = 2.0 * _lap_matvec(Tx1, src, dst, w, n) - Tx0
    out = out + Tx2 @ W[2]
    return out + b


def setup_inputs(seed: int = 0):
    key = jax.random.key(seed)
    ks = jax.random.split(key, 20)
    x = jax.random.normal(ks[0], (N, D_IN), dtype=jnp.float32)
    edge_index = jax.random.randint(ks[1], (2, E), 0, N)

    def p(k, shape):
        return jax.random.normal(k, shape, dtype=jnp.float32) * 0.05

    inp = {
        'x': x,
        'edge_index': edge_index,
        'Wz_x': p(ks[2], (3, D_IN, D_F)), 'bz_x': jnp.zeros((D_F,), jnp.float32),
        'Wz_h': p(ks[3], (3, D_F, D_F)), 'bz_h': jnp.zeros((D_F,), jnp.float32),
        'Wr_x': p(ks[4], (3, D_IN, D_F)), 'br_x': jnp.zeros((D_F,), jnp.float32),
        'Wr_h': p(ks[5], (3, D_F, D_F)), 'br_h': jnp.zeros((D_F,), jnp.float32),
        'Wh_x': p(ks[6], (3, D_IN, D_F)), 'bh_x': jnp.zeros((D_F,), jnp.float32),
        'Wh_h': p(ks[7], (3, D_F, D_F)), 'bh_h': jnp.zeros((D_F,), jnp.float32),
        'lin_W': p(ks[8], (D_F, D_IN)), 'lin_b': jnp.zeros((D_IN,), jnp.float32),
    }
    return inp


def reference(x, edge_index, Wz_x, bz_x, Wz_h, bz_h, Wr_x, br_x, Wr_h, br_h, Wh_x, bh_x, Wh_h, bh_h, lin_W, lin_b):
    n = x.shape[0]
    src = edge_index[0]
    dst = edge_index[1]
    deg = jax.ops.segment_sum(jnp.ones((src.shape[0],), dtype=x.dtype), src, num_segments=n)
    dinv = jnp.where(deg > 0, deg ** -0.5, 0.0)
    w = -dinv[src] * dinv[dst]

    H = jnp.zeros((n, Wz_x.shape[-1]), dtype=x.dtype)
    Z = jax.nn.sigmoid(_cheb(x, src, dst, w, Wz_x, bz_x, n) + _cheb(H, src, dst, w, Wz_h, bz_h, n))
    R = jax.nn.sigmoid(_cheb(x, src, dst, w, Wr_x, br_x, n) + _cheb(H, src, dst, w, Wr_h, br_h, n))
    H_tilde = jnp.tanh(_cheb(x, src, dst, w, Wh_x, bh_x, n) + _cheb(H * R, src, dst, w, Wh_h, bh_h, n))
    H = Z * H + (1.0 - Z) * H_tilde

    h = jax.nn.relu(H)
    return h @ lin_W + lin_b

if __name__ == "__main__":
    import jax
    _d = setup_inputs()
    print(jax.jit(kernel)(*tuple(_d.values())))

</pallas_src>

<mosaic_0001>
#map = affine_map<(d0, d1) -> (0, 0)>
module attributes {stable_mosaic.version = 14 : i64} {
  func.func @deg_kernel(%arg0: i32, %arg1: i32, %arg2: memref<32x10240xi32, #tpu.memory_space<hbm>>, %arg3: memref<32x10240xf32, #tpu.memory_space<hbm>>, %arg4: memref<10240xi32, #tpu.memory_space<vmem>>, %arg5: memref<10240xf32, #tpu.memory_space<vmem>>, %arg6: memref<!tpu.dma_semaphore, #tpu.memory_space<semaphore_mem>>) attributes {dimension_semantics = [#tpu.dimension_semantics<core_parallel>, #tpu.dimension_semantics<subcore_parallel>], iteration_bounds = array<i64: 2, 16>, scalar_prefetch = 0 : i64, scratch_operands = 3 : i64, tpu.core_type = #tpu.core_type<sc_vector_subcore>, window_params = [{transform_indices = #map}, {transform_indices = #map}]} {
    %mul3A = arith.constant 2 : i32
    %mul3A_0 = arith.muli %arg1, %mul3A : i32
    %add3A = arith.addi %mul3A_0, %arg0 : i32
    %dma_start3A = arith.constant 0 : i32
    %dma_start3A_1 = tpu.memref_slice %arg2[%add3A, %dma_start3A] : memref<32x10240xi32, #tpu.memory_space<hbm>> -> memref<1x10240xi32, #tpu.memory_space<hbm>>
    %dma_start3A_2 = tpu.memref_squeeze %dma_start3A_1 : memref<1x10240xi32, #tpu.memory_space<hbm>> -> memref<10240xi32, #tpu.memory_space<hbm>>
    %dma_start3A_3 = arith.constant 0 : i32
    %dma_start3A_4 = tpu.memref_slice %arg2[%add3A, %dma_start3A_3] : memref<32x10240xi32, #tpu.memory_space<hbm>> -> memref<1x10240xi32, #tpu.memory_space<hbm>>
    %dma_start3A_5 = tpu.memref_squeeze %dma_start3A_4 : memref<1x10240xi32, #tpu.memory_space<hbm>> -> memref<10240xi32, #tpu.memory_space<hbm>>
    tpu.enqueue_dma source(%dma_start3A_5 : memref<10240xi32, #tpu.memory_space<hbm>>) target(%arg4 : memref<10240xi32, #tpu.memory_space<vmem>>) target_semaphore(%arg6 : memref<!tpu.dma_semaphore, #tpu.memory_space<semaphore_mem>>)
    %dma_wait3A = arith.constant 0 : i32
    %dma_wait3A_6 = tpu.memref_slice %arg2[%add3A, %dma_wait3A] : memref<32x10240xi32, #tpu.memory_space<hbm>> -> memref<1x10240xi32, #tpu.memory_space<hbm>>
    %dma_wait3A_7 = tpu.memref_squeeze %dma_wait3A_6 : memref<1x10240xi32, #tpu.memory_space<hbm>> -> memref<10240xi32, #tpu.memory_space<hbm>>
    %dma_wait3A_8 = arith.constant 0 : i32
    %dma_wait3A_9 = tpu.memref_slice %arg2[%add3A, %dma_wait3A_8] : memref<32x10240xi32, #tpu.memory_space<hbm>> -> memref<1x10240xi32, #tpu.memory_space<hbm>>
    %dma_wait3A_10 = tpu.memref_squeeze %dma_wait3A_9 : memref<1x10240xi32, #tpu.memory_space<hbm>> -> memref<10240xi32, #tpu.memory_space<hbm>>
    tpu.wait_dma2 semaphore(%arg6 : memref<!tpu.dma_semaphore, #tpu.memory_space<semaphore_mem>>) src(%dma_wait3A_10 : memref<10240xi32, #tpu.memory_space<hbm>>) dst(%arg4 : memref<10240xi32, #tpu.memory_space<vmem>>)
    %broadcast_in_dim3A = arith.constant 0.000000e+00 : f32
    %broadcast_in_dim3A_11 = vector.broadcast %broadcast_in_dim3A : f32 to vector<16xf32>
    %scan3A = arith.constant 0 : i32
    %scan3A_12 = arith.constant 640 : i32
    %scan3A_13 = arith.addi %scan3A, %scan3A_12 : i32
    %scan3A_14 = arith.constant 1 : i32
    scf.for %scan3A_35 = %scan3A to %scan3A_13 step %scan3A_14  : i32 {
      %mul3A_36 = arith.constant 1 : i32
      %mul3A_37 = arith.muli %scan3A_35, %mul3A_36 : i32
      %add3A_38 = arith.constant 0 : i32
      %add3A_39 = arith.addi %add3A_38, %mul3A_37 : i32
      %mul3A_40 = arith.constant 16 : i32
      %mul3A_41 = arith.muli %add3A_39, %mul3A_40 : i32
      %swap3A = arith.index_cast %mul3A_41 : i32 to index
      %swap3A_42 = tpu.vector_load %arg5[%swap3A] {strides = array<i32>} : memref<10240xf32, #tpu.memory_space<vmem>>, vector<16xf32>,
      tpu.vector_store %arg5[%swap3A], %broadcast_in_dim3A_11 {strides = array<i32>} : memref<10240xf32, #tpu.memory_space<vmem>>, vector<16xf32>,
    }
    %scan3A_15 = arith.constant 640 : i32
    %broadcast_in_dim3A_16 = arith.constant 1.000000e+00 : f32
    %broadcast_in_dim3A_17 = vector.broadcast %broadcast_in_dim3A_16 : f32 to vector<16xf32>
    %scan3A_18 = arith.constant 0 : i32
    %scan3A_19 = arith.constant 640 : i32
    %scan3A_20 = arith.addi %scan3A_18, %scan3A_19 : i32
    %scan3A_21 = arith.constant 1 : i32
    scf.for %scan3A_35 = %scan3A_18 to %scan3A_20 step %scan3A_21  : i32 {
      %mul3A_36 = arith.constant 1 : i32
      %mul3A_37 = arith.muli %scan3A_35, %mul3A_36 : i32
      %add3A_38 = arith.constant 0 : i32
      %add3A_39 = arith.addi %add3A_38, %mul3A_37 : i32
      %mul3A_40 = arith.constant 16 : i32
      %mul3A_41 = arith.muli %add3A_39, %mul3A_40 : i32
      %get3A = arith.index_cast %mul3A_41 : i32 to index
      %get3A_42 = tpu.vector_load %arg4[%get3A] {strides = array<i32>} : memref<10240xi32, #tpu.memory_space<vmem>>, vector<16xi32>,
      tpu.vector_store_idx %arg5[%get3A_42], %broadcast_in_dim3A_17 {add = true} : memref<10240xf32, #tpu.memory_space<vmem>>[vector<16xi32>], vector<16xf32>,
    }
    %scan3A_22 = arith.constant 640 : i32
    %dma_start3A_23 = arith.constant 0 : i32
    %dma_start3A_24 = tpu.memref_slice %arg3[%add3A, %dma_start3A_23] : memref<32x10240xf32, #tpu.memory_space<hbm>> -> memref<1x10240xf32, #tpu.memory_space<hbm>>
    %dma_start3A_25 = tpu.memref_squeeze %dma_start3A_24 : memref<1x10240xf32, #tpu.memory_space<hbm>> -> memref<10240xf32, #tpu.memory_space<hbm>>
    %dma_start3A_26 = arith.constant 0 : i32
    %dma_start3A_27 = tpu.memref_slice %arg3[%add3A, %dma_start3A_26] : memref<32x10240xf32, #tpu.memory_space<hbm>> -> memref<1x10240xf32, #tpu.memory_space<hbm>>
    %dma_start3A_28 = tpu.memref_squeeze %dma_start3A_27 : memref<1x10240xf32, #tpu.memory_space<hbm>> -> memref<10240xf32, #tpu.memory_space<hbm>>
    tpu.enqueue_dma source(%arg5 : memref<10240xf32, #tpu.memory_space<vmem>>) target(%dma_start3A_28 : memref<10240xf32, #tpu.memory_space<hbm>>) target_semaphore(%arg6 : memref<!tpu.dma_semaphore, #tpu.memory_space<semaphore_mem>>)
    %dma_wait3A_29 = arith.constant 0 : i32
    %dma_wait3A_30 = tpu.memref_slice %arg3[%add3A, %dma_wait3A_29] : memref<32x10240xf32, #tpu.memory_space<hbm>> -> memref<1x10240xf32, #tpu.memory_space<hbm>>
    %dma_wait3A_31 = tpu.memref_squeeze %dma_wait3A_30 : memref<1x10240xf32, #tpu.memory_space<hbm>> -> memref<10240xf32, #tpu.memory_space<hbm>>
    %dma_wait3A_32 = arith.constant 0 : i32
    %dma_wait3A_33 = tpu.memref_slice %arg3[%add3A, %dma_wait3A_32] : memref<32x10240xf32, #tpu.memory_space<hbm>> -> memref<1x10240xf32, #tpu.memory_space<hbm>>
    %dma_wait3A_34 = tpu.memref_squeeze %dma_wait3A_33 : memref<1x10240xf32, #tpu.memory_space<hbm>> -> memref<10240xf32, #tpu.memory_space<hbm>>
    tpu.wait_dma2 semaphore(%arg6 : memref<!tpu.dma_semaphore, #tpu.memory_space<semaphore_mem>>) src(%arg5 : memref<10240xf32, #tpu.memory_space<vmem>>) dst(%dma_wait3A_34 : memref<10240xf32, #tpu.memory_space<hbm>>)
    return
  }
}

#map = affine_map<(d0, d1) -> (0, 0)>
#map1 = affine_map<(d0, d1) -> (0, 0, 0)>
module attributes {stable_mosaic.version = 14 : i64} {
  func.func @spmv_kernel(%arg0: i32, %arg1: i32, %arg2: memref<10240x128xf32, #tpu.memory_space<hbm>>, %arg3: memref<16x160x128xi32, #tpu.memory_space<hbm>>, %arg4: memref<16x160x128xi32, #tpu.memory_space<hbm>>, %arg5: memref<10240x128xf32, #tpu.memory_space<hbm>>, %arg6: memref<2x10240x128xf32, #tpu.memory_space<hbm>>, %arg7: memref<10240x128xf32, #tpu.memory_space<vmem_shared>>, %arg8: memref<120x128xi32, #tpu.memory_space<vmem>>, %arg9: memref<128xi32, #tpu.memory_space<vmem>>, %arg10: memref<128xi32, #tpu.memory_space<vmem>>, %arg11: memref<128x128xf32, #tpu.memory_space<vmem>>, %arg12: memref<128x128xf32, #tpu.memory_space<vmem>>, %arg13: memref<!tpu.dma_semaphore, #tpu.memory_space<semaphore_mem>>, %arg14: memref<!tpu.dma_semaphore, #tpu.memory_space<semaphore_mem>>, %arg15: memref<!tpu.dma_semaphore, #tpu.memory_space<semaphore_mem>>, %arg16: memref<!tpu.dma_semaphore, #tpu.memory_space<semaphore_mem>>) attributes {dimension_semantics = [#tpu.dimension_semantics<core_parallel>, #tpu.dimension_semantics<subcore_parallel>], iteration_bounds = array<i64: 2, 16>, scalar_prefetch = 0 : i64, scratch_operands = 10 : i64, tpu.core_type = #tpu.core_type<sc_vector_subcore>, window_params = [{transform_indices = #map}, {transform_indices = #map1}, {transform_indices = #map1}, {transform_indices = #map}, {transform_indices = #map1}]} {
    %eq3A = arith.constant 0 : i32
    %eq3A_0 = arith.cmpi eq, %arg0, %eq3A : i32
    %convert_element_type3A = arith.extui %eq3A_0 : i1 to i32
    %cond3A = arith.constant 0 : i32
    %cond3A_1 = arith.cmpi ne, %convert_element_type3A, %cond3A : i32
    scf.if %cond3A_1 {
      "tpu.region"() ({
        %run_scoped3A = tpu.sem_alloc : memref<!tpu.dma_semaphore, #tpu.memory_space<semaphore_mem>>
        %dma_start3A_55 = arith.constant 0 : i32
        %dma_start3A_56 = arith.constant 0 : i32
        %dma_start3A_57 = tpu.memref_slice %arg8[%dma_start3A_55, %dma_start3A_56] : memref<120x128xi32, #tpu.memory_space<vmem>> -> memref<120x128xi32, #tpu.memory_space<vmem>>
        %dma_start3A_58 = arith.constant 0 : i32
        %dma_start3A_59 = arith.constant 0 : i32
        %dma_start3A_60 = tpu.memref_slice %arg3[%arg1, %dma_start3A_58, %dma_start3A_59] : memref<16x160x128xi32, #tpu.memory_space<hbm>> -> memref<1x160x128xi32, #tpu.memory_space<hbm>>
        %dma_start3A_61 = tpu.memref_squeeze %dma_start3A_60 : memref<1x160x128xi32, #tpu.memory_space<hbm>> -> memref<160x128xi32, #tpu.memory_space<hbm>>
        %dma_start3A_62 = arith.constant 0 : i32
        %dma_start3A_63 = arith.constant 0 : i32
        %dma_start3A_64 = tpu.memref_slice %dma_start3A_61[%dma_start3A_62, %dma_start3A_63] : memref<160x128xi32, #tpu.memory_space<hbm>> -> memref<120x128xi32, #tpu.memory_space<hbm>>
        %dma_start3A_65 = arith.constant 0 : i32
        %dma_start3A_66 = arith.constant 0 : i32
        %dma_start3A_67 = tpu.memref_slice %arg8[%dma_start3A_65, %dma_start3A_66] : memref<120x128xi32, #tpu.memory_space<vmem>> -> memref<120x128xi32, #tpu.memory_space<vmem>>
        %dma_start3A_68 = arith.constant 0 : i32
        %dma_start3A_69 = arith.constant 0 : i32
        %dma_start3A_70 = tpu.memref_slice %arg3[%arg1, %dma_start3A_68, %dma_start3A_69] : memref<16x160x128xi32, #tpu.memory_space<hbm>> -> memref<1x160x128xi32, #tpu.memory_space<hbm>>
        %dma_start3A_71 = tpu.memref_squeeze %dma_start3A_70 : memref<1x160x128xi32, #tpu.memory_space<hbm>> -> memref<160x128xi32, #tpu.memory_space<hbm>>
        %dma_start3A_72 = arith.constant 0 : i32
        %dma_start3A_73 = arith.constant 0 : i32
        %dma_start3A_74 = tpu.memref_slice %dma_start3A_71[%dma_start3A_72, %dma_start3A_73] : memref<160x128xi32, #tpu.memory_space<hbm>> -> memref<120x128xi32, #tpu.memory_space<hbm>>
        tpu.enqueue_dma source(%dma_start3A_74 : memref<120x128xi32, #tpu.memory_space<hbm>>) target(%dma_start3A_67 : memref<120x128xi32, #tpu.memory_space<vmem>>) target_semaphore(%run_scoped3A : memref<!tpu.dma_semaphore, #tpu.memory_space<semaphore_mem>>)
        %dma_wait3A = arith.constant 0 : i32
        %dma_wait3A_75 = arith.constant 0 : i32
        %dma_wait3A_76 = tpu.memref_slice %arg8[%dma_wait3A, %dma_wait3A_75] : memref<120x128xi32, #tpu.memory_space<vmem>> -> memref<120x128xi32, #tpu.memory_space<vmem>>
        %dma_wait3A_77 = arith.constant 0 : i32
        %dma_wait3A_78 = arith.constant 0 : i32
        %dma_wait3A_79 = tpu.memref_slice %arg3[%arg1, %dma_wait3A_77, %dma_wait3A_78] : memref<16x160x128xi32, #tpu.memory_space<hbm>> -> memref<1x160x128xi32, #tpu.memory_space<hbm>>
        %dma_wait3A_80 = tpu.memref_squeeze %dma_wait3A_79 : memref<1x160x128xi32, #tpu.memory_space<hbm>> -> memref<160x128xi32, #tpu.memory_space<hbm>>
        %dma_wait3A_81 = arith.constant 0 : i32
        %dma_wait3A_82 = arith.constant 0 : i32
        %dma_wait3A_83 = tpu.memref_slice %dma_wait3A_80[%dma_wait3A_81, %dma_wait3A_82] : memref<160x128xi32, #tpu.memory_space<hbm>> -> memref<120x128xi32, #tpu.memory_space<hbm>>
        %dma_wait3A_84 = arith.constant 0 : i32
        %dma_wait3A_85 = arith.constant 0 : i32
        %dma_wait3A_86 = tpu.memref_slice %arg8[%dma_wait3A_84, %dma_wait3A_85] : memref<120x128xi32, #tpu.memory_space<vmem>> -> memref<120x128xi32, #tpu.memory_space<vmem>>
        %dma_wait3A_87 = arith.constant 0 : i32
        %dma_wait3A_88 = arith.constant 0 : i32
        %dma_wait3A_89 = tpu.memref_slice %arg3[%arg1, %dma_wait3A_87, %dma_wait3A_88] : memref<16x160x128xi32, #tpu.memory_space<hbm>> -> memref<1x160x128xi32, #tpu.memory_space<hbm>>
        %dma_wait3A_90 = tpu.memref_squeeze %dma_wait3A_89 : memref<1x160x128xi32, #tpu.memory_space<hbm>> -> memref<160x128xi32, #tpu.memory_space<hbm>>
        %dma_wait3A_91 = arith.constant 0 : i32
        %dma_wait3A_92 = arith.constant 0 : i32
        %dma_wait3A_93 = tpu.memref_slice %dma_wait3A_90[%dma_wait3A_91, %dma_wait3A_92] : memref<160x128xi32, #tpu.memory_space<hbm>> -> memref<120x128xi32, #tpu.memory_space<hbm>>
        tpu.wait_dma2 semaphore(%run_scoped3A : memref<!tpu.dma_semaphore, #tpu.memory_space<semaphore_mem>>) src(%dma_wait3A_93 : memref<120x128xi32, #tpu.memory_space<hbm>>) dst(%dma_wait3A_86 : memref<120x128xi32, #tpu.memory_space<vmem>>)
        tpu.yield
      }) : () -> ()
      %dma_start3A = arith.constant 0 : i32
      %dma_start3A_10 = arith.constant 0 : i32
      %dma_start3A_11 = arith.constant 0 : i32
      %dma_start3A_12 = tpu.memref_slice %arg4[%arg1, %dma_start3A_10, %dma_start3A_11] : memref<16x160x128xi32, #tpu.memory_space<hbm>> -> memref<1x160x128xi32, #tpu.memory_space<hbm>>
      %dma_start3A_13 = tpu.memref_squeeze %dma_start3A_12 : memref<1x160x128xi32, #tpu.memory_space<hbm>> -> memref<160x128xi32, #tpu.memory_space<hbm>>
      %dma_start3A_14 = arith.constant 0 : i32
      %dma_start3A_15 = tpu.memref_slice %dma_start3A_13[%dma_start3A, %dma_start3A_14] : memref<160x128xi32, #tpu.memory_space<hbm>> -> memref<1x128xi32, #tpu.memory_space<hbm>>
      %dma_start3A_16 = tpu.memref_squeeze %dma_start3A_15 : memref<1x128xi32, #tpu.memory_space<hbm>> -> memref<128xi32, #tpu.memory_space<hbm>>
      %dma_start3A_17 = arith.constant 0 : i32
      %dma_start3A_18 = arith.constant 0 : i32
      %dma_start3A_19 = tpu.memref_slice %arg4[%arg1, %dma_start3A_17, %dma_start3A_18] : memref<16x160x128xi32, #tpu.memory_space<hbm>> -> memref<1x160x128xi32, #tpu.memory_space<hbm>>
      %dma_start3A_20 = tpu.memref_squeeze %dma_start3A_19 : memref<1x160x128xi32, #tpu.memory_space<hbm>> -> memref<160x128xi32, #tpu.memory_space<hbm>>
      %dma_start3A_21 = arith.constant 0 : i32
      %dma_start3A_22 = tpu.memref_slice %dma_start3A_20[%dma_start3A, %dma_start3A_21] : memref<160x128xi32, #tpu.memory_space<hbm>> -> memref<1x128xi32, #tpu.memory_space<hbm>>
      %dma_start3A_23 = tpu.memref_squeeze %dma_start3A_22 : memref<1x128xi32, #tpu.memory_space<hbm>> -> memref<128xi32, #tpu.memory_space<hbm>>
      tpu.enqueue_dma source(%dma_start3A_23 : memref<128xi32, #tpu.memory_space<hbm>>) target(%arg9 : memref<128xi32, #tpu.memory_space<vmem>>) target_semaphore(%arg15 : memref<!tpu.dma_semaphore, #tpu.memory_space<semaphore_mem>>)
      %dma_start3A_24 = arith.constant 1 : i32
      %dma_start3A_25 = arith.constant 0 : i32
      %dma_start3A_26 = arith.constant 0 : i32
      %dma_start3A_27 = tpu.memref_slice %arg4[%arg1, %dma_start3A_25, %dma_start3A_26] : memref<16x160x128xi32, #tpu.memory_space<hbm>> -> memref<1x160x128xi32, #tpu.memory_space<hbm>>
      %dma_start3A_28 = tpu.memref_squeeze %dma_start3A_27 : memref<1x160x128xi32, #tpu.memory_space<hbm>> -> memref<160x128xi32, #tpu.memory_space<hbm>>
      %dma_start3A_29 = arith.constant 0 : i32
      %dma_start3A_30 = tpu.memref_slice %dma_start3A_28[%dma_start3A_24, %dma_start3A_29] : memref<160x128xi32, #tpu.memory_space<hbm>> -> memref<1x128xi32, #tpu.memory_space<hbm>>
      %dma_start3A_31 = tpu.memref_squeeze %dma_start3A_30 : memref<1x128xi32, #tpu.memory_space<hbm>> -> memref<128xi32, #tpu.memory_space<hbm>>
      %dma_start3A_32 = arith.constant 0 : i32
      %dma_start3A_33 = arith.constant 0 : i32
      %dma_start3A_34 = tpu.memref_slice %arg4[%arg1, %dma_start3A_32, %dma_start3A_33] : memref<16x160x128xi32, #tpu.memory_space<hbm>> -> memref<1x160x128xi32, #tpu.memory_space<hbm>>
      %dma_start3A_35 = tpu.memref_squeeze %dma_start3A_34 : memref<1x160x128xi32, #tpu.memory_space<hbm>> -> memref<160x128xi32, #tpu.memory_space<hbm>>
      %dma_start3A_36 = arith.constant 0 : i32
      %dma_start3A_37 = tpu.memref_slice %dma_start3A_35[%dma_start3A_24, %dma_start3A_36] : memref<160x128xi32, #tpu.memory_space<hbm>> -> memref<1x128xi32, #tpu.memory_space<hbm>>
      %dma_start3A_38 = tpu.memref_squeeze %dma_start3A_37 : memref<1x128xi32, #tpu.memory_space<hbm>> -> memref<128xi32, #tpu.memory_space<hbm>>
      tpu.enqueue_dma source(%dma_start3A_38 : memref<128xi32, #tpu.memory_space<hbm>>) target(%arg10 : memref<128xi32, #tpu.memory_space<vmem>>) target_semaphore(%arg16 : memref<!tpu.dma_semaphore, #tpu.memory_space<semaphore_mem>>)
      %mul3A_39 = arith.constant 640 : i32
      %mul3A_40 = arith.muli %arg1, %mul3A_39 : i32
      %mul3A_41 = arith.constant 640 : i32
      %mul3A_42 = arith.muli %arg1, %mul3A_41 : i32
      "tpu.region"() ({
        %run_scoped3A = tpu.sem_alloc : memref<!tpu.dma_semaphore, #tpu.memory_space<semaphore_mem>>
        %dma_start3A_55 = arith.constant 0 : i32
        %dma_start3A_56 = tpu.memref_slice %arg7[%mul3A_42, %dma_start3A_55] : memref<10240x128xf32, #tpu.memory_space<vmem_shared>> -> memref<640x128xf32, #tpu.memory_space<vmem_shared>>
        %dma_start3A_57 = arith.constant 0 : i32
        %dma_start3A_58 = tpu.memref_slice %arg5[%mul3A_40, %dma_start3A_57] : memref<10240x128xf32, #tpu.memory_space<hbm>> -> memref<640x128xf32, #tpu.memory_space<hbm>>
        tpu.enqueue_dma source(%dma_start3A_58 : memref<640x128xf32, #tpu.memory_space<hbm>>) target(%dma_start3A_56 : memref<640x128xf32, #tpu.memory_space<vmem_shared>>) target_semaphore(%run_scoped3A : memref<!tpu.dma_semaphore, #tpu.memory_space<semaphore_mem>>)
        %dma_wait3A = arith.constant 0 : i32
        %dma_wait3A_59 = tpu.memref_slice %arg7[%mul3A_42, %dma_wait3A] : memref<10240x128xf32, #tpu.memory_space<vmem_shared>> -> memref<640x128xf32, #tpu.memory_space<vmem_shared>>
        %dma_wait3A_60 = arith.constant 0 : i32
        %dma_wait3A_61 = tpu.memref_slice %arg5[%mul3A_40, %dma_wait3A_60] : memref<10240x128xf32, #tpu.memory_space<hbm>> -> memref<640x128xf32, #tpu.memory_space<hbm>>
        tpu.wait_dma2 semaphore(%run_scoped3A : memref<!tpu.dma_semaphore, #tpu.memory_space<semaphore_mem>>) src(%dma_wait3A_61 : memref<640x128xf32, #tpu.memory_space<hbm>>) dst(%dma_wait3A_59 : memref<640x128xf32, #tpu.memory_space<vmem_shared>>)
        tpu.yield
      }) : () -> ()
      %barrier3A_43 = arith.constant 0 : index
      tpu.barrier barrier_id(%barrier3A_43)
      %dma_start3A_44 = arith.constant 0 : i32
      %dma_start3A_45 = arith.constant 0 : i32
      %dma_start3A_46 = tpu.memref_slice %arg8[%dma_start3A_44, %dma_start3A_45] : memref<120x128xi32, #tpu.memory_space<vmem>> -> memref<1x128xi32, #tpu.memory_space<vmem>>
      %dma_start3A_47 = tpu.memref_squeeze %dma_start3A_46 : memref<1x128xi32, #tpu.memory_space<vmem>> -> memref<128xi32, #tpu.memory_space<vmem>>
      %dma_start3A_48 = arith.constant 0 : i32
      %dma_start3A_49 = arith.constant 0 : i32
      %dma_start3A_50 = tpu.memref_slice %arg2[%dma_start3A_48, %dma_start3A_49] : memref<10240x128xf32, #tpu.memory_space<hbm>> -> memref<10240x128xf32, #tpu.memory_space<hbm>>
      tpu.enqueue_indirect_dma source(%dma_start3A_50 : memref<10240x128xf32, #tpu.memory_space<hbm>>) target(%arg11 : memref<128x128xf32, #tpu.memory_space<vmem>>) offsets(%dma_start3A_47 : memref<128xi32, #tpu.memory_space<vmem>>) semaphore(%arg13 : memref<!tpu.dma_semaphore, #tpu.memory_space<semaphore_mem>>)
      %scan3A = arith.constant 0 : i32
      %scan3A_51 = arith.constant 60 : i32
      %scan3A_52 = arith.addi %scan3A, %scan3A_51 : i32
      %scan3A_53 = arith.constant 1 : i32
      scf.for %scan3A_55 = %scan3A to %scan3A_52 step %scan3A_53  : i32 {
        %mul3A_56 = arith.constant 1 : i32
        %mul3A_57 = arith.muli %scan3A_55, %mul3A_56 : i32
        %add3A = arith.constant 0 : i32
        %add3A_58 = arith.addi %add3A, %mul3A_57 : i32
        %mul3A_59 = arith.constant 2 : i32
        %mul3A_60 = arith.muli %add3A_58, %mul3A_59 : i32
        %add3A_61 = arith.constant 1 : i32
        %add3A_62 = arith.addi %mul3A_60, %add3A_61 : i32
        %dma_start3A_63 = arith.constant 0 : i32
        %dma_start3A_64 = tpu.memref_slice %arg8[%add3A_62, %dma_start3A_63] : memref<120x128xi32, #tpu.memory_space<vmem>> -> memref<1x128xi32, #tpu.memory_space<vmem>>
        %dma_start3A_65 = tpu.memref_squeeze %dma_start3A_64 : memref<1x128xi32, #tpu.memory_space<vmem>> -> memref<128xi32, #tpu.memory_space<vmem>>
        %dma_start3A_66 = arith.constant 0 : i32
        %dma_start3A_67 = arith.constant 0 : i32
        %dma_start3A_68 = tpu.memref_slice %arg2[%dma_start3A_66, %dma_start3A_67] : memref<10240x128xf32, #tpu.memory_space<hbm>> -> memref<10240x128xf32, #tpu.memory_space<hbm>>
        tpu.enqueue_indirect_dma source(%dma_start3A_68 : memref<10240x128xf32, #tpu.memory_space<hbm>>) target(%arg12 : memref<128x128xf32, #tpu.memory_space<vmem>>) offsets(%dma_start3A_65 : memref<128xi32, #tpu.memory_space<vmem>>) semaphore(%arg14 : memref<!tpu.dma_semaphore, #tpu.memory_space<semaphore_mem>>)
        %dma_wait3A = arith.constant 0 : i32
        %dma_wait3A_69 = tpu.memref_slice %arg8[%mul3A_60, %dma_wait3A] : memref<120x128xi32, #tpu.memory_space<vmem>> -> memref<1x128xi32, #tpu.memory_space<vmem>>
        %dma_wait3A_70 = tpu.memref_squeeze %dma_wait3A_69 : memref<1x128xi32, #tpu.memory_space<vmem>> -> memref<128xi32, #tpu.memory_space<vmem>>
        %dma_wait3A_71 = arith.constant 0 : i32
        %dma_wait3A_72 = arith.constant 0 : i32
        %dma_wait3A_73 = tpu.memref_slice %arg2[%dma_wait3A_71, %dma_wait3A_72] : memref<10240x128xf32, #tpu.memory_space<hbm>> -> memref<10240x128xf32, #tpu.memory_space<hbm>>
        tpu.wait_indirect_dma semaphore(%arg13 : memref<!tpu.dma_semaphore, #tpu.memory_space<semaphore_mem>>) src(%dma_wait3A_73 : memref<10240x128xf32, #tpu.memory_space<hbm>>) dst(%arg11 : memref<128x128xf32, #tpu.memory_space<vmem>>)
        %add3A_74 = arith.constant 0 : i32
        %add3A_75 = arith.addi %add3A_74, %mul3A_60 : i32
        %dma_wait3A_76 = arith.constant 0 : i32
        %dma_wait3A_77 = arith.constant 0 : i32
        %dma_wait3A_78 = tpu.memref_slice %arg4[%arg1, %dma_wait3A_76, %dma_wait3A_77] : memref<16x160x128xi32, #tpu.memory_space<hbm>> -> memref<1x160x128xi32, #tpu.memory_space<hbm>>
        %dma_wait3A_79 = tpu.memref_squeeze %dma_wait3A_78 : memref<1x160x128xi32, #tpu.memory_space<hbm>> -> memref<160x128xi32, #tpu.memory_space<hbm>>
        %dma_wait3A_80 = arith.constant 0 : i32
        %dma_wait3A_81 = tpu.memref_slice %dma_wait3A_79[%add3A_75, %dma_wait3A_80] : memref<160x128xi32, #tpu.memory_space<hbm>> -> memref<1x128xi32, #tpu.memory_space<hbm>>
        %dma_wait3A_82 = tpu.memref_squeeze %dma_wait3A_81 : memref<1x128xi32, #tpu.memory_space<hbm>> -> memref<128xi32, #tpu.memory_space<hbm>>
        %dma_wait3A_83 = arith.constant 0 : i32
        %dma_wait3A_84 = arith.constant 0 : i32
        %dma_wait3A_85 = tpu.memref_slice %arg4[%arg1, %dma_wait3A_83, %dma_wait3A_84] : memref<16x160x128xi32, #tpu.memory_space<hbm>> -> memref<1x160x128xi32, #tpu.memory_space<hbm>>
        %dma_wait3A_86 = tpu.memref_squeeze %dma_wait3A_85 : memref<1x160x128xi32, #tpu.memory_space<hbm>> -> memref<160x128xi32, #tpu.memory_space<hbm>>
        %dma_wait3A_87 = arith.constant 0 : i32
        %dma_wait3A_88 = tpu.memref_slice %dma_wait3A_86[%add3A_75, %dma_wait3A_87] : memref<160x128xi32, #tpu.memory_space<hbm>> -> memref<1x128xi32, #tpu.memory_space<hbm>>
        %dma_wait3A_89 = tpu.memref_squeeze %dma_wait3A_88 : memref<1x128xi32, #tpu.memory_space<hbm>> -> memref<128xi32, #tpu.memory_space<hbm>>
        tpu.wait_dma2 semaphore(%arg15 : memref<!tpu.dma_semaphore, #tpu.memory_space<semaphore_mem>>) src(%dma_wait3A_89 : memref<128xi32, #tpu.memory_space<hbm>>) dst(%arg9 : memref<128xi32, #tpu.memory_space<vmem>>)
        "tpu.region"() ({
          %run_scoped3A = tpu.sem_alloc : memref<!tpu.dma_semaphore, #tpu.memory_space<semaphore_mem>>
          %dma_start3A_125 = arith.constant 0 : i32
          %dma_start3A_126 = arith.constant 0 : i32
          %dma_start3A_127 = tpu.memref_slice %arg7[%dma_start3A_125, %dma_start3A_126] : memref<10240x128xf32, #tpu.memory_space<vmem_shared>> -> memref<10240x128xf32, #tpu.memory_space<vmem_shared>>
          tpu.enqueue_indirect_dma source(%arg11 : memref<128x128xf32, #tpu.memory_space<vmem>>) target(%dma_start3A_127 : memref<10240x128xf32, #tpu.memory_space<vmem_shared>>) offsets(%arg9 : memref<128xi32, #tpu.memory_space<vmem>>) semaphore(%run_scoped3A : memref<!tpu.dma_semaphore, #tpu.memory_space<semaphore_mem>>) {add = true}
          %dma_wait3A_128 = arith.constant 0 : i32
          %dma_wait3A_129 = arith.constant 0 : i32
          %dma_wait3A_130 = tpu.memref_slice %arg7[%dma_wait3A_128, %dma_wait3A_129] : memref<10240x128xf32, #tpu.memory_space<vmem_shared>> -> memref<10240x128xf32, #tpu.memory_space<vmem_shared>>
          tpu.wait_indirect_dma semaphore(%run_scoped3A : memref<!tpu.dma_semaphore, #tpu.memory_space<semaphore_mem>>) src(%arg11 : memref<128x128xf32, #tpu.memory_space<vmem>>) dst(%dma_wait3A_130 : memref<10240x128xf32, #tpu.memory_space<vmem_shared>>)
          tpu.yield
        }) : () -> ()
        %lt3A = arith.constant 59 : i32
        %lt3A_90 = arith.cmpi slt, %add3A_58, %lt3A : i32
        %convert_element_type3A_91 = arith.extui %lt3A_90 : i1 to i32
        %cond3A_92 = arith.constant 0 : i32
        %cond3A_93 = arith.cmpi ne, %convert_element_type3A_91, %cond3A_92 : i32
        scf.if %cond3A_93 {
          %add3A_125 = arith.constant 0 : i32
          %add3A_126 = arith.addi %add3A_125, %mul3A_60 : i32
          %add3A_127 = arith.constant 2 : i32
          %add3A_128 = arith.addi %add3A_126, %add3A_127 : i32
          %dma_start3A_129 = arith.constant 0 : i32
          %dma_start3A_130 = arith.constant 0 : i32
          %dma_start3A_131 = tpu.memref_slice %arg4[%arg1, %dma_start3A_129, %dma_start3A_130] : memref<16x160x128xi32, #tpu.memory_space<hbm>> -> memref<1x160x128xi32, #tpu.memory_space<hbm>>
          %dma_start3A_132 = tpu.memref_squeeze %dma_start3A_131 : memref<1x160x128xi32, #tpu.memory_space<hbm>> -> memref<160x128xi32, #tpu.memory_space<hbm>>
          %dma_start3A_133 = arith.constant 0 : i32
          %dma_start3A_134 = tpu.memref_slice %dma_start3A_132[%add3A_128, %dma_start3A_133] : memref<160x128xi32, #tpu.memory_space<hbm>> -> memref<1x128xi32, #tpu.memory_space<hbm>>
          %dma_start3A_135 = tpu.memref_squeeze %dma_start3A_134 : memref<1x128xi32, #tpu.memory_space<hbm>> -> memref<128xi32, #tpu.memory_space<hbm>>
          %dma_start3A_136 = arith.constant 0 : i32
          %dma_start3A_137 = arith.constant 0 : i32
          %dma_start3A_138 = tpu.memref_slice %arg4[%arg1, %dma_start3A_136, %dma_start3A_137] : memref<16x160x128xi32, #tpu.memory_space<hbm>> -> memref<1x160x128xi32, #tpu.memory_space<hbm>>
          %dma_start3A_139 = tpu.memref_squeeze %dma_start3A_138 : memref<1x160x128xi32, #tpu.memory_space<hbm>> -> memref<160x128xi32, #tpu.memory_space<hbm>>
          %dma_start3A_140 = arith.constant 0 : i32
          %dma_start3A_141 = tpu.memref_slice %dma_start3A_139[%add3A_128, %dma_start3A_140] : memref<160x128xi32, #tpu.memory_space<hbm>> -> memref<1x128xi32, #tpu.memory_space<hbm>>
          %dma_start3A_142 = tpu.memref_squeeze %dma_start3A_141 : memref<1x128xi32, #tpu.memory_space<hbm>> -> memref<128xi32, #tpu.memory_space<hbm>>
          tpu.enqueue_dma source(%dma_start3A_142 : memref<128xi32, #tpu.memory_space<hbm>>) target(%arg9 : memref<128xi32, #tpu.memory_space<vmem>>) target_semaphore(%arg15 : memref<!tpu.dma_semaphore, #tpu.memory_space<semaphore_mem>>)
          %add3A_143 = arith.constant 2 : i32
          %add3A_144 = arith.addi %mul3A_60, %add3A_143 : i32
          %dma_start3A_145 = arith.constant 0 : i32
          %dma_start3A_146 = tpu.memref_slice %arg8[%add3A_144, %dma_start3A_145] : memref<120x128xi32, #tpu.memory_space<vmem>> -> memref<1x128xi32, #tpu.memory_space<vmem>>
          %dma_start3A_147 = tpu.memref_squeeze %dma_start3A_146 : memref<1x128xi32, #tpu.memory_space<vmem>> -> memref<128xi32, #tpu.memory_space<vmem>>
          %dma_start3A_148 = arith.constant 0 : i32
          %dma_start3A_149 = arith.constant 0 : i32
          %dma_start3A_150 = tpu.memref_slice %arg2[%dma_start3A_148, %dma_start3A_149] : memref<10240x128xf32, #tpu.memory_space<hbm>> -> memref<10240x128xf32, #tpu.memory_space<hbm>>
          tpu.enqueue_indirect_dma source(%dma_start3A_150 : memref<10240x128xf32, #tpu.memory_space<hbm>>) target(%arg11 : memref<128x128xf32, #tpu.memory_space<vmem>>) offsets(%dma_start3A_147 : memref<128xi32, #tpu.memory_space<vmem>>) semaphore(%arg13 : memref<!tpu.dma_semaphore, #tpu.memory_space<semaphore_mem>>)
        } else {
        }
        %add3A_94 = arith.constant 1 : i32
        %add3A_95 = arith.addi %mul3A_60, %add3A_94 : i32
        %dma_wait3A_96 = arith.constant 0 : i32
        %dma_wait3A_97 = tpu.memref_slice %arg8[%add3A_95, %dma_wait3A_96] : memref<120x128xi32, #tpu.memory_space<vmem>> -> memref<1x128xi32, #tpu.memory_space<vmem>>
        %dma_wait3A_98 = tpu.memref_squeeze %dma_wait3A_97 : memref<1x128xi32, #tpu.memory_space<vmem>> -> memref<128xi32, #tpu.memory_space<vmem>>
        %dma_wait3A_99 = arith.constant 0 : i32
        %dma_wait3A_100 = arith.constant 0 : i32
        %dma_wait3A_101 = tpu.memref_slice %arg2[%dma_wait3A_99, %dma_wait3A_100] : memref<10240x128xf32, #tpu.memory_space<hbm>> -> memref<10240x128xf32, #tpu.memory_space<hbm>>
        tpu.wait_indirect_dma semaphore(%arg14 : memref<!tpu.dma_semaphore, #tpu.memory_space<semaphore_mem>>) src(%dma_wait3A_101 : memref<10240x128xf32, #tpu.memory_space<hbm>>) dst(%arg12 : memref<128x128xf32, #tpu.memory_space<vmem>>)
        %add3A_102 = arith.constant 0 : i32
        %add3A_103 = arith.addi %add3A_102, %mul3A_60 : i32
        %add3A_104 = arith.constant 1 : i32
        %add3A_105 = arith.addi %add3A_103, %add3A_104 : i32
        %dma_wait3A_106 = arith.constant 0 : i32
        %dma_wait3A_107 = arith.constant 0 : i32
        %dma_wait3A_108 = tpu.memref_slice %arg4[%arg1, %dma_wait3A_106, %dma_wait3A_107] : memref<16x160x128xi32, #tpu.memory_space<hbm>> -> memref<1x160x128xi32, #tpu.memory_space<hbm>>
        %dma_wait3A_109 = tpu.memref_squeeze %dma_wait3A_108 : memref<1x160x128xi32, #tpu.memory_space<hbm>> -> memref<160x128xi32, #tpu.memory_space<hbm>>
        %dma_wait3A_110 = arith.constant 0 : i32
        %dma_wait3A_111 = tpu.memref_slice %dma_wait3A_109[%add3A_105, %dma_wait3A_110] : memref<160x128xi32, #tpu.memory_space<hbm>> -> memref<1x128xi32, #tpu.memory_space<hbm>>
        %dma_wait3A_112 = tpu.memref_squeeze %dma_wait3A_111 : memref<1x128xi32, #tpu.memory_space<hbm>> -> memref<128xi32, #tpu.memory_space<hbm>>
        %dma_wait3A_113 = arith.constant 0 : i32
        %dma_wait3A_114 = arith.constant 0 : i32
        %dma_wait3A_115 = tpu.memref_slice %arg4[%arg1, %dma_wait3A_113, %dma_wait3A_114] : memref<16x160x128xi32, #tpu.memory_space<hbm>> -> memref<1x160x128xi32, #tpu.memory_space<hbm>>
        %dma_wait3A_116 = tpu.memref_squeeze %dma_wait3A_115 : memref<1x160x128xi32, #tpu.memory_space<hbm>> -> memref<160x128xi32, #tpu.memory_space<hbm>>
        %dma_wait3A_117 = arith.constant 0 : i32
        %dma_wait3A_118 = tpu.memref_slice %dma_wait3A_116[%add3A_105, %dma_wait3A_117] : memref<160x128xi32, #tpu.memory_space<hbm>> -> memref<1x128xi32, #tpu.memory_space<hbm>>
        %dma_wait3A_119 = tpu.memref_squeeze %dma_wait3A_118 : memref<1x128xi32, #tpu.memory_space<hbm>> -> memref<128xi32, #tpu.memory_space<hbm>>
        tpu.wait_dma2 semaphore(%arg16 : memref<!tpu.dma_semaphore, #tpu.memory_space<semaphore_mem>>) src(%dma_wait3A_119 : memref<128xi32, #tpu.memory_space<hbm>>) dst(%arg10 : memref<128xi32, #tpu.memory_space<vmem>>)
        "tpu.region"() ({
          %run_scoped3A = tpu.sem_alloc : memref<!tpu.dma_semaphore, #tpu.memory_space<semaphore_mem>>
          %dma_start3A_125 = arith.constant 0 : i32
          %dma_start3A_126 = arith.constant 0 : i32
          %dma_start3A_127 = tpu.memref_slice %arg7[%dma_start3A_125, %dma_start3A_126] : memref<10240x128xf32, #tpu.memory_space<vmem_shared>> -> memref<10240x128xf32, #tpu.memory_space<vmem_shared>>
          tpu.enqueue_indirect_dma source(%arg12 : memref<128x128xf32, #tpu.memory_space<vmem>>) target(%dma_start3A_127 : memref<10240x128xf32, #tpu.memory_space<vmem_shared>>) offsets(%arg10 : memref<128xi32, #tpu.memory_space<vmem>>) semaphore(%run_scoped3A : memref<!tpu.dma_semaphore, #tpu.memory_space<semaphore_mem>>) {add = true}
          %dma_wait3A_128 = arith.constant 0 : i32
          %dma_wait3A_129 = arith.constant 0 : i32
          %dma_wait3A_130 = tpu.memref_slice %arg7[%dma_wait3A_128, %dma_wait3A_129] : memref<10240x128xf32, #tpu.memory_space<vmem_shared>> -> memref<10240x128xf32, #tpu.memory_space<vmem_shared>>
          tpu.wait_indirect_dma semaphore(%run_scoped3A : memref<!tpu.dma_semaphore, #tpu.memory_space<semaphore_mem>>) src(%arg12 : memref<128x128xf32, #tpu.memory_space<vmem>>) dst(%dma_wait3A_130 : memref<10240x128xf32, #tpu.memory_space<vmem_shared>>)
          tpu.yield
        }) : () -> ()
        %lt3A_120 = arith.constant 59 : i32
        %lt3A_121 = arith.cmpi slt, %add3A_58, %lt3A_120 : i32
        %convert_element_type3A_122 = arith.extui %lt3A_121 : i1 to i32
        %cond3A_123 = arith.constant 0 : i32
        %cond3A_124 = arith.cmpi ne, %convert_element_type3A_122, %cond3A_123 : i32
        scf.if %cond3A_124 {
          %add3A_125 = arith.constant 0 : i32
          %add3A_126 = arith.addi %add3A_125, %mul3A_60 : i32
          %add3A_127 = arith.constant 3 : i32
          %add3A_128 = arith.addi %add3A_126, %add3A_127 : i32
          %dma_start3A_129 = arith.constant 0 : i32
          %dma_start3A_130 = arith.constant 0 : i32
          %dma_start3A_131 = tpu.memref_slice %arg4[%arg1, %dma_start3A_129, %dma_start3A_130] : memref<16x160x128xi32, #tpu.memory_space<hbm>> -> memref<1x160x128xi32, #tpu.memory_space<hbm>>
          %dma_start3A_132 = tpu.memref_squeeze %dma_start3A_131 : memref<1x160x128xi32, #tpu.memory_space<hbm>> -> memref<160x128xi32, #tpu.memory_space<hbm>>
          %dma_start3A_133 = arith.constant 0 : i32
          %dma_start3A_134 = tpu.memref_slice %dma_start3A_132[%add3A_128, %dma_start3A_133] : memref<160x128xi32, #tpu.memory_space<hbm>> -> memref<1x128xi32, #tpu.memory_space<hbm>>
          %dma_start3A_135 = tpu.memref_squeeze %dma_start3A_134 : memref<1x128xi32, #tpu.memory_space<hbm>> -> memref<128xi32, #tpu.memory_space<hbm>>
          %dma_start3A_136 = arith.constant 0 : i32
          %dma_start3A_137 = arith.constant 0 : i32
          %dma_start3A_138 = tpu.memref_slice %arg4[%arg1, %dma_start3A_136, %dma_start3A_137] : memref<16x160x128xi32, #tpu.memory_space<hbm>> -> memref<1x160x128xi32, #tpu.memory_space<hbm>>
          %dma_start3A_139 = tpu.memref_squeeze %dma_start3A_138 : memref<1x160x128xi32, #tpu.memory_space<hbm>> -> memref<160x128xi32, #tpu.memory_space<hbm>>
          %dma_start3A_140 = arith.constant 0 : i32
          %dma_start3A_141 = tpu.memref_slice %dma_start3A_139[%add3A_128, %dma_start3A_140] : memref<160x128xi32, #tpu.memory_space<hbm>> -> memref<1x128xi32, #tpu.memory_space<hbm>>
          %dma_start3A_142 = tpu.memref_squeeze %dma_start3A_141 : memref<1x128xi32, #tpu.memory_space<hbm>> -> memref<128xi32, #tpu.memory_space<hbm>>
          tpu.enqueue_dma source(%dma_start3A_142 : memref<128xi32, #tpu.memory_space<hbm>>) target(%arg10 : memref<128xi32, #tpu.memory_space<vmem>>) target_semaphore(%arg16 : memref<!tpu.dma_semaphore, #tpu.memory_space<semaphore_mem>>)
        } else {
        }
      }
      %scan3A_54 = arith.constant 60 : i32
    } else {
    }
    %eq3A_2 = arith.constant 1 : i32
    %eq3A_3 = arith.cmpi eq, %arg0, %eq3A_2 : i32
    %convert_element_type3A_4 = arith.extui %eq3A_3 : i1 to i32
    %cond3A_5 = arith.constant 0 : i32
    %cond3A_6 = arith.cmpi ne, %convert_element_type3A_4, %cond3A_5 : i32
    scf.if %cond3A_6 {
      "tpu.region"() ({
        %run_scoped3A = tpu.sem_alloc : memref<!tpu.dma_semaphore, #tpu.memory_space<semaphore_mem>>
        %dma_start3A_55 = arith.constant 0 : i32
        %dma_start3A_56 = arith.constant 0 : i32
        %dma_start3A_57 = tpu.memref_slice %arg8[%dma_start3A_55, %dma_start3A_56] : memref<120x128xi32, #tpu.memory_space<vmem>> -> memref<40x128xi32, #tpu.memory_space<vmem>>
        %dma_start3A_58 = arith.constant 0 : i32
        %dma_start3A_59 = arith.constant 0 : i32
        %dma_start3A_60 = tpu.memref_slice %arg3[%arg1, %dma_start3A_58, %dma_start3A_59] : memref<16x160x128xi32, #tpu.memory_space<hbm>> -> memref<1x160x128xi32, #tpu.memory_space<hbm>>
        %dma_start3A_61 = tpu.memref_squeeze %dma_start3A_60 : memref<1x160x128xi32, #tpu.memory_space<hbm>> -> memref<160x128xi32, #tpu.memory_space<hbm>>
        %dma_start3A_62 = arith.constant 120 : i32
        %dma_start3A_63 = arith.constant 0 : i32
        %dma_start3A_64 = tpu.memref_slice %dma_start3A_61[%dma_start3A_62, %dma_start3A_63] : memref<160x128xi32, #tpu.memory_space<hbm>> -> memref<40x128xi32, #tpu.memory_space<hbm>>
        %dma_start3A_65 = arith.constant 0 : i32
        %dma_start3A_66 = arith.constant 0 : i32
        %dma_start3A_67 = tpu.memref_slice %arg8[%dma_start3A_65, %dma_start3A_66] : memref<120x128xi32, #tpu.memory_space<vmem>> -> memref<40x128xi32, #tpu.memory_space<vmem>>
        %dma_start3A_68 = arith.constant 0 : i32
        %dma_start3A_69 = arith.constant 0 : i32
        %dma_start3A_70 = tpu.memref_slice %arg3[%arg1, %dma_start3A_68, %dma_start3A_69] : memref<16x160x128xi32, #tpu.memory_space<hbm>> -> memref<1x160x128xi32, #tpu.memory_space<hbm>>
        %dma_start3A_71 = tpu.memref_squeeze %dma_start3A_70 : memref<1x160x128xi32, #tpu.memory_space<hbm>> -> memref<160x128xi32, #tpu.memory_space<hbm>>
        %dma_start3A_72 = arith.constant 120 : i32
        %dma_start3A_73 = arith.constant 0 : i32
        %dma_start3A_74 = tpu.memref_slice %dma_start3A_71[%dma_start3A_72, %dma_start3A_73] : memref<160x128xi32, #tpu.memory_space<hbm>> -> memref<40x128xi32, #tpu.memory_space<hbm>>
        tpu.enqueue_dma source(%dma_start3A_74 : memref<40x128xi32, #tpu.memory_space<hbm>>) target(%dma_start3A_67 : memref<40x128xi32, #tpu.memory_space<vmem>>) target_semaphore(%run_scoped3A : memref<!tpu.dma_semaphore, #tpu.memory_space<semaphore_mem>>)
        %dma_wait3A = arith.constant 0 : i32
        %dma_wait3A_75 = arith.constant 0 : i32
        %dma_wait3A_76 = tpu.memref_slice %arg8[%dma_wait3A, %dma_wait3A_75] : memref<120x128xi32, #tpu.memory_space<vmem>> -> memref<40x128xi32, #tpu.memory_space<vmem>>
        %dma_wait3A_77 = arith.constant 0 : i32
        %dma_wait3A_78 = arith.constant 0 : i32
        %dma_wait3A_79 = tpu.memref_slice %arg3[%arg1, %dma_wait3A_77, %dma_wait3A_78] : memref<16x160x128xi32, #tpu.memory_space<hbm>> -> memref<1x160x128xi32, #tpu.memory_space<hbm>>
        %dma_wait3A_80 = tpu.memref_squeeze %dma_wait3A_79 : memref<1x160x128xi32, #tpu.memory_space<hbm>> -> memref<160x128xi32, #tpu.memory_space<hbm>>
        %dma_wait3A_81 = arith.constant 120 : i32
        %dma_wait3A_82 = arith.constant 0 : i32
        %dma_wait3A_83 = tpu.memref_slice %dma_wait3A_80[%dma_wait3A_81, %dma_wait3A_82] : memref<160x128xi32, #tpu.memory_space<hbm>> -> memref<40x128xi32, #tpu.memory_space<hbm>>
        %dma_wait3A_84 = arith.constant 0 : i32
        %dma_wait3A_85 = arith.constant 0 : i32
        %dma_wait3A_86 = tpu.memref_slice %arg8[%dma_wait3A_84, %dma_wait3A_85] : memref<120x128xi32, #tpu.memory_space<vmem>> -> memref<40x128xi32, #tpu.memory_space<vmem>>
        %dma_wait3A_87 = arith.constant 0 : i32
        %dma_wait3A_88 = arith.constant 0 : i32
        %dma_wait3A_89 = tpu.memref_slice %arg3[%arg1, %dma_wait3A_87, %dma_wait3A_88] : memref<16x160x128xi32, #tpu.memory_space<hbm>> -> memref<1x160x128xi32, #tpu.memory_space<hbm>>
        %dma_wait3A_90 = tpu.memref_squeeze %dma_wait3A_89 : memref<1x160x128xi32, #tpu.memory_space<hbm>> -> memref<160x128xi32, #tpu.memory_space<hbm>>
        %dma_wait3A_91 = arith.constant 120 : i32
        %dma_wait3A_92 = arith.constant 0 : i32
        %dma_wait3A_93 = tpu.memref_slice %dma_wait3A_90[%dma_wait3A_91, %dma_wait3A_92] : memref<160x128xi32, #tpu.memory_space<hbm>> -> memref<40x128xi32, #tpu.memory_space<hbm>>
        tpu.wait_dma2 semaphore(%run_scoped3A : memref<!tpu.dma_semaphore, #tpu.memory_space<semaphore_mem>>) src(%dma_wait3A_93 : memref<40x128xi32, #tpu.memory_space<hbm>>) dst(%dma_wait3A_86 : memref<40x128xi32, #tpu.memory_space<vmem>>)
        tpu.yield
      }) : () -> ()
      %dma_start3A = arith.constant 120 : i32
      %dma_start3A_10 = arith.constant 0 : i32
      %dma_start3A_11 = arith.constant 0 : i32
      %dma_start3A_12 = tpu.memref_slice %arg4[%arg1, %dma_start3A_10, %dma_start3A_11] : memref<16x160x128xi32, #tpu.memory_space<hbm>> -> memref<1x160x128xi32, #tpu.memory_space<hbm>>
      %dma_start3A_13 = tpu.memref_squeeze %dma_start3A_12 : memref<1x160x128xi32, #tpu.memory_space<hbm>> -> memref<160x128xi32, #tpu.memory_space<hbm>>
      %dma_start3A_14 = arith.constant 0 : i32
      %dma_start3A_15 = tpu.memref_slice %dma_start3A_13[%dma_start3A, %dma_start3A_14] : memref<160x128xi32, #tpu.memory_space<hbm>> -> memref<1x128xi32, #tpu.memory_space<hbm>>
      %dma_start3A_16 = tpu.memref_squeeze %dma_start3A_15 : memref<1x128xi32, #tpu.memory_space<hbm>> -> memref<128xi32, #tpu.memory_space<hbm>>
      %dma_start3A_17 = arith.constant 0 : i32
      %dma_start3A_18 = arith.constant 0 : i32
      %dma_start3A_19 = tpu.memref_slice %arg4[%arg1, %dma_start3A_17, %dma_start3A_18] : memref<16x160x128xi32, #tpu.memory_space<hbm>> -> memref<1x160x128xi32, #tpu.memory_space<hbm>>
      %dma_start3A_20 = tpu.memref_squeeze %dma_start3A_19 : memref<1x160x128xi32, #tpu.memory_space<hbm>> -> memref<160x128xi32, #tpu.memory_space<hbm>>
      %dma_start3A_21 = arith.constant 0 : i32
      %dma_start3A_22 = tpu.memref_slice %dma_start3A_20[%dma_start3A, %dma_start3A_21] : memref<160x128xi32, #tpu.memory_space<hbm>> -> memref<1x128xi32, #tpu.memory_space<hbm>>
      %dma_start3A_23 = tpu.memref_squeeze %dma_start3A_22 : memref<1x128xi32, #tpu.memory_space<hbm>> -> memref<128xi32, #tpu.memory_space<hbm>>
      tpu.enqueue_dma source(%dma_start3A_23 : memref<128xi32, #tpu.memory_space<hbm>>) target(%arg9 : memref<128xi32, #tpu.memory_space<vmem>>) target_semaphore(%arg15 : memref<!tpu.dma_semaphore, #tpu.memory_space<semaphore_mem>>)
      %dma_start3A_24 = arith.constant 121 : i32
      %dma_start3A_25 = arith.constant 0 : i32
      %dma_start3A_26 = arith.constant 0 : i32
      %dma_start3A_27 = tpu.memref_slice %arg4[%arg1, %dma_start3A_25, %dma_start3A_26] : memref<16x160x128xi32, #tpu.memory_space<hbm>> -> memref<1x160x128xi32, #tpu.memory_space<hbm>>
      %dma_start3A_28 = tpu.memref_squeeze %dma_start3A_27 : memref<1x160x128xi32, #tpu.memory_space<hbm>> -> memref<160x128xi32, #tpu.memory_space<hbm>>
      %dma_start3A_29 = arith.constant 0 : i32
      %dma_start3A_30 = tpu.memref_slice %dma_start3A_28[%dma_start3A_24, %dma_start3A_29] : memref<160x128xi32, #tpu.memory_space<hbm>> -> memref<1x128xi32, #tpu.memory_space<hbm>>
      %dma_start3A_31 = tpu.memref_squeeze %dma_start3A_30 : memref<1x128xi32, #tpu.memory_space<hbm>> -> memref<128xi32, #tpu.memory_space<hbm>>
      %dma_start3A_32 = arith.constant 0 : i32
      %dma_start3A_33 = arith.constant 0 : i32
      %dma_start3A_34 = tpu.memref_slice %arg4[%arg1, %dma_start3A_32, %dma_start3A_33] : memref<16x160x128xi32, #tpu.memory_space<hbm>> -> memref<1x160x128xi32, #tpu.memory_space<hbm>>
      %dma_start3A_35 = tpu.memref_squeeze %dma_start3A_34 : memref<1x160x128xi32, #tpu.memory_space<hbm>> -> memref<160x128xi32, #tpu.memory_space<hbm>>
      %dma_start3A_36 = arith.constant 0 : i32
      %dma_start3A_37 = tpu.memref_slice %dma_start3A_35[%dma_start3A_24, %dma_start3A_36] : memref<160x128xi32, #tpu.memory_space<hbm>> -> memref<1x128xi32, #tpu.memory_space<hbm>>
      %dma_start3A_38 = tpu.memref_squeeze %dma_start3A_37 : memref<1x128xi32, #tpu.memory_space<hbm>> -> memref<128xi32, #tpu.memory_space<hbm>>
      tpu.enqueue_dma source(%dma_start3A_38 : memref<128xi32, #tpu.memory_space<hbm>>) target(%arg10 : memref<128xi32, #tpu.memory_space<vmem>>) target_semaphore(%arg16 : memref<!tpu.dma_semaphore, #tpu.memory_space<semaphore_mem>>)
      %mul3A_39 = arith.constant 640 : i32
      %mul3A_40 = arith.muli %arg1, %mul3A_39 : i32
      %mul3A_41 = arith.constant 640 : i32
      %mul3A_42 = arith.muli %arg1, %mul3A_41 : i32
      "tpu.region"() ({
        %run_scoped3A = tpu.sem_alloc : memref<!tpu.dma_semaphore, #tpu.memory_space<semaphore_mem>>
        %dma_start3A_55 = arith.constant 0 : i32
        %dma_start3A_56 = tpu.memref_slice %arg7[%mul3A_42, %dma_start3A_55] : memref<10240x128xf32, #tpu.memory_space<vmem_shared>> -> memref<640x128xf32, #tpu.memory_space<vmem_shared>>
        %dma_start3A_57 = arith.constant 0 : i32
        %dma_start3A_58 = tpu.memref_slice %arg5[%mul3A_40, %dma_start3A_57] : memref<10240x128xf32, #tpu.memory_space<hbm>> -> memref<640x128xf32, #tpu.memory_space<hbm>>
        tpu.enqueue_dma source(%dma_start3A_58 : memref<640x128xf32, #tpu.memory_space<hbm>>) target(%dma_start3A_56 : memref<640x128xf32, #tpu.memory_space<vmem_shared>>) target_semaphore(%run_scoped3A : memref<!tpu.dma_semaphore, #tpu.memory_space<semaphore_mem>>)
        %dma_wait3A = arith.constant 0 : i32
        %dma_wait3A_59 = tpu.memref_slice %arg7[%mul3A_42, %dma_wait3A] : memref<10240x128xf32, #tpu.memory_space<vmem_shared>> -> memref<640x128xf32, #tpu.memory_space<vmem_shared>>
        %dma_wait3A_60 = arith.constant 0 : i32
        %dma_wait3A_61 = tpu.memref_slice %arg5[%mul3A_40, %dma_wait3A_60] : memref<10240x128xf32, #tpu.memory_space<hbm>> -> memref<640x128xf32, #tpu.memory_space<hbm>>
        tpu.wait_dma2 semaphore(%run_scoped3A : memref<!tpu.dma_semaphore, #tpu.memory_space<semaphore_mem>>) src(%dma_wait3A_61 : memref<640x128xf32, #tpu.memory_space<hbm>>) dst(%dma_wait3A_59 : memref<640x128xf32, #tpu.memory_space<vmem_shared>>)
        tpu.yield
      }) : () -> ()
      %barrier3A_43 = arith.constant 0 : index
      tpu.barrier barrier_id(%barrier3A_43)
      %dma_start3A_44 = arith.constant 0 : i32
      %dma_start3A_45 = arith.constant 0 : i32
      %dma_start3A_46 = tpu.memref_slice %arg8[%dma_start3A_44, %dma_start3A_45] : memref<120x128xi32, #tpu.memory_space<vmem>> -> memref<1x128xi32, #tpu.memory_space<vmem>>
      %dma_start3A_47 = tpu.memref_squeeze %dma_start3A_46 : memref<1x128xi32, #tpu.memory_space<vmem>> -> memref<128xi32, #tpu.memory_space<vmem>>
      %dma_start3A_48 = arith.constant 0 : i32
      %dma_start3A_49 = arith.constant 0 : i32
      %dma_start3A_50 = tpu.memref_slice %arg2[%dma_start3A_48, %dma_start3A_49] : memref<10240x128xf32, #tpu.memory_space<hbm>> -> memref<10240x128xf32, #tpu.memory_space<hbm>>
      tpu.enqueue_indirect_dma source(%dma_start3A_50 : memref<10240x128xf32, #tpu.memory_space<hbm>>) target(%arg11 : memref<128x128xf32, #tpu.memory_space<vmem>>) offsets(%dma_start3A_47 : memref<128xi32, #tpu.memory_space<vmem>>) semaphore(%arg13 : memref<!tpu.dma_semaphore, #tpu.memory_space<semaphore_mem>>)
      %scan3A = arith.constant 0 : i32
      %scan3A_51 = arith.constant 20 : i32
      %scan3A_52 = arith.addi %scan3A, %scan3A_51 : i32
      %scan3A_53 = arith.constant 1 : i32
      scf.for %scan3A_55 = %scan3A to %scan3A_52 step %scan3A_53  : i32 {
        %mul3A_56 = arith.constant 1 : i32
        %mul3A_57 = arith.muli %scan3A_55, %mul3A_56 : i32
        %add3A = arith.constant 0 : i32
        %add3A_58 = arith.addi %add3A, %mul3A_57 : i32
        %mul3A_59 = arith.constant 2 : i32
        %mul3A_60 = arith.muli %add3A_58, %mul3A_59 : i32
        %add3A_61 = arith.constant 1 : i32
        %add3A_62 = arith.addi %mul3A_60, %add3A_61 : i32
        %dma_start3A_63 = arith.constant 0 : i32
        %dma_start3A_64 = tpu.memref_slice %arg8[%add3A_62, %dma_start3A_63] : memref<120x128xi32, #tpu.memory_space<vmem>> -> memref<1x128xi32, #tpu.memory_space<vmem>>
        %dma_start3A_65 = tpu.memref_squeeze %dma_start3A_64 : memref<1x128xi32, #tpu.memory_space<vmem>> -> memref<128xi32, #tpu.memory_space<vmem>>
        %dma_start3A_66 = arith.constant 0 : i32
        %dma_start3A_67 = arith.constant 0 : i32
        %dma_start3A_68 = tpu.memref_slice %arg2[%dma_start3A_66, %dma_start3A_67] : memref<10240x128xf32, #tpu.memory_space<hbm>> -> memref<10240x128xf32, #tpu.memory_space<hbm>>
        tpu.enqueue_indirect_dma source(%dma_start3A_68 : memref<10240x128xf32, #tpu.memory_space<hbm>>) target(%arg12 : memref<128x128xf32, #tpu.memory_space<vmem>>) offsets(%dma_start3A_65 : memref<128xi32, #tpu.memory_space<vmem>>) semaphore(%arg14 : memref<!tpu.dma_semaphore, #tpu.memory_space<semaphore_mem>>)
        %dma_wait3A = arith.constant 0 : i32
        %dma_wait3A_69 = tpu.memref_slice %arg8[%mul3A_60, %dma_wait3A] : memref<120x128xi32, #tpu.memory_space<vmem>> -> memref<1x128xi32, #tpu.memory_space<vmem>>
        %dma_wait3A_70 = tpu.memref_squeeze %dma_wait3A_69 : memref<1x128xi32, #tpu.memory_space<vmem>> -> memref<128xi32, #tpu.memory_space<vmem>>
        %dma_wait3A_71 = arith.constant 0 : i32
        %dma_wait3A_72 = arith.constant 0 : i32
        %dma_wait3A_73 = tpu.memref_slice %arg2[%dma_wait3A_71, %dma_wait3A_72] : memref<10240x128xf32, #tpu.memory_space<hbm>> -> memref<10240x128xf32, #tpu.memory_space<hbm>>
        tpu.wait_indirect_dma semaphore(%arg13 : memref<!tpu.dma_semaphore, #tpu.memory_space<semaphore_mem>>) src(%dma_wait3A_73 : memref<10240x128xf32, #tpu.memory_space<hbm>>) dst(%arg11 : memref<128x128xf32, #tpu.memory_space<vmem>>)
        %add3A_74 = arith.constant 120 : i32
        %add3A_75 = arith.addi %add3A_74, %mul3A_60 : i32
        %dma_wait3A_76 = arith.constant 0 : i32
        %dma_wait3A_77 = arith.constant 0 : i32
        %dma_wait3A_78 = tpu.memref_slice %arg4[%arg1, %dma_wait3A_76, %dma_wait3A_77] : memref<16x160x128xi32, #tpu.memory_space<hbm>> -> memref<1x160x128xi32, #tpu.memory_space<hbm>>
        %dma_wait3A_79 = tpu.memref_squeeze %dma_wait3A_78 : memref<1x160x128xi32, #tpu.memory_space<hbm>> -> memref<160x128xi32, #tpu.memory_space<hbm>>
        %dma_wait3A_80 = arith.constant 0 : i32
        %dma_wait3A_81 = tpu.memref_slice %dma_wait3A_79[%add3A_75, %dma_wait3A_80] : memref<160x128xi32, #tpu.memory_space<hbm>> -> memref<1x128xi32, #tpu.memory_space<hbm>>
        %dma_wait3A_82 = tpu.memref_squeeze %dma_wait3A_81 : memref<1x128xi32, #tpu.memory_space<hbm>> -> memref<128xi32, #tpu.memory_space<hbm>>
        %dma_wait3A_83 = arith.constant 0 : i32
        %dma_wait3A_84 = arith.constant 0 : i32
        %dma_wait3A_85 = tpu.memref_slice %arg4[%arg1, %dma_wait3A_83, %dma_wait3A_84] : memref<16x160x128xi32, #tpu.memory_space<hbm>> -> memref<1x160x128xi32, #tpu.memory_space<hbm>>
        %dma_wait3A_86 = tpu.memref_squeeze %dma_wait3A_85 : memref<1x160x128xi32, #tpu.memory_space<hbm>> -> memref<160x128xi32, #tpu.memory_space<hbm>>
        %dma_wait3A_87 = arith.constant 0 : i32
        %dma_wait3A_88 = tpu.memref_slice %dma_wait3A_86[%add3A_75, %dma_wait3A_87] : memref<160x128xi32, #tpu.memory_space<hbm>> -> memref<1x128xi32, #tpu.memory_space<hbm>>
        %dma_wait3A_89 = tpu.memref_squeeze %dma_wait3A_88 : memref<1x128xi32, #tpu.memory_space<hbm>> -> memref<128xi32, #tpu.memory_space<hbm>>
        tpu.wait_dma2 semaphore(%arg15 : memref<!tpu.dma_semaphore, #tpu.memory_space<semaphore_mem>>) src(%dma_wait3A_89 : memref<128xi32, #tpu.memory_space<hbm>>) dst(%arg9 : memref<128xi32, #tpu.memory_space<vmem>>)
        "tpu.region"() ({
          %run_scoped3A = tpu.sem_alloc : memref<!tpu.dma_semaphore, #tpu.memory_space<semaphore_mem>>
          %dma_start3A_125 = arith.constant 0 : i32
          %dma_start3A_126 = arith.constant 0 : i32
          %dma_start3A_127 = tpu.memref_slice %arg7[%dma_start3A_125, %dma_start3A_126] : memref<10240x128xf32, #tpu.memory_space<vmem_shared>> -> memref<10240x128xf32, #tpu.memory_space<vmem_shared>>
          tpu.enqueue_indirect_dma source(%arg11 : memref<128x128xf32, #tpu.memory_space<vmem>>) target(%dma_start3A_127 : memref<10240x128xf32, #tpu.memory_space<vmem_shared>>) offsets(%arg9 : memref<128xi32, #tpu.memory_space<vmem>>) semaphore(%run_scoped3A : memref<!tpu.dma_semaphore, #tpu.memory_space<semaphore_mem>>) {add = true}
          %dma_wait3A_128 = arith.constant 0 : i32
          %dma_wait3A_129 = arith.constant 0 : i32
          %dma_wait3A_130 = tpu.memref_slice %arg7[%dma_wait3A_128, %dma_wait3A_129] : memref<10240x128xf32, #tpu.memory_space<vmem_shared>> -> memref<10240x128xf32, #tpu.memory_space<vmem_shared>>
          tpu.wait_indirect_dma semaphore(%run_scoped3A : memref<!tpu.dma_semaphore, #tpu.memory_space<semaphore_mem>>) src(%arg11 : memref<128x128xf32, #tpu.memory_space<vmem>>) dst(%dma_wait3A_130 : memref<10240x128xf32, #tpu.memory_space<vmem_shared>>)
          tpu.yield
        }) : () -> ()
        %lt3A = arith.constant 19 : i32
        %lt3A_90 = arith.cmpi slt, %add3A_58, %lt3A : i32
        %convert_element_type3A_91 = arith.extui %lt3A_90 : i1 to i32
        %cond3A_92 = arith.constant 0 : i32
        %cond3A_93 = arith.cmpi ne, %convert_element_type3A_91, %cond3A_92 : i32
        scf.if %cond3A_93 {
          %add3A_125 = arith.constant 120 : i32
          %add3A_126 = arith.addi %add3A_125, %mul3A_60 : i32
          %add3A_127 = arith.constant 2 : i32
          %add3A_128 = arith.addi %add3A_126, %add3A_127 : i32
          %dma_start3A_129 = arith.constant 0 : i32
          %dma_start3A_130 = arith.constant 0 : i32
          %dma_start3A_131 = tpu.memref_slice %arg4[%arg1, %dma_start3A_129, %dma_start3A_130] : memref<16x160x128xi32, #tpu.memory_space<hbm>> -> memref<1x160x128xi32, #tpu.memory_space<hbm>>
          %dma_start3A_132 = tpu.memref_squeeze %dma_start3A_131 : memref<1x160x128xi32, #tpu.memory_space<hbm>> -> memref<160x128xi32, #tpu.memory_space<hbm>>
          %dma_start3A_133 = arith.constant 0 : i32
          %dma_start3A_134 = tpu.memref_slice %dma_start3A_132[%add3A_128, %dma_start3A_133] : memref<160x128xi32, #tpu.memory_space<hbm>> -> memref<1x128xi32, #tpu.memory_space<hbm>>
          %dma_start3A_135 = tpu.memref_squeeze %dma_start3A_134 : memref<1x128xi32, #tpu.memory_space<hbm>> -> memref<128xi32, #tpu.memory_space<hbm>>
          %dma_start3A_136 = arith.constant 0 : i32
          %dma_start3A_137 = arith.constant 0 : i32
          %dma_start3A_138 = tpu.memref_slice %arg4[%arg1, %dma_start3A_136, %dma_start3A_137] : memref<16x160x128xi32, #tpu.memory_space<hbm>> -> memref<1x160x128xi32, #tpu.memory_space<hbm>>
          %dma_start3A_139 = tpu.memref_squeeze %dma_start3A_138 : memref<1x160x128xi32, #tpu.memory_space<hbm>> -> memref<160x128xi32, #tpu.memory_space<hbm>>
          %dma_start3A_140 = arith.constant 0 : i32
          %dma_start3A_141 = tpu.memref_slice %dma_start3A_139[%add3A_128, %dma_start3A_140] : memref<160x128xi32, #tpu.memory_space<hbm>> -> memref<1x128xi32, #tpu.memory_space<hbm>>
          %dma_start3A_142 = tpu.memref_squeeze %dma_start3A_141 : memref<1x128xi32, #tpu.memory_space<hbm>> -> memref<128xi32, #tpu.memory_space<hbm>>
          tpu.enqueue_dma source(%dma_start3A_142 : memref<128xi32, #tpu.memory_space<hbm>>) target(%arg9 : memref<128xi32, #tpu.memory_space<vmem>>) target_semaphore(%arg15 : memref<!tpu.dma_semaphore, #tpu.memory_space<semaphore_mem>>)
          %add3A_143 = arith.constant 2 : i32
          %add3A_144 = arith.addi %mul3A_60, %add3A_143 : i32
          %dma_start3A_145 = arith.constant 0 : i32
          %dma_start3A_146 = tpu.memref_slice %arg8[%add3A_144, %dma_start3A_145] : memref<120x128xi32, #tpu.memory_space<vmem>> -> memref<1x128xi32, #tpu.memory_space<vmem>>
          %dma_start3A_147 = tpu.memref_squeeze %dma_start3A_146 : memref<1x128xi32, #tpu.memory_space<vmem>> -> memref<128xi32, #tpu.memory_space<vmem>>
          %dma_start3A_148 = arith.constant 0 : i32
          %dma_start3A_149 = arith.constant 0 : i32
          %dma_start3A_150 = tpu.memref_slice %arg2[%dma_start3A_148, %dma_start3A_149] : memref<10240x128xf32, #tpu.memory_space<hbm>> -> memref<10240x128xf32, #tpu.memory_space<hbm>>
          tpu.enqueue_indirect_dma source(%dma_start3A_150 : memref<10240x128xf32, #tpu.memory_space<hbm>>) target(%arg11 : memref<128x128xf32, #tpu.memory_space<vmem>>) offsets(%dma_start3A_147 : memref<128xi32, #tpu.memory_space<vmem>>) semaphore(%arg13 : memref<!tpu.dma_semaphore, #tpu.memory_space<semaphore_mem>>)
        } else {
        }
        %add3A_94 = arith.constant 1 : i32
        %add3A_95 = arith.addi %mul3A_60, %add3A_94 : i32
        %dma_wait3A_96 = arith.constant 0 : i32
        %dma_wait3A_97 = tpu.memref_slice %arg8[%add3A_95, %dma_wait3A_96] : memref<120x128xi32, #tpu.memory_space<vmem>> -> memref<1x128xi32, #tpu.memory_space<vmem>>
        %dma_wait3A_98 = tpu.memref_squeeze %dma_wait3A_97 : memref<1x128xi32, #tpu.memory_space<vmem>> -> memref<128xi32, #tpu.memory_space<vmem>>
        %dma_wait3A_99 = arith.constant 0 : i32
        %dma_wait3A_100 = arith.constant 0 : i32
        %dma_wait3A_101 = tpu.memref_slice %arg2[%dma_wait3A_99, %dma_wait3A_100] : memref<10240x128xf32, #tpu.memory_space<hbm>> -> memref<10240x128xf32, #tpu.memory_space<hbm>>
        tpu.wait_indirect_dma semaphore(%arg14 : memref<!tpu.dma_semaphore, #tpu.memory_space<semaphore_mem>>) src(%dma_wait3A_101 : memref<10240x128xf32, #tpu.memory_space<hbm>>) dst(%arg12 : memref<128x128xf32, #tpu.memory_space<vmem>>)
        %add3A_102 = arith.constant 120 : i32
        %add3A_103 = arith.addi %add3A_102, %mul3A_60 : i32
        %add3A_104 = arith.constant 1 : i32
        %add3A_105 = arith.addi %add3A_103, %add3A_104 : i32
        %dma_wait3A_106 = arith.constant 0 : i32
        %dma_wait3A_107 = arith.constant 0 : i32
        %dma_wait3A_108 = tpu.memref_slice %arg4[%arg1, %dma_wait3A_106, %dma_wait3A_107] : memref<16x160x128xi32, #tpu.memory_space<hbm>> -> memref<1x160x128xi32, #tpu.memory_space<hbm>>
        %dma_wait3A_109 = tpu.memref_squeeze %dma_wait3A_108 : memref<1x160x128xi32, #tpu.memory_space<hbm>> -> memref<160x128xi32, #tpu.memory_space<hbm>>
        %dma_wait3A_110 = arith.constant 0 : i32
        %dma_wait3A_111 = tpu.memref_slice %dma_wait3A_109[%add3A_105, %dma_wait3A_110] : memref<160x128xi32, #tpu.memory_space<hbm>> -> memref<1x128xi32, #tpu.memory_space<hbm>>
        %dma_wait3A_112 = tpu.memref_squeeze %dma_wait3A_111 : memref<1x128xi32, #tpu.memory_space<hbm>> -> memref<128xi32, #tpu.memory_space<hbm>>
        %dma_wait3A_113 = arith.constant 0 : i32
        %dma_wait3A_114 = arith.constant 0 : i32
        %dma_wait3A_115 = tpu.memref_slice %arg4[%arg1, %dma_wait3A_113, %dma_wait3A_114] : memref<16x160x128xi32, #tpu.memory_space<hbm>> -> memref<1x160x128xi32, #tpu.memory_space<hbm>>
        %dma_wait3A_116 = tpu.memref_squeeze %dma_wait3A_115 : memref<1x160x128xi32, #tpu.memory_space<hbm>> -> memref<160x128xi32, #tpu.memory_space<hbm>>
        %dma_wait3A_117 = arith.constant 0 : i32
        %dma_wait3A_118 = tpu.memref_slice %dma_wait3A_116[%add3A_105, %dma_wait3A_117] : memref<160x128xi32, #tpu.memory_space<hbm>> -> memref<1x128xi32, #tpu.memory_space<hbm>>
        %dma_wait3A_119 = tpu.memref_squeeze %dma_wait3A_118 : memref<1x128xi32, #tpu.memory_space<hbm>> -> memref<128xi32, #tpu.memory_space<hbm>>
        tpu.wait_dma2 semaphore(%arg16 : memref<!tpu.dma_semaphore, #tpu.memory_space<semaphore_mem>>) src(%dma_wait3A_119 : memref<128xi32, #tpu.memory_space<hbm>>) dst(%arg10 : memref<128xi32, #tpu.memory_space<vmem>>)
        "tpu.region"() ({
          %run_scoped3A = tpu.sem_alloc : memref<!tpu.dma_semaphore, #tpu.memory_space<semaphore_mem>>
          %dma_start3A_125 = arith.constant 0 : i32
          %dma_start3A_126 = arith.constant 0 : i32
          %dma_start3A_127 = tpu.memref_slice %arg7[%dma_start3A_125, %dma_start3A_126] : memref<10240x128xf32, #tpu.memory_space<vmem_shared>> -> memref<10240x128xf32, #tpu.memory_space<vmem_shared>>
          tpu.enqueue_indirect_dma source(%arg12 : memref<128x128xf32, #tpu.memory_space<vmem>>) target(%dma_start3A_127 : memref<10240x128xf32, #tpu.memory_space<vmem_shared>>) offsets(%arg10 : memref<128xi32, #tpu.memory_space<vmem>>) semaphore(%run_scoped3A : memref<!tpu.dma_semaphore, #tpu.memory_space<semaphore_mem>>) {add = true}
          %dma_wait3A_128 = arith.constant 0 : i32
          %dma_wait3A_129 = arith.constant 0 : i32
          %dma_wait3A_130 = tpu.memref_slice %arg7[%dma_wait3A_128, %dma_wait3A_129] : memref<10240x128xf32, #tpu.memory_space<vmem_shared>> -> memref<10240x128xf32, #tpu.memory_space<vmem_shared>>
          tpu.wait_indirect_dma semaphore(%run_scoped3A : memref<!tpu.dma_semaphore, #tpu.memory_space<semaphore_mem>>) src(%arg12 : memref<128x128xf32, #tpu.memory_space<vmem>>) dst(%dma_wait3A_130 : memref<10240x128xf32, #tpu.memory_space<vmem_shared>>)
          tpu.yield
        }) : () -> ()
        %lt3A_120 = arith.constant 19 : i32
        %lt3A_121 = arith.cmpi slt, %add3A_58, %lt3A_120 : i32
        %convert_element_type3A_122 = arith.extui %lt3A_121 : i1 to i32
        %cond3A_123 = arith.constant 0 : i32
        %cond3A_124 = arith.cmpi ne, %convert_element_type3A_122, %cond3A_123 : i32
        scf.if %cond3A_124 {
          %add3A_125 = arith.constant 120 : i32
          %add3A_126 = arith.addi %add3A_125, %mul3A_60 : i32
          %add3A_127 = arith.constant 3 : i32
          %add3A_128 = arith.addi %add3A_126, %add3A_127 : i32
          %dma_start3A_129 = arith.constant 0 : i32
          %dma_start3A_130 = arith.constant 0 : i32
          %dma_start3A_131 = tpu.memref_slice %arg4[%arg1, %dma_start3A_129, %dma_start3A_130] : memref<16x160x128xi32, #tpu.memory_space<hbm>> -> memref<1x160x128xi32, #tpu.memory_space<hbm>>
          %dma_start3A_132 = tpu.memref_squeeze %dma_start3A_131 : memref<1x160x128xi32, #tpu.memory_space<hbm>> -> memref<160x128xi32, #tpu.memory_space<hbm>>
          %dma_start3A_133 = arith.constant 0 : i32
          %dma_start3A_134 = tpu.memref_slice %dma_start3A_132[%add3A_128, %dma_start3A_133] : memref<160x128xi32, #tpu.memory_space<hbm>> -> memref<1x128xi32, #tpu.memory_space<hbm>>
          %dma_start3A_135 = tpu.memref_squeeze %dma_start3A_134 : memref<1x128xi32, #tpu.memory_space<hbm>> -> memref<128xi32, #tpu.memory_space<hbm>>
          %dma_start3A_136 = arith.constant 0 : i32
          %dma_start3A_137 = arith.constant 0 : i32
          %dma_start3A_138 = tpu.memref_slice %arg4[%arg1, %dma_start3A_136, %dma_start3A_137] : memref<16x160x128xi32, #tpu.memory_space<hbm>> -> memref<1x160x128xi32, #tpu.memory_space<hbm>>
          %dma_start3A_139 = tpu.memref_squeeze %dma_start3A_138 : memref<1x160x128xi32, #tpu.memory_space<hbm>> -> memref<160x128xi32, #tpu.memory_space<hbm>>
          %dma_start3A_140 = arith.constant 0 : i32
          %dma_start3A_141 = tpu.memref_slice %dma_start3A_139[%add3A_128, %dma_start3A_140] : memref<160x128xi32, #tpu.memory_space<hbm>> -> memref<1x128xi32, #tpu.memory_space<hbm>>
          %dma_start3A_142 = tpu.memref_squeeze %dma_start3A_141 : memref<1x128xi32, #tpu.memory_space<hbm>> -> memref<128xi32, #tpu.memory_space<hbm>>
          tpu.enqueue_dma source(%dma_start3A_142 : memref<128xi32, #tpu.memory_space<hbm>>) target(%arg10 : memref<128xi32, #tpu.memory_space<vmem>>) target_semaphore(%arg16 : memref<!tpu.dma_semaphore, #tpu.memory_space<semaphore_mem>>)
        } else {
        }
      }
      %scan3A_54 = arith.constant 20 : i32
    } else {
    }
    %barrier3A = arith.constant 0 : index
    tpu.barrier barrier_id(%barrier3A)
    %mul3A = arith.constant 640 : i32
    %mul3A_7 = arith.muli %arg1, %mul3A : i32
    %mul3A_8 = arith.constant 640 : i32
    %mul3A_9 = arith.muli %arg1, %mul3A_8 : i32
    "tpu.region"() ({
      %run_scoped3A = tpu.sem_alloc : memref<!tpu.dma_semaphore, #tpu.memory_space<semaphore_mem>>
      %dma_start3A = arith.constant 0 : i32
      %dma_start3A_10 = arith.constant 0 : i32
      %dma_start3A_11 = tpu.memref_slice %arg6[%arg0, %dma_start3A, %dma_start3A_10] : memref<2x10240x128xf32, #tpu.memory_space<hbm>> -> memref<1x10240x128xf32, #tpu.memory_space<hbm>>
      %dma_start3A_12 = tpu.memref_squeeze %dma_start3A_11 : memref<1x10240x128xf32, #tpu.memory_space<hbm>> -> memref<10240x128xf32, #tpu.memory_space<hbm>>
      %dma_start3A_13 = arith.constant 0 : i32
      %dma_start3A_14 = tpu.memref_slice %dma_start3A_12[%mul3A_9, %dma_start3A_13] : memref<10240x128xf32, #tpu.memory_space<hbm>> -> memref<640x128xf32, #tpu.memory_space<hbm>>
      %dma_start3A_15 = arith.constant 0 : i32
      %dma_start3A_16 = tpu.memref_slice %arg7[%mul3A_7, %dma_start3A_15] : memref<10240x128xf32, #tpu.memory_space<vmem_shared>> -> memref<640x128xf32, #tpu.memory_space<vmem_shared>>
      tpu.enqueue_dma source(%dma_start3A_16 : memref<640x128xf32, #tpu.memory_space<vmem_shared>>) target(%dma_start3A_14 : memref<640x128xf32, #tpu.memory_space<hbm>>) target_semaphore(%run_scoped3A : memref<!tpu.dma_semaphore, #tpu.memory_space<semaphore_mem>>)
      %dma_wait3A = arith.constant 0 : i32
      %dma_wait3A_17 = arith.constant 0 : i32
      %dma_wait3A_18 = tpu.memref_slice %arg6[%arg0, %dma_wait3A, %dma_wait3A_17] : memref<2x10240x128xf32, #tpu.memory_space<hbm>> -> memref<1x10240x128xf32, #tpu.memory_space<hbm>>
      %dma_wait3A_19 = tpu.memref_squeeze %dma_wait3A_18 : memref<1x10240x128xf32, #tpu.memory_space<hbm>> -> memref<10240x128xf32, #tpu.memory_space<hbm>>
      %dma_wait3A_20 = arith.constant 0 : i32
      %dma_wait3A_21 = tpu.memref_slice %dma_wait3A_19[%mul3A_9, %dma_wait3A_20] : memref<10240x128xf32, #tpu.memory_space<hbm>> -> memref<640x128xf32, #tpu.memory_space<hbm>>
      %dma_wait3A_22 = arith.constant 0 : i32
      %dma_wait3A_23 = tpu.memref_slice %arg7[%mul3A_7, %dma_wait3A_22] : memref<10240x128xf32, #tpu.memory_space<vmem_shared>> -> memref<640x128xf32, #tpu.memory_space<vmem_shared>>
      tpu.wait_dma2 semaphore(%run_scoped3A : memref<!tpu.dma_semaphore, #tpu.memory_space<semaphore_mem>>) src(%dma_wait3A_23 : memref<640x128xf32, #tpu.memory_space<vmem_shared>>) dst(%dma_wait3A_21 : memref<640x128xf32, #tpu.memory_space<hbm>>)
      tpu.yield
    }) : () -> ()
    return
  }
}

#map = affine_map<(d0, d1) -> (0, 0)>
#map1 = affine_map<(d0, d1) -> (0, 0, 0)>
module attributes {stable_mosaic.version = 14 : i64} {
  func.func @spmv_kernel(%arg0: i32, %arg1: i32, %arg2: memref<10240x128xf32, #tpu.memory_space<hbm>>, %arg3: memref<16x160x128xi32, #tpu.memory_space<hbm>>, %arg4: memref<16x160x128xi32, #tpu.memory_space<hbm>>, %arg5: memref<10240x128xf32, #tpu.memory_space<hbm>>, %arg6: memref<2x10240x128xf32, #tpu.memory_space<hbm>>, %arg7: memref<10240x128xf32, #tpu.memory_space<vmem_shared>>, %arg8: memref<120x128xi32, #tpu.memory_space<vmem>>, %arg9: memref<128xi32, #tpu.memory_space<vmem>>, %arg10: memref<128xi32, #tpu.memory_space<vmem>>, %arg11: memref<128x128xf32, #tpu.memory_space<vmem>>, %arg12: memref<128x128xf32, #tpu.memory_space<vmem>>, %arg13: memref<!tpu.dma_semaphore, #tpu.memory_space<semaphore_mem>>, %arg14: memref<!tpu.dma_semaphore, #tpu.memory_space<semaphore_mem>>, %arg15: memref<!tpu.dma_semaphore, #tpu.memory_space<semaphore_mem>>, %arg16: memref<!tpu.dma_semaphore, #tpu.memory_space<semaphore_mem>>) attributes {dimension_semantics = [#tpu.dimension_semantics<core_parallel>, #tpu.dimension_semantics<subcore_parallel>], iteration_bounds = array<i64: 2, 16>, scalar_prefetch = 0 : i64, scratch_operands = 10 : i64, tpu.core_type = #tpu.core_type<sc_vector_subcore>, window_params = [{transform_indices = #map}, {transform_indices = #map1}, {transform_indices = #map1}, {transform_indices = #map}, {transform_indices = #map1}]} {
    %eq3A = arith.constant 0 : i32
    %eq3A_0 = arith.cmpi eq, %arg0, %eq3A : i32
    %convert_element_type3A = arith.extui %eq3A_0 : i1 to i32
    %cond3A = arith.constant 0 : i32
    %cond3A_1 = arith.cmpi ne, %convert_element_type3A, %cond3A : i32
    scf.if %cond3A_1 {
      "tpu.region"() ({
        %run_scoped3A = tpu.sem_alloc : memref<!tpu.dma_semaphore, #tpu.memory_space<semaphore_mem>>
        %dma_start3A_55 = arith.constant 0 : i32
        %dma_start3A_56 = arith.constant 0 : i32
        %dma_start3A_57 = tpu.memref_slice %arg8[%dma_start3A_55, %dma_start3A_56] : memref<120x128xi32, #tpu.memory_space<vmem>> -> memref<120x128xi32, #tpu.memory_space<vmem>>
        %dma_start3A_58 = arith.constant 0 : i32
        %dma_start3A_59 = arith.constant 0 : i32
        %dma_start3A_60 = tpu.memref_slice %arg3[%arg1, %dma_start3A_58, %dma_start3A_59] : memref<16x160x128xi32, #tpu.memory_space<hbm>> -> memref<1x160x128xi32, #tpu.memory_space<hbm>>
        %dma_start3A_61 = tpu.memref_squeeze %dma_start3A_60 : memref<1x160x128xi32, #tpu.memory_space<hbm>> -> memref<160x128xi32, #tpu.memory_space<hbm>>
        %dma_start3A_62 = arith.constant 0 : i32
        %dma_start3A_63 = arith.constant 0 : i32
        %dma_start3A_64 = tpu.memref_slice %dma_start3A_61[%dma_start3A_62, %dma_start3A_63] : memref<160x128xi32, #tpu.memory_space<hbm>> -> memref<120x128xi32, #tpu.memory_space<hbm>>
        %dma_start3A_65 = arith.constant 0 : i32
        %dma_start3A_66 = arith.constant 0 : i32
        %dma_start3A_67 = tpu.memref_slice %arg8[%dma_start3A_65, %dma_start3A_66] : memref<120x128xi32, #tpu.memory_space<vmem>> -> memref<120x128xi32, #tpu.memory_space<vmem>>
        %dma_start3A_68 = arith.constant 0 : i32
        %dma_start3A_69 = arith.constant 0 : i32
        %dma_start3A_70 = tpu.memref_slice %arg3[%arg1, %dma_start3A_68, %dma_start3A_69] : memref<16x160x128xi32, #tpu.memory_space<hbm>> -> memref<1x160x128xi32, #tpu.memory_space<hbm>>
        %dma_start3A_71 = tpu.memref_squeeze %dma_start3A_70 : memref<1x160x128xi32, #tpu.memory_space<hbm>> -> memref<160x128xi32, #tpu.memory_space<hbm>>
        %dma_start3A_72 = arith.constant 0 : i32
        %dma_start3A_73 = arith.constant 0 : i32
        %dma_start3A_74 = tpu.memref_slice %dma_start3A_71[%dma_start3A_72, %dma_start3A_73] : memref<160x128xi32, #tpu.memory_space<hbm>> -> memref<120x128xi32, #tpu.memory_space<hbm>>
        tpu.enqueue_dma source(%dma_start3A_74 : memref<120x128xi32, #tpu.memory_space<hbm>>) target(%dma_start3A_67 : memref<120x128xi32, #tpu.memory_space<vmem>>) target_semaphore(%run_scoped3A : memref<!tpu.dma_semaphore, #tpu.memory_space<semaphore_mem>>)
        %dma_wait3A = arith.constant 0 : i32
        %dma_wait3A_75 = arith.constant 0 : i32
        %dma_wait3A_76 = tpu.memref_slice %arg8[%dma_wait3A, %dma_wait3A_75] : memref<120x128xi32, #tpu.memory_space<vmem>> -> memref<120x128xi32, #tpu.memory_space<vmem>>
        %dma_wait3A_77 = arith.constant 0 : i32
        %dma_wait3A_78 = arith.constant 0 : i32
        %dma_wait3A_79 = tpu.memref_slice %arg3[%arg1, %dma_wait3A_77, %dma_wait3A_78] : memref<16x160x128xi32, #tpu.memory_space<hbm>> -> memref<1x160x128xi32, #tpu.memory_space<hbm>>
        %dma_wait3A_80 = tpu.memref_squeeze %dma_wait3A_79 : memref<1x160x128xi32, #tpu.memory_space<hbm>> -> memref<160x128xi32, #tpu.memory_space<hbm>>
        %dma_wait3A_81 = arith.constant 0 : i32
        %dma_wait3A_82 = arith.constant 0 : i32
        %dma_wait3A_83 = tpu.memref_slice %dma_wait3A_80[%dma_wait3A_81, %dma_wait3A_82] : memref<160x128xi32, #tpu.memory_space<hbm>> -> memref<120x128xi32, #tpu.memory_space<hbm>>
        %dma_wait3A_84 = arith.constant 0 : i32
        %dma_wait3A_85 = arith.constant 0 : i32
        %dma_wait3A_86 = tpu.memref_slice %arg8[%dma_wait3A_84, %dma_wait3A_85] : memref<120x128xi32, #tpu.memory_space<vmem>> -> memref<120x128xi32, #tpu.memory_space<vmem>>
        %dma_wait3A_87 = arith.constant 0 : i32
        %dma_wait3A_88 = arith.constant 0 : i32
        %dma_wait3A_89 = tpu.memref_slice %arg3[%arg1, %dma_wait3A_87, %dma_wait3A_88] : memref<16x160x128xi32, #tpu.memory_space<hbm>> -> memref<1x160x128xi32, #tpu.memory_space<hbm>>
        %dma_wait3A_90 = tpu.memref_squeeze %dma_wait3A_89 : memref<1x160x128xi32, #tpu.memory_space<hbm>> -> memref<160x128xi32, #tpu.memory_space<hbm>>
        %dma_wait3A_91 = arith.constant 0 : i32
        %dma_wait3A_92 = arith.constant 0 : i32
        %dma_wait3A_93 = tpu.memref_slice %dma_wait3A_90[%dma_wait3A_91, %dma_wait3A_92] : memref<160x128xi32, #tpu.memory_space<hbm>> -> memref<120x128xi32, #tpu.memory_space<hbm>>
        tpu.wait_dma2 semaphore(%run_scoped3A : memref<!tpu.dma_semaphore, #tpu.memory_space<semaphore_mem>>) src(%dma_wait3A_93 : memref<120x128xi32, #tpu.memory_space<hbm>>) dst(%dma_wait3A_86 : memref<120x128xi32, #tpu.memory_space<vmem>>)
        tpu.yield
      }) : () -> ()
      %dma_start3A = arith.constant 0 : i32
      %dma_start3A_10 = arith.constant 0 : i32
      %dma_start3A_11 = arith.constant 0 : i32
      %dma_start3A_12 = tpu.memref_slice %arg4[%arg1, %dma_start3A_10, %dma_start3A_11] : memref<16x160x128xi32, #tpu.memory_space<hbm>> -> memref<1x160x128xi32, #tpu.memory_space<hbm>>
      %dma_start3A_13 = tpu.memref_squeeze %dma_start3A_12 : memref<1x160x128xi32, #tpu.memory_space<hbm>> -> memref<160x128xi32, #tpu.memory_space<hbm>>
      %dma_start3A_14 = arith.constant 0 : i32
      %dma_start3A_15 = tpu.memref_slice %dma_start3A_13[%dma_start3A, %dma_start3A_14] : memref<160x128xi32, #tpu.memory_space<hbm>> -> memref<1x128xi32, #tpu.memory_space<hbm>>
      %dma_start3A_16 = tpu.memref_squeeze %dma_start3A_15 : memref<1x128xi32, #tpu.memory_space<hbm>> -> memref<128xi32, #tpu.memory_space<hbm>>
      %dma_start3A_17 = arith.constant 0 : i32
      %dma_start3A_18 = arith.constant 0 : i32
      %dma_start3A_19 = tpu.memref_slice %arg4[%arg1, %dma_start3A_17, %dma_start3A_18] : memref<16x160x128xi32, #tpu.memory_space<hbm>> -> memref<1x160x128xi32, #tpu.memory_space<hbm>>
      %dma_start3A_20 = tpu.memref_squeeze %dma_start3A_19 : memref<1x160x128xi32, #tpu.memory_space<hbm>> -> memref<160x128xi32, #tpu.memory_space<hbm>>
      %dma_start3A_21 = arith.constant 0 : i32
      %dma_start3A_22 = tpu.memref_slice %dma_start3A_20[%dma_start3A, %dma_start3A_21] : memref<160x128xi32, #tpu.memory_space<hbm>> -> memref<1x128xi32, #tpu.memory_space<hbm>>
      %dma_start3A_23 = tpu.memref_squeeze %dma_start3A_22 : memref<1x128xi32, #tpu.memory_space<hbm>> -> memref<128xi32, #tpu.memory_space<hbm>>
      tpu.enqueue_dma source(%dma_start3A_23 : memref<128xi32, #tpu.memory_space<hbm>>) target(%arg9 : memref<128xi32, #tpu.memory_space<vmem>>) target_semaphore(%arg15 : memref<!tpu.dma_semaphore, #tpu.memory_space<semaphore_mem>>)
      %dma_start3A_24 = arith.constant 1 : i32
      %dma_start3A_25 = arith.constant 0 : i32
      %dma_start3A_26 = arith.constant 0 : i32
      %dma_start3A_27 = tpu.memref_slice %arg4[%arg1, %dma_start3A_25, %dma_start3A_26] : memref<16x160x128xi32, #tpu.memory_space<hbm>> -> memref<1x160x128xi32, #tpu.memory_space<hbm>>
      %dma_start3A_28 = tpu.memref_squeeze %dma_start3A_27 : memref<1x160x128xi32, #tpu.memory_space<hbm>> -> memref<160x128xi32, #tpu.memory_space<hbm>>
      %dma_start3A_29 = arith.constant 0 : i32
      %dma_start3A_30 = tpu.memref_slice %dma_start3A_28[%dma_start3A_24, %dma_start3A_29] : memref<160x128xi32, #tpu.memory_space<hbm>> -> memref<1x128xi32, #tpu.memory_space<hbm>>
      %dma_start3A_31 = tpu.memref_squeeze %dma_start3A_30 : memref<1x128xi32, #tpu.memory_space<hbm>> -> memref<128xi32, #tpu.memory_space<hbm>>
      %dma_start3A_32 = arith.constant 0 : i32
      %dma_start3A_33 = arith.constant 0 : i32
      %dma_start3A_34 = tpu.memref_slice %arg4[%arg1, %dma_start3A_32, %dma_start3A_33] : memref<16x160x128xi32, #tpu.memory_space<hbm>> -> memref<1x160x128xi32, #tpu.memory_space<hbm>>
      %dma_start3A_35 = tpu.memref_squeeze %dma_start3A_34 : memref<1x160x128xi32, #tpu.memory_space<hbm>> -> memref<160x128xi32, #tpu.memory_space<hbm>>
      %dma_start3A_36 = arith.constant 0 : i32
      %dma_start3A_37 = tpu.memref_slice %dma_start3A_35[%dma_start3A_24, %dma_start3A_36] : memref<160x128xi32, #tpu.memory_space<hbm>> -> memref<1x128xi32, #tpu.memory_space<hbm>>
      %dma_start3A_38 = tpu.memref_squeeze %dma_start3A_37 : memref<1x128xi32, #tpu.memory_space<hbm>> -> memref<128xi32, #tpu.memory_space<hbm>>
      tpu.enqueue_dma source(%dma_start3A_38 : memref<128xi32, #tpu.memory_space<hbm>>) target(%arg10 : memref<128xi32, #tpu.memory_space<vmem>>) target_semaphore(%arg16 : memref<!tpu.dma_semaphore, #tpu.memory_space<semaphore_mem>>)
      %mul3A_39 = arith.constant 640 : i32
      %mul3A_40 = arith.muli %arg1, %mul3A_39 : i32
      %mul3A_41 = arith.constant 640 : i32
      %mul3A_42 = arith.muli %arg1, %mul3A_41 : i32
      "tpu.region"() ({
        %run_scoped3A = tpu.sem_alloc : memref<!tpu.dma_semaphore, #tpu.memory_space<semaphore_mem>>
        %dma_start3A_55 = arith.constant 0 : i32
        %dma_start3A_56 = tpu.memref_slice %arg7[%mul3A_42, %dma_start3A_55] : memref<10240x128xf32, #tpu.memory_space<vmem_shared>> -> memref<640x128xf32, #tpu.memory_space<vmem_shared>>
        %dma_start3A_57 = arith.constant 0 : i32
        %dma_start3A_58 = tpu.memref_slice %arg5[%mul3A_40, %dma_start3A_57] : memref<10240x128xf32, #tpu.memory_space<hbm>> -> memref<640x128xf32, #tpu.memory_space<hbm>>
        tpu.enqueue_dma source(%dma_start3A_58 : memref<640x128xf32, #tpu.memory_space<hbm>>) target(%dma_start3A_56 : memref<640x128xf32, #tpu.memory_space<vmem_shared>>) target_semaphore(%run_scoped3A : memref<!tpu.dma_semaphore, #tpu.memory_space<semaphore_mem>>)
        %dma_wait3A = arith.constant 0 : i32
        %dma_wait3A_59 = tpu.memref_slice %arg7[%mul3A_42, %dma_wait3A] : memref<10240x128xf32, #tpu.memory_space<vmem_shared>> -> memref<640x128xf32, #tpu.memory_space<vmem_shared>>
        %dma_wait3A_60 = arith.constant 0 : i32
        %dma_wait3A_61 = tpu.memref_slice %arg5[%mul3A_40, %dma_wait3A_60] : memref<10240x128xf32, #tpu.memory_space<hbm>> -> memref<640x128xf32, #tpu.memory_space<hbm>>
        tpu.wait_dma2 semaphore(%run_scoped3A : memref<!tpu.dma_semaphore, #tpu.memory_space<semaphore_mem>>) src(%dma_wait3A_61 : memref<640x128xf32, #tpu.memory_space<hbm>>) dst(%dma_wait3A_59 : memref<640x128xf32, #tpu.memory_space<vmem_shared>>)
        tpu.yield
      }) : () -> ()
      %barrier3A_43 = arith.constant 0 : index
      tpu.barrier barrier_id(%barrier3A_43)
      %dma_start3A_44 = arith.constant 0 : i32
      %dma_start3A_45 = arith.constant 0 : i32
      %dma_start3A_46 = tpu.memref_slice %arg8[%dma_start3A_44, %dma_start3A_45] : memref<120x128xi32, #tpu.memory_space<vmem>> -> memref<1x128xi32, #tpu.memory_space<vmem>>
      %dma_start3A_47 = tpu.memref_squeeze %dma_start3A_46 : memref<1x128xi32, #tpu.memory_space<vmem>> -> memref<128xi32, #tpu.memory_space<vmem>>
      %dma_start3A_48 = arith.constant 0 : i32
      %dma_start3A_49 = arith.constant 0 : i32
      %dma_start3A_50 = tpu.memref_slice %arg2[%dma_start3A_48, %dma_start3A_49] : memref<10240x128xf32, #tpu.memory_space<hbm>> -> memref<10240x128xf32, #tpu.memory_space<hbm>>
      tpu.enqueue_indirect_dma source(%dma_start3A_50 : memref<10240x128xf32, #tpu.memory_space<hbm>>) target(%arg11 : memref<128x128xf32, #tpu.memory_space<vmem>>) offsets(%dma_start3A_47 : memref<128xi32, #tpu.memory_space<vmem>>) semaphore(%arg13 : memref<!tpu.dma_semaphore, #tpu.memory_space<semaphore_mem>>)
      %scan3A = arith.constant 0 : i32
      %scan3A_51 = arith.constant 60 : i32
      %scan3A_52 = arith.addi %scan3A, %scan3A_51 : i32
      %scan3A_53 = arith.constant 1 : i32
      scf.for %scan3A_55 = %scan3A to %scan3A_52 step %scan3A_53  : i32 {
        %mul3A_56 = arith.constant 1 : i32
        %mul3A_57 = arith.muli %scan3A_55, %mul3A_56 : i32
        %add3A = arith.constant 0 : i32
        %add3A_58 = arith.addi %add3A, %mul3A_57 : i32
        %mul3A_59 = arith.constant 2 : i32
        %mul3A_60 = arith.muli %add3A_58, %mul3A_59 : i32
        %add3A_61 = arith.constant 1 : i32
        %add3A_62 = arith.addi %mul3A_60, %add3A_61 : i32
        %dma_start3A_63 = arith.constant 0 : i32
        %dma_start3A_64 = tpu.memref_slice %arg8[%add3A_62, %dma_start3A_63] : memref<120x128xi32, #tpu.memory_space<vmem>> -> memref<1x128xi32, #tpu.memory_space<vmem>>
        %dma_start3A_65 = tpu.memref_squeeze %dma_start3A_64 : memref<1x128xi32, #tpu.memory_space<vmem>> -> memref<128xi32, #tpu.memory_space<vmem>>
        %dma_start3A_66 = arith.constant 0 : i32
        %dma_start3A_67 = arith.constant 0 : i32
        %dma_start3A_68 = tpu.memref_slice %arg2[%dma_start3A_66, %dma_start3A_67] : memref<10240x128xf32, #tpu.memory_space<hbm>> -> memref<10240x128xf32, #tpu.memory_space<hbm>>
        tpu.enqueue_indirect_dma source(%dma_start3A_68 : memref<10240x128xf32, #tpu.memory_space<hbm>>) target(%arg12 : memref<128x128xf32, #tpu.memory_space<vmem>>) offsets(%dma_start3A_65 : memref<128xi32, #tpu.memory_space<vmem>>) semaphore(%arg14 : memref<!tpu.dma_semaphore, #tpu.memory_space<semaphore_mem>>)
        %dma_wait3A = arith.constant 0 : i32
        %dma_wait3A_69 = tpu.memref_slice %arg8[%mul3A_60, %dma_wait3A] : memref<120x128xi32, #tpu.memory_space<vmem>> -> memref<1x128xi32, #tpu.memory_space<vmem>>
        %dma_wait3A_70 = tpu.memref_squeeze %dma_wait3A_69 : memref<1x128xi32, #tpu.memory_space<vmem>> -> memref<128xi32, #tpu.memory_space<vmem>>
        %dma_wait3A_71 = arith.constant 0 : i32
        %dma_wait3A_72 = arith.constant 0 : i32
        %dma_wait3A_73 = tpu.memref_slice %arg2[%dma_wait3A_71, %dma_wait3A_72] : memref<10240x128xf32, #tpu.memory_space<hbm>> -> memref<10240x128xf32, #tpu.memory_space<hbm>>
        tpu.wait_indirect_dma semaphore(%arg13 : memref<!tpu.dma_semaphore, #tpu.memory_space<semaphore_mem>>) src(%dma_wait3A_73 : memref<10240x128xf32, #tpu.memory_space<hbm>>) dst(%arg11 : memref<128x128xf32, #tpu.memory_space<vmem>>)
        %add3A_74 = arith.constant 0 : i32
        %add3A_75 = arith.addi %add3A_74, %mul3A_60 : i32
        %dma_wait3A_76 = arith.constant 0 : i32
        %dma_wait3A_77 = arith.constant 0 : i32
        %dma_wait3A_78 = tpu.memref_slice %arg4[%arg1, %dma_wait3A_76, %dma_wait3A_77] : memref<16x160x128xi32, #tpu.memory_space<hbm>> -> memref<1x160x128xi32, #tpu.memory_space<hbm>>
        %dma_wait3A_79 = tpu.memref_squeeze %dma_wait3A_78 : memref<1x160x128xi32, #tpu.memory_space<hbm>> -> memref<160x128xi32, #tpu.memory_space<hbm>>
        %dma_wait3A_80 = arith.constant 0 : i32
        %dma_wait3A_81 = tpu.memref_slice %dma_wait3A_79[%add3A_75, %dma_wait3A_80] : memref<160x128xi32, #tpu.memory_space<hbm>> -> memref<1x128xi32, #tpu.memory_space<hbm>>
        %dma_wait3A_82 = tpu.memref_squeeze %dma_wait3A_81 : memref<1x128xi32, #tpu.memory_space<hbm>> -> memref<128xi32, #tpu.memory_space<hbm>>
        %dma_wait3A_83 = arith.constant 0 : i32
        %dma_wait3A_84 = arith.constant 0 : i32
        %dma_wait3A_85 = tpu.memref_slice %arg4[%arg1, %dma_wait3A_83, %dma_wait3A_84] : memref<16x160x128xi32, #tpu.memory_space<hbm>> -> memref<1x160x128xi32, #tpu.memory_space<hbm>>
        %dma_wait3A_86 = tpu.memref_squeeze %dma_wait3A_85 : memref<1x160x128xi32, #tpu.memory_space<hbm>> -> memref<160x128xi32, #tpu.memory_space<hbm>>
        %dma_wait3A_87 = arith.constant 0 : i32
        %dma_wait3A_88 = tpu.memref_slice %dma_wait3A_86[%add3A_75, %dma_wait3A_87] : memref<160x128xi32, #tpu.memory_space<hbm>> -> memref<1x128xi32, #tpu.memory_space<hbm>>
        %dma_wait3A_89 = tpu.memref_squeeze %dma_wait3A_88 : memref<1x128xi32, #tpu.memory_space<hbm>> -> memref<128xi32, #tpu.memory_space<hbm>>
        tpu.wait_dma2 semaphore(%arg15 : memref<!tpu.dma_semaphore, #tpu.memory_space<semaphore_mem>>) src(%dma_wait3A_89 : memref<128xi32, #tpu.memory_space<hbm>>) dst(%arg9 : memref<128xi32, #tpu.memory_space<vmem>>)
        "tpu.region"() ({
          %run_scoped3A = tpu.sem_alloc : memref<!tpu.dma_semaphore, #tpu.memory_space<semaphore_mem>>
          %dma_start3A_125 = arith.constant 0 : i32
          %dma_start3A_126 = arith.constant 0 : i32
          %dma_start3A_127 = tpu.memref_slice %arg7[%dma_start3A_125, %dma_start3A_126] : memref<10240x128xf32, #tpu.memory_space<vmem_shared>> -> memref<10240x128xf32, #tpu.memory_space<vmem_shared>>
          tpu.enqueue_indirect_dma source(%arg11 : memref<128x128xf32, #tpu.memory_space<vmem>>) target(%dma_start3A_127 : memref<10240x128xf32, #tpu.memory_space<vmem_shared>>) offsets(%arg9 : memref<128xi32, #tpu.memory_space<vmem>>) semaphore(%run_scoped3A : memref<!tpu.dma_semaphore, #tpu.memory_space<semaphore_mem>>) {add = true}
          %dma_wait3A_128 = arith.constant 0 : i32
          %dma_wait3A_129 = arith.constant 0 : i32
          %dma_wait3A_130 = tpu.memref_slice %arg7[%dma_wait3A_128, %dma_wait3A_129] : memref<10240x128xf32, #tpu.memory_space<vmem_shared>> -> memref<10240x128xf32, #tpu.memory_space<vmem_shared>>
          tpu.wait_indirect_dma semaphore(%run_scoped3A : memref<!tpu.dma_semaphore, #tpu.memory_space<semaphore_mem>>) src(%arg11 : memref<128x128xf32, #tpu.memory_space<vmem>>) dst(%dma_wait3A_130 : memref<10240x128xf32, #tpu.memory_space<vmem_shared>>)
          tpu.yield
        }) : () -> ()
        %lt3A = arith.constant 59 : i32
        %lt3A_90 = arith.cmpi slt, %add3A_58, %lt3A : i32
        %convert_element_type3A_91 = arith.extui %lt3A_90 : i1 to i32
        %cond3A_92 = arith.constant 0 : i32
        %cond3A_93 = arith.cmpi ne, %convert_element_type3A_91, %cond3A_92 : i32
        scf.if %cond3A_93 {
          %add3A_125 = arith.constant 0 : i32
          %add3A_126 = arith.addi %add3A_125, %mul3A_60 : i32
          %add3A_127 = arith.constant 2 : i32
          %add3A_128 = arith.addi %add3A_126, %add3A_127 : i32
          %dma_start3A_129 = arith.constant 0 : i32
          %dma_start3A_130 = arith.constant 0 : i32
          %dma_start3A_131 = tpu.memref_slice %arg4[%arg1, %dma_start3A_129, %dma_start3A_130] : memref<16x160x128xi32, #tpu.memory_space<hbm>> -> memref<1x160x128xi32, #tpu.memory_space<hbm>>
          %dma_start3A_132 = tpu.memref_squeeze %dma_start3A_131 : memref<1x160x128xi32, #tpu.memory_space<hbm>> -> memref<160x128xi32, #tpu.memory_space<hbm>>
          %dma_start3A_133 = arith.constant 0 : i32
          %dma_start3A_134 = tpu.memref_slice %dma_start3A_132[%add3A_128, %dma_start3A_133] : memref<160x128xi32, #tpu.memory_space<hbm>> -> memref<1x128xi32, #tpu.memory_space<hbm>>
          %dma_start3A_135 = tpu.memref_squeeze %dma_start3A_134 : memref<1x128xi32, #tpu.memory_space<hbm>> -> memref<128xi32, #tpu.memory_space<hbm>>
          %dma_start3A_136 = arith.constant 0 : i32
          %dma_start3A_137 = arith.constant 0 : i32
          %dma_start3A_138 = tpu.memref_slice %arg4[%arg1, %dma_start3A_136, %dma_start3A_137] : memref<16x160x128xi32, #tpu.memory_space<hbm>> -> memref<1x160x128xi32, #tpu.memory_space<hbm>>
          %dma_start3A_139 = tpu.memref_squeeze %dma_start3A_138 : memref<1x160x128xi32, #tpu.memory_space<hbm>> -> memref<160x128xi32, #tpu.memory_space<hbm>>
          %dma_start3A_140 = arith.constant 0 : i32
          %dma_start3A_141 = tpu.memref_slice %dma_start3A_139[%add3A_128, %dma_start3A_140] : memref<160x128xi32, #tpu.memory_space<hbm>> -> memref<1x128xi32, #tpu.memory_space<hbm>>
          %dma_start3A_142 = tpu.memref_squeeze %dma_start3A_141 : memref<1x128xi32, #tpu.memory_space<hbm>> -> memref<128xi32, #tpu.memory_space<hbm>>
          tpu.enqueue_dma source(%dma_start3A_142 : memref<128xi32, #tpu.memory_space<hbm>>) target(%arg9 : memref<128xi32, #tpu.memory_space<vmem>>) target_semaphore(%arg15 : memref<!tpu.dma_semaphore, #tpu.memory_space<semaphore_mem>>)
          %add3A_143 = arith.constant 2 : i32
          %add3A_144 = arith.addi %mul3A_60, %add3A_143 : i32
          %dma_start3A_145 = arith.constant 0 : i32
          %dma_start3A_146 = tpu.memref_slice %arg8[%add3A_144, %dma_start3A_145] : memref<120x128xi32, #tpu.memory_space<vmem>> -> memref<1x128xi32, #tpu.memory_space<vmem>>
          %dma_start3A_147 = tpu.memref_squeeze %dma_start3A_146 : memref<1x128xi32, #tpu.memory_space<vmem>> -> memref<128xi32, #tpu.memory_space<vmem>>
          %dma_start3A_148 = arith.constant 0 : i32
          %dma_start3A_149 = arith.constant 0 : i32
          %dma_start3A_150 = tpu.memref_slice %arg2[%dma_start3A_148, %dma_start3A_149] : memref<10240x128xf32, #tpu.memory_space<hbm>> -> memref<10240x128xf32, #tpu.memory_space<hbm>>
          tpu.enqueue_indirect_dma source(%dma_start3A_150 : memref<10240x128xf32, #tpu.memory_space<hbm>>) target(%arg11 : memref<128x128xf32, #tpu.memory_space<vmem>>) offsets(%dma_start3A_147 : memref<128xi32, #tpu.memory_space<vmem>>) semaphore(%arg13 : memref<!tpu.dma_semaphore, #tpu.memory_space<semaphore_mem>>)
        } else {
        }
        %add3A_94 = arith.constant 1 : i32
        %add3A_95 = arith.addi %mul3A_60, %add3A_94 : i32
        %dma_wait3A_96 = arith.constant 0 : i32
        %dma_wait3A_97 = tpu.memref_slice %arg8[%add3A_95, %dma_wait3A_96] : memref<120x128xi32, #tpu.memory_space<vmem>> -> memref<1x128xi32, #tpu.memory_space<vmem>>
        %dma_wait3A_98 = tpu.memref_squeeze %dma_wait3A_97 : memref<1x128xi32, #tpu.memory_space<vmem>> -> memref<128xi32, #tpu.memory_space<vmem>>
        %dma_wait3A_99 = arith.constant 0 : i32
        %dma_wait3A_100 = arith.constant 0 : i32
        %dma_wait3A_101 = tpu.memref_slice %arg2[%dma_wait3A_99, %dma_wait3A_100] : memref<10240x128xf32, #tpu.memory_space<hbm>> -> memref<10240x128xf32, #tpu.memory_space<hbm>>
        tpu.wait_indirect_dma semaphore(%arg14 : memref<!tpu.dma_semaphore, #tpu.memory_space<semaphore_mem>>) src(%dma_wait3A_101 : memref<10240x128xf32, #tpu.memory_space<hbm>>) dst(%arg12 : memref<128x128xf32, #tpu.memory_space<vmem>>)
        %add3A_102 = arith.constant 0 : i32
        %add3A_103 = arith.addi %add3A_102, %mul3A_60 : i32
        %add3A_104 = arith.constant 1 : i32
        %add3A_105 = arith.addi %add3A_103, %add3A_104 : i32
        %dma_wait3A_106 = arith.constant 0 : i32
        %dma_wait3A_107 = arith.constant 0 : i32
        %dma_wait3A_108 = tpu.memref_slice %arg4[%arg1, %dma_wait3A_106, %dma_wait3A_107] : memref<16x160x128xi32, #tpu.memory_space<hbm>> -> memref<1x160x128xi32, #tpu.memory_space<hbm>>
        %dma_wait3A_109 = tpu.memref_squeeze %dma_wait3A_108 : memref<1x160x128xi32, #tpu.memory_space<hbm>> -> memref<160x128xi32, #tpu.memory_space<hbm>>
        %dma_wait3A_110 = arith.constant 0 : i32
        %dma_wait3A_111 = tpu.memref_slice %dma_wait3A_109[%add3A_105, %dma_wait3A_110] : memref<160x128xi32, #tpu.memory_space<hbm>> -> memref<1x128xi32, #tpu.memory_space<hbm>>
        %dma_wait3A_112 = tpu.memref_squeeze %dma_wait3A_111 : memref<1x128xi32, #tpu.memory_space<hbm>> -> memref<128xi32, #tpu.memory_space<hbm>>
        %dma_wait3A_113 = arith.constant 0 : i32
        %dma_wait3A_114 = arith.constant 0 : i32
        %dma_wait3A_115 = tpu.memref_slice %arg4[%arg1, %dma_wait3A_113, %dma_wait3A_114] : memref<16x160x128xi32, #tpu.memory_space<hbm>> -> memref<1x160x128xi32, #tpu.memory_space<hbm>>
        %dma_wait3A_116 = tpu.memref_squeeze %dma_wait3A_115 : memref<1x160x128xi32, #tpu.memory_space<hbm>> -> memref<160x128xi32, #tpu.memory_space<hbm>>
        %dma_wait3A_117 = arith.constant 0 : i32
        %dma_wait3A_118 = tpu.memref_slice %dma_wait3A_116[%add3A_105, %dma_wait3A_117] : memref<160x128xi32, #tpu.memory_space<hbm>> -> memref<1x128xi32, #tpu.memory_space<hbm>>
        %dma_wait3A_119 = tpu.memref_squeeze %dma_wait3A_118 : memref<1x128xi32, #tpu.memory_space<hbm>> -> memref<128xi32, #tpu.memory_space<hbm>>
        tpu.wait_dma2 semaphore(%arg16 : memref<!tpu.dma_semaphore, #tpu.memory_space<semaphore_mem>>) src(%dma_wait3A_119 : memref<128xi32, #tpu.memory_space<hbm>>) dst(%arg10 : memref<128xi32, #tpu.memory_space<vmem>>)
        "tpu.region"() ({
          %run_scoped3A = tpu.sem_alloc : memref<!tpu.dma_semaphore, #tpu.memory_space<semaphore_mem>>
          %dma_start3A_125 = arith.constant 0 : i32
          %dma_start3A_126 = arith.constant 0 : i32
          %dma_start3A_127 = tpu.memref_slice %arg7[%dma_start3A_125, %dma_start3A_126] : memref<10240x128xf32, #tpu.memory_space<vmem_shared>> -> memref<10240x128xf32, #tpu.memory_space<vmem_shared>>
          tpu.enqueue_indirect_dma source(%arg12 : memref<128x128xf32, #tpu.memory_space<vmem>>) target(%dma_start3A_127 : memref<10240x128xf32, #tpu.memory_space<vmem_shared>>) offsets(%arg10 : memref<128xi32, #tpu.memory_space<vmem>>) semaphore(%run_scoped3A : memref<!tpu.dma_semaphore, #tpu.memory_space<semaphore_mem>>) {add = true}
          %dma_wait3A_128 = arith.constant 0 : i32
          %dma_wait3A_129 = arith.constant 0 : i32
          %dma_wait3A_130 = tpu.memref_slice %arg7[%dma_wait3A_128, %dma_wait3A_129] : memref<10240x128xf32, #tpu.memory_space<vmem_shared>> -> memref<10240x128xf32, #tpu.memory_space<vmem_shared>>
          tpu.wait_indirect_dma semaphore(%run_scoped3A : memref<!tpu.dma_semaphore, #tpu.memory_space<semaphore_mem>>) src(%arg12 : memref<128x128xf32, #tpu.memory_space<vmem>>) dst(%dma_wait3A_130 : memref<10240x128xf32, #tpu.memory_space<vmem_shared>>)
          tpu.yield
        }) : () -> ()
        %lt3A_120 = arith.constant 59 : i32
        %lt3A_121 = arith.cmpi slt, %add3A_58, %lt3A_120 : i32
        %convert_element_type3A_122 = arith.extui %lt3A_121 : i1 to i32
        %cond3A_123 = arith.constant 0 : i32
        %cond3A_124 = arith.cmpi ne, %convert_element_type3A_122, %cond3A_123 : i32
        scf.if %cond3A_124 {
          %add3A_125 = arith.constant 0 : i32
          %add3A_126 = arith.addi %add3A_125, %mul3A_60 : i32
          %add3A_127 = arith.constant 3 : i32
          %add3A_128 = arith.addi %add3A_126, %add3A_127 : i32
          %dma_start3A_129 = arith.constant 0 : i32
          %dma_start3A_130 = arith.constant 0 : i32
          %dma_start3A_131 = tpu.memref_slice %arg4[%arg1, %dma_start3A_129, %dma_start3A_130] : memref<16x160x128xi32, #tpu.memory_space<hbm>> -> memref<1x160x128xi32, #tpu.memory_space<hbm>>
          %dma_start3A_132 = tpu.memref_squeeze %dma_start3A_131 : memref<1x160x128xi32, #tpu.memory_space<hbm>> -> memref<160x128xi32, #tpu.memory_space<hbm>>
          %dma_start3A_133 = arith.constant 0 : i32
          %dma_start3A_134 = tpu.memref_slice %dma_start3A_132[%add3A_128, %dma_start3A_133] : memref<160x128xi32, #tpu.memory_space<hbm>> -> memref<1x128xi32, #tpu.memory_space<hbm>>
          %dma_start3A_135 = tpu.memref_squeeze %dma_start3A_134 : memref<1x128xi32, #tpu.memory_space<hbm>> -> memref<128xi32, #tpu.memory_space<hbm>>
          %dma_start3A_136 = arith.constant 0 : i32
          %dma_start3A_137 = arith.constant 0 : i32
          %dma_start3A_138 = tpu.memref_slice %arg4[%arg1, %dma_start3A_136, %dma_start3A_137] : memref<16x160x128xi32, #tpu.memory_space<hbm>> -> memref<1x160x128xi32, #tpu.memory_space<hbm>>
          %dma_start3A_139 = tpu.memref_squeeze %dma_start3A_138 : memref<1x160x128xi32, #tpu.memory_space<hbm>> -> memref<160x128xi32, #tpu.memory_space<hbm>>
          %dma_start3A_140 = arith.constant 0 : i32
          %dma_start3A_141 = tpu.memref_slice %dma_start3A_139[%add3A_128, %dma_start3A_140] : memref<160x128xi32, #tpu.memory_space<hbm>> -> memref<1x128xi32, #tpu.memory_space<hbm>>
          %dma_start3A_142 = tpu.memref_squeeze %dma_start3A_141 : memref<1x128xi32, #tpu.memory_space<hbm>> -> memref<128xi32, #tpu.memory_space<hbm>>
          tpu.enqueue_dma source(%dma_start3A_142 : memref<128xi32, #tpu.memory_space<hbm>>) target(%arg10 : memref<128xi32, #tpu.memory_space<vmem>>) target_semaphore(%arg16 : memref<!tpu.dma_semaphore, #tpu.memory_space<semaphore_mem>>)
        } else {
        }
      }
      %scan3A_54 = arith.constant 60 : i32
    } else {
    }
    %eq3A_2 = arith.constant 1 : i32
    %eq3A_3 = arith.cmpi eq, %arg0, %eq3A_2 : i32
    %convert_element_type3A_4 = arith.extui %eq3A_3 : i1 to i32
    %cond3A_5 = arith.constant 0 : i32
    %cond3A_6 = arith.cmpi ne, %convert_element_type3A_4, %cond3A_5 : i32
    scf.if %cond3A_6 {
      "tpu.region"() ({
        %run_scoped3A = tpu.sem_alloc : memref<!tpu.dma_semaphore, #tpu.memory_space<semaphore_mem>>
        %dma_start3A_55 = arith.constant 0 : i32
        %dma_start3A_56 = arith.constant 0 : i32
        %dma_start3A_57 = tpu.memref_slice %arg8[%dma_start3A_55, %dma_start3A_56] : memref<120x128xi32, #tpu.memory_space<vmem>> -> memref<40x128xi32, #tpu.memory_space<vmem>>
        %dma_start3A_58 = arith.constant 0 : i32
        %dma_start3A_59 = arith.constant 0 : i32
        %dma_start3A_60 = tpu.memref_slice %arg3[%arg1, %dma_start3A_58, %dma_start3A_59] : memref<16x160x128xi32, #tpu.memory_space<hbm>> -> memref<1x160x128xi32, #tpu.memory_space<hbm>>
        %dma_start3A_61 = tpu.memref_squeeze %dma_start3A_60 : memref<1x160x128xi32, #tpu.memory_space<hbm>> -> memref<160x128xi32, #tpu.memory_space<hbm>>
        %dma_start3A_62 = arith.constant 120 : i32
        %dma_start3A_63 = arith.constant 0 : i32
        %dma_start3A_64 = tpu.memref_slice %dma_start3A_61[%dma_start3A_62, %dma_start3A_63] : memref<160x128xi32, #tpu.memory_space<hbm>> -> memref<40x128xi32, #tpu.memory_space<hbm>>
        %dma_start3A_65 = arith.constant 0 : i32
        %dma_start3A_66 = arith.constant 0 : i32
        %dma_start3A_67 = tpu.memref_slice %arg8[%dma_start3A_65, %dma_start3A_66] : memref<120x128xi32, #tpu.memory_space<vmem>> -> memref<40x128xi32, #tpu.memory_space<vmem>>
        %dma_start3A_68 = arith.constant 0 : i32
        %dma_start3A_69 = arith.constant 0 : i32
        %dma_start3A_70 = tpu.memref_slice %arg3[%arg1, %dma_start3A_68, %dma_start3A_69] : memref<16x160x128xi32, #tpu.memory_space<hbm>> -> memref<1x160x128xi32, #tpu.memory_space<hbm>>
        %dma_start3A_71 = tpu.memref_squeeze %dma_start3A_70 : memref<1x160x128xi32, #tpu.memory_space<hbm>> -> memref<160x128xi32, #tpu.memory_space<hbm>>
        %dma_start3A_72 = arith.constant 120 : i32
        %dma_start3A_73 = arith.constant 0 : i32
        %dma_start3A_74 = tpu.memref_slice %dma_start3A_71[%dma_start3A_72, %dma_start3A_73] : memref<160x128xi32, #tpu.memory_space<hbm>> -> memref<40x128xi32, #tpu.memory_space<hbm>>
        tpu.enqueue_dma source(%dma_start3A_74 : memref<40x128xi32, #tpu.memory_space<hbm>>) target(%dma_start3A_67 : memref<40x128xi32, #tpu.memory_space<vmem>>) target_semaphore(%run_scoped3A : memref<!tpu.dma_semaphore, #tpu.memory_space<semaphore_mem>>)
        %dma_wait3A = arith.constant 0 : i32
        %dma_wait3A_75 = arith.constant 0 : i32
        %dma_wait3A_76 = tpu.memref_slice %arg8[%dma_wait3A, %dma_wait3A_75] : memref<120x128xi32, #tpu.memory_space<vmem>> -> memref<40x128xi32, #tpu.memory_space<vmem>>
        %dma_wait3A_77 = arith.constant 0 : i32
        %dma_wait3A_78 = arith.constant 0 : i32
        %dma_wait3A_79 = tpu.memref_slice %arg3[%arg1, %dma_wait3A_77, %dma_wait3A_78] : memref<16x160x128xi32, #tpu.memory_space<hbm>> -> memref<1x160x128xi32, #tpu.memory_space<hbm>>
        %dma_wait3A_80 = tpu.memref_squeeze %dma_wait3A_79 : memref<1x160x128xi32, #tpu.memory_space<hbm>> -> memref<160x128xi32, #tpu.memory_space<hbm>>
        %dma_wait3A_81 = arith.constant 120 : i32
        %dma_wait3A_82 = arith.constant 0 : i32
        %dma_wait3A_83 = tpu.memref_slice %dma_wait3A_80[%dma_wait3A_81, %dma_wait3A_82] : memref<160x128xi32, #tpu.memory_space<hbm>> -> memref<40x128xi32, #tpu.memory_space<hbm>>
        %dma_wait3A_84 = arith.constant 0 : i32
        %dma_wait3A_85 = arith.constant 0 : i32
        %dma_wait3A_86 = tpu.memref_slice %arg8[%dma_wait3A_84, %dma_wait3A_85] : memref<120x128xi32, #tpu.memory_space<vmem>> -> memref<40x128xi32, #tpu.memory_space<vmem>>
        %dma_wait3A_87 = arith.constant 0 : i32
        %dma_wait3A_88 = arith.constant 0 : i32
        %dma_wait3A_89 = tpu.memref_slice %arg3[%arg1, %dma_wait3A_87, %dma_wait3A_88] : memref<16x160x128xi32, #tpu.memory_space<hbm>> -> memref<1x160x128xi32, #tpu.memory_space<hbm>>
        %dma_wait3A_90 = tpu.memref_squeeze %dma_wait3A_89 : memref<1x160x128xi32, #tpu.memory_space<hbm>> -> memref<160x128xi32, #tpu.memory_space<hbm>>
        %dma_wait3A_91 = arith.constant 120 : i32
        %dma_wait3A_92 = arith.constant 0 : i32
        %dma_wait3A_93 = tpu.memref_slice %dma_wait3A_90[%dma_wait3A_91, %dma_wait3A_92] : memref<160x128xi32, #tpu.memory_space<hbm>> -> memref<40x128xi32, #tpu.memory_space<hbm>>
        tpu.wait_dma2 semaphore(%run_scoped3A : memref<!tpu.dma_semaphore, #tpu.memory_space<semaphore_mem>>) src(%dma_wait3A_93 : memref<40x128xi32, #tpu.memory_space<hbm>>) dst(%dma_wait3A_86 : memref<40x128xi32, #tpu.memory_space<vmem>>)
        tpu.yield
      }) : () -> ()
      %dma_start3A = arith.constant 120 : i32
      %dma_start3A_10 = arith.constant 0 : i32
      %dma_start3A_11 = arith.constant 0 : i32
      %dma_start3A_12 = tpu.memref_slice %arg4[%arg1, %dma_start3A_10, %dma_start3A_11] : memref<16x160x128xi32, #tpu.memory_space<hbm>> -> memref<1x160x128xi32, #tpu.memory_space<hbm>>
      %dma_start3A_13 = tpu.memref_squeeze %dma_start3A_12 : memref<1x160x128xi32, #tpu.memory_space<hbm>> -> memref<160x128xi32, #tpu.memory_space<hbm>>
      %dma_start3A_14 = arith.constant 0 : i32
      %dma_start3A_15 = tpu.memref_slice %dma_start3A_13[%dma_start3A, %dma_start3A_14] : memref<160x128xi32, #tpu.memory_space<hbm>> -> memref<1x128xi32, #tpu.memory_space<hbm>>
      %dma_start3A_16 = tpu.memref_squeeze %dma_start3A_15 : memref<1x128xi32, #tpu.memory_space<hbm>> -> memref<128xi32, #tpu.memory_space<hbm>>
      %dma_start3A_17 = arith.constant 0 : i32
      %dma_start3A_18 = arith.constant 0 : i32
      %dma_start3A_19 = tpu.memref_slice %arg4[%arg1, %dma_start3A_17, %dma_start3A_18] : memref<16x160x128xi32, #tpu.memory_space<hbm>> -> memref<1x160x128xi32, #tpu.memory_space<hbm>>
      %dma_start3A_20 = tpu.memref_squeeze %dma_start3A_19 : memref<1x160x128xi32, #tpu.memory_space<hbm>> -> memref<160x128xi32, #tpu.memory_space<hbm>>
      %dma_start3A_21 = arith.constant 0 : i32
      %dma_start3A_22 = tpu.memref_slice %dma_start3A_20[%dma_start3A, %dma_start3A_21] : memref<160x128xi32, #tpu.memory_space<hbm>> -> memref<1x128xi32, #tpu.memory_space<hbm>>
      %dma_start3A_23 = tpu.memref_squeeze %dma_start3A_22 : memref<1x128xi32, #tpu.memory_space<hbm>> -> memref<128xi32, #tpu.memory_space<hbm>>
      tpu.enqueue_dma source(%dma_start3A_23 : memref<128xi32, #tpu.memory_space<hbm>>) target(%arg9 : memref<128xi32, #tpu.memory_space<vmem>>) target_semaphore(%arg15 : memref<!tpu.dma_semaphore, #tpu.memory_space<semaphore_mem>>)
      %dma_start3A_24 = arith.constant 121 : i32
      %dma_start3A_25 = arith.constant 0 : i32
      %dma_start3A_26 = arith.constant 0 : i32
      %dma_start3A_27 = tpu.memref_slice %arg4[%arg1, %dma_start3A_25, %dma_start3A_26] : memref<16x160x128xi32, #tpu.memory_space<hbm>> -> memref<1x160x128xi32, #tpu.memory_space<hbm>>
      %dma_start3A_28 = tpu.memref_squeeze %dma_start3A_27 : memref<1x160x128xi32, #tpu.memory_space<hbm>> -> memref<160x128xi32, #tpu.memory_space<hbm>>
      %dma_start3A_29 = arith.constant 0 : i32
      %dma_start3A_30 = tpu.memref_slice %dma_start3A_28[%dma_start3A_24, %dma_start3A_29] : memref<160x128xi32, #tpu.memory_space<hbm>> -> memref<1x128xi32, #tpu.memory_space<hbm>>
      %dma_start3A_31 = tpu.memref_squeeze %dma_start3A_30 : memref<1x128xi32, #tpu.memory_space<hbm>> -> memref<128xi32, #tpu.memory_space<hbm>>
      %dma_start3A_32 = arith.constant 0 : i32
      %dma_start3A_33 = arith.constant 0 : i32
      %dma_start3A_34 = tpu.memref_slice %arg4[%arg1, %dma_start3A_32, %dma_start3A_33] : memref<16x160x128xi32, #tpu.memory_space<hbm>> -> memref<1x160x128xi32, #tpu.memory_space<hbm>>
      %dma_start3A_35 = tpu.memref_squeeze %dma_start3A_34 : memref<1x160x128xi32, #tpu.memory_space<hbm>> -> memref<160x128xi32, #tpu.memory_space<hbm>>
      %dma_start3A_36 = arith.constant 0 : i32
      %dma_start3A_37 = tpu.memref_slice %dma_start3A_35[%dma_start3A_24, %dma_start3A_36] : memref<160x128xi32, #tpu.memory_space<hbm>> -> memref<1x128xi32, #tpu.memory_space<hbm>>
      %dma_start3A_38 = tpu.memref_squeeze %dma_start3A_37 : memref<1x128xi32, #tpu.memory_space<hbm>> -> memref<128xi32, #tpu.memory_space<hbm>>
      tpu.enqueue_dma source(%dma_start3A_38 : memref<128xi32, #tpu.memory_space<hbm>>) target(%arg10 : memref<128xi32, #tpu.memory_space<vmem>>) target_semaphore(%arg16 : memref<!tpu.dma_semaphore, #tpu.memory_space<semaphore_mem>>)
      %mul3A_39 = arith.constant 640 : i32
      %mul3A_40 = arith.muli %arg1, %mul3A_39 : i32
      %mul3A_41 = arith.constant 640 : i32
      %mul3A_42 = arith.muli %arg1, %mul3A_41 : i32
      "tpu.region"() ({
        %run_scoped3A = tpu.sem_alloc : memref<!tpu.dma_semaphore, #tpu.memory_space<semaphore_mem>>
        %dma_start3A_55 = arith.constant 0 : i32
        %dma_start3A_56 = tpu.memref_slice %arg7[%mul3A_42, %dma_start3A_55] : memref<10240x128xf32, #tpu.memory_space<vmem_shared>> -> memref<640x128xf32, #tpu.memory_space<vmem_shared>>
        %dma_start3A_57 = arith.constant 0 : i32
        %dma_start3A_58 = tpu.memref_slice %arg5[%mul3A_40, %dma_start3A_57] : memref<10240x128xf32, #tpu.memory_space<hbm>> -> memref<640x128xf32, #tpu.memory_space<hbm>>
        tpu.enqueue_dma source(%dma_start3A_58 : memref<640x128xf32, #tpu.memory_space<hbm>>) target(%dma_start3A_56 : memref<640x128xf32, #tpu.memory_space<vmem_shared>>) target_semaphore(%run_scoped3A : memref<!tpu.dma_semaphore, #tpu.memory_space<semaphore_mem>>)
        %dma_wait3A = arith.constant 0 : i32
        %dma_wait3A_59 = tpu.memref_slice %arg7[%mul3A_42, %dma_wait3A] : memref<10240x128xf32, #tpu.memory_space<vmem_shared>> -> memref<640x128xf32, #tpu.memory_space<vmem_shared>>
        %dma_wait3A_60 = arith.constant 0 : i32
        %dma_wait3A_61 = tpu.memref_slice %arg5[%mul3A_40, %dma_wait3A_60] : memref<10240x128xf32, #tpu.memory_space<hbm>> -> memref<640x128xf32, #tpu.memory_space<hbm>>
        tpu.wait_dma2 semaphore(%run_scoped3A : memref<!tpu.dma_semaphore, #tpu.memory_space<semaphore_mem>>) src(%dma_wait3A_61 : memref<640x128xf32, #tpu.memory_space<hbm>>) dst(%dma_wait3A_59 : memref<640x128xf32, #tpu.memory_space<vmem_shared>>)
        tpu.yield
      }) : () -> ()
      %barrier3A_43 = arith.constant 0 : index
      tpu.barrier barrier_id(%barrier3A_43)
      %dma_start3A_44 = arith.constant 0 : i32
      %dma_start3A_45 = arith.constant 0 : i32
      %dma_start3A_46 = tpu.memref_slice %arg8[%dma_start3A_44, %dma_start3A_45] : memref<120x128xi32, #tpu.memory_space<vmem>> -> memref<1x128xi32, #tpu.memory_space<vmem>>
      %dma_start3A_47 = tpu.memref_squeeze %dma_start3A_46 : memref<1x128xi32, #tpu.memory_space<vmem>> -> memref<128xi32, #tpu.memory_space<vmem>>
      %dma_start3A_48 = arith.constant 0 : i32
      %dma_start3A_49 = arith.constant 0 : i32
      %dma_start3A_50 = tpu.memref_slice %arg2[%dma_start3A_48, %dma_start3A_49] : memref<10240x128xf32, #tpu.memory_space<hbm>> -> memref<10240x128xf32, #tpu.memory_space<hbm>>
      tpu.enqueue_indirect_dma source(%dma_start3A_50 : memref<10240x128xf32, #tpu.memory_space<hbm>>) target(%arg11 : memref<128x128xf32, #tpu.memory_space<vmem>>) offsets(%dma_start3A_47 : memref<128xi32, #tpu.memory_space<vmem>>) semaphore(%arg13 : memref<!tpu.dma_semaphore, #tpu.memory_space<semaphore_mem>>)
      %scan3A = arith.constant 0 : i32
      %scan3A_51 = arith.constant 20 : i32
      %scan3A_52 = arith.addi %scan3A, %scan3A_51 : i32
      %scan3A_53 = arith.constant 1 : i32
      scf.for %scan3A_55 = %scan3A to %scan3A_52 step %scan3A_53  : i32 {
        %mul3A_56 = arith.constant 1 : i32
        %mul3A_57 = arith.muli %scan3A_55, %mul3A_56 : i32
        %add3A = arith.constant 0 : i32
        %add3A_58 = arith.addi %add3A, %mul3A_57 : i32
        %mul3A_59 = arith.constant 2 : i32
        %mul3A_60 = arith.muli %add3A_58, %mul3A_59 : i32
        %add3A_61 = arith.constant 1 : i32
        %add3A_62 = arith.addi %mul3A_60, %add3A_61 : i32
        %dma_start3A_63 = arith.constant 0 : i32
        %dma_start3A_64 = tpu.memref_slice %arg8[%add3A_62, %dma_start3A_63] : memref<120x128xi32, #tpu.memory_space<vmem>> -> memref<1x128xi32, #tpu.memory_space<vmem>>
        %dma_start3A_65 = tpu.memref_squeeze %dma_start3A_64 : memref<1x128xi32, #tpu.memory_space<vmem>> -> memref<128xi32, #tpu.memory_space<vmem>>
        %dma_start3A_66 = arith.constant 0 : i32
        %dma_start3A_67 = arith.constant 0 : i32
        %dma_start3A_68 = tpu.memref_slice %arg2[%dma_start3A_66, %dma_start3A_67] : memref<10240x128xf32, #tpu.memory_space<hbm>> -> memref<10240x128xf32, #tpu.memory_space<hbm>>
        tpu.enqueue_indirect_dma source(%dma_start3A_68 : memref<10240x128xf32, #tpu.memory_space<hbm>>) target(%arg12 : memref<128x128xf32, #tpu.memory_space<vmem>>) offsets(%dma_start3A_65 : memref<128xi32, #tpu.memory_space<vmem>>) semaphore(%arg14 : memref<!tpu.dma_semaphore, #tpu.memory_space<semaphore_mem>>)
        %dma_wait3A = arith.constant 0 : i32
        %dma_wait3A_69 = tpu.memref_slice %arg8[%mul3A_60, %dma_wait3A] : memref<120x128xi32, #tpu.memory_space<vmem>> -> memref<1x128xi32, #tpu.memory_space<vmem>>
        %dma_wait3A_70 = tpu.memref_squeeze %dma_wait3A_69 : memref<1x128xi32, #tpu.memory_space<vmem>> -> memref<128xi32, #tpu.memory_space<vmem>>
        %dma_wait3A_71 = arith.constant 0 : i32
        %dma_wait3A_72 = arith.constant 0 : i32
        %dma_wait3A_73 = tpu.memref_slice %arg2[%dma_wait3A_71, %dma_wait3A_72] : memref<10240x128xf32, #tpu.memory_space<hbm>> -> memref<10240x128xf32, #tpu.memory_space<hbm>>
        tpu.wait_indirect_dma semaphore(%arg13 : memref<!tpu.dma_semaphore, #tpu.memory_space<semaphore_mem>>) src(%dma_wait3A_73 : memref<10240x128xf32, #tpu.memory_space<hbm>>) dst(%arg11 : memref<128x128xf32, #tpu.memory_space<vmem>>)
        %add3A_74 = arith.constant 120 : i32
        %add3A_75 = arith.addi %add3A_74, %mul3A_60 : i32
        %dma_wait3A_76 = arith.constant 0 : i32
        %dma_wait3A_77 = arith.constant 0 : i32
        %dma_wait3A_78 = tpu.memref_slice %arg4[%arg1, %dma_wait3A_76, %dma_wait3A_77] : memref<16x160x128xi32, #tpu.memory_space<hbm>> -> memref<1x160x128xi32, #tpu.memory_space<hbm>>
        %dma_wait3A_79 = tpu.memref_squeeze %dma_wait3A_78 : memref<1x160x128xi32, #tpu.memory_space<hbm>> -> memref<160x128xi32, #tpu.memory_space<hbm>>
        %dma_wait3A_80 = arith.constant 0 : i32
        %dma_wait3A_81 = tpu.memref_slice %dma_wait3A_79[%add3A_75, %dma_wait3A_80] : memref<160x128xi32, #tpu.memory_space<hbm>> -> memref<1x128xi32, #tpu.memory_space<hbm>>
        %dma_wait3A_82 = tpu.memref_squeeze %dma_wait3A_81 : memref<1x128xi32, #tpu.memory_space<hbm>> -> memref<128xi32, #tpu.memory_space<hbm>>
        %dma_wait3A_83 = arith.constant 0 : i32
        %dma_wait3A_84 = arith.constant 0 : i32
        %dma_wait3A_85 = tpu.memref_slice %arg4[%arg1, %dma_wait3A_83, %dma_wait3A_84] : memref<16x160x128xi32, #tpu.memory_space<hbm>> -> memref<1x160x128xi32, #tpu.memory_space<hbm>>
        %dma_wait3A_86 = tpu.memref_squeeze %dma_wait3A_85 : memref<1x160x128xi32, #tpu.memory_space<hbm>> -> memref<160x128xi32, #tpu.memory_space<hbm>>
        %dma_wait3A_87 = arith.constant 0 : i32
        %dma_wait3A_88 = tpu.memref_slice %dma_wait3A_86[%add3A_75, %dma_wait3A_87] : memref<160x128xi32, #tpu.memory_space<hbm>> -> memref<1x128xi32, #tpu.memory_space<hbm>>
        %dma_wait3A_89 = tpu.memref_squeeze %dma_wait3A_88 : memref<1x128xi32, #tpu.memory_space<hbm>> -> memref<128xi32, #tpu.memory_space<hbm>>
        tpu.wait_dma2 semaphore(%arg15 : memref<!tpu.dma_semaphore, #tpu.memory_space<semaphore_mem>>) src(%dma_wait3A_89 : memref<128xi32, #tpu.memory_space<hbm>>) dst(%arg9 : memref<128xi32, #tpu.memory_space<vmem>>)
        "tpu.region"() ({
          %run_scoped3A = tpu.sem_alloc : memref<!tpu.dma_semaphore, #tpu.memory_space<semaphore_mem>>
          %dma_start3A_125 = arith.constant 0 : i32
          %dma_start3A_126 = arith.constant 0 : i32
          %dma_start3A_127 = tpu.memref_slice %arg7[%dma_start3A_125, %dma_start3A_126] : memref<10240x128xf32, #tpu.memory_space<vmem_shared>> -> memref<10240x128xf32, #tpu.memory_space<vmem_shared>>
          tpu.enqueue_indirect_dma source(%arg11 : memref<128x128xf32, #tpu.memory_space<vmem>>) target(%dma_start3A_127 : memref<10240x128xf32, #tpu.memory_space<vmem_shared>>) offsets(%arg9 : memref<128xi32, #tpu.memory_space<vmem>>) semaphore(%run_scoped3A : memref<!tpu.dma_semaphore, #tpu.memory_space<semaphore_mem>>) {add = true}
          %dma_wait3A_128 = arith.constant 0 : i32
          %dma_wait3A_129 = arith.constant 0 : i32
          %dma_wait3A_130 = tpu.memref_slice %arg7[%dma_wait3A_128, %dma_wait3A_129] : memref<10240x128xf32, #tpu.memory_space<vmem_shared>> -> memref<10240x128xf32, #tpu.memory_space<vmem_shared>>
          tpu.wait_indirect_dma semaphore(%run_scoped3A : memref<!tpu.dma_semaphore, #tpu.memory_space<semaphore_mem>>) src(%arg11 : memref<128x128xf32, #tpu.memory_space<vmem>>) dst(%dma_wait3A_130 : memref<10240x128xf32, #tpu.memory_space<vmem_shared>>)
          tpu.yield
        }) : () -> ()
        %lt3A = arith.constant 19 : i32
        %lt3A_90 = arith.cmpi slt, %add3A_58, %lt3A : i32
        %convert_element_type3A_91 = arith.extui %lt3A_90 : i1 to i32
        %cond3A_92 = arith.constant 0 : i32
        %cond3A_93 = arith.cmpi ne, %convert_element_type3A_91, %cond3A_92 : i32
        scf.if %cond3A_93 {
          %add3A_125 = arith.constant 120 : i32
          %add3A_126 = arith.addi %add3A_125, %mul3A_60 : i32
          %add3A_127 = arith.constant 2 : i32
          %add3A_128 = arith.addi %add3A_126, %add3A_127 : i32
          %dma_start3A_129 = arith.constant 0 : i32
          %dma_start3A_130 = arith.constant 0 : i32
          %dma_start3A_131 = tpu.memref_slice %arg4[%arg1, %dma_start3A_129, %dma_start3A_130] : memref<16x160x128xi32, #tpu.memory_space<hbm>> -> memref<1x160x128xi32, #tpu.memory_space<hbm>>
          %dma_start3A_132 = tpu.memref_squeeze %dma_start3A_131 : memref<1x160x128xi32, #tpu.memory_space<hbm>> -> memref<160x128xi32, #tpu.memory_space<hbm>>
          %dma_start3A_133 = arith.constant 0 : i32
          %dma_start3A_134 = tpu.memref_slice %dma_start3A_132[%add3A_128, %dma_start3A_133] : memref<160x128xi32, #tpu.memory_space<hbm>> -> memref<1x128xi32, #tpu.memory_space<hbm>>
          %dma_start3A_135 = tpu.memref_squeeze %dma_start3A_134 : memref<1x128xi32, #tpu.memory_space<hbm>> -> memref<128xi32, #tpu.memory_space<hbm>>
          %dma_start3A_136 = arith.constant 0 : i32
          %dma_start3A_137 = arith.constant 0 : i32
          %dma_start3A_138 = tpu.memref_slice %arg4[%arg1, %dma_start3A_136, %dma_start3A_137] : memref<16x160x128xi32, #tpu.memory_space<hbm>> -> memref<1x160x128xi32, #tpu.memory_space<hbm>>
          %dma_start3A_139 = tpu.memref_squeeze %dma_start3A_138 : memref<1x160x128xi32, #tpu.memory_space<hbm>> -> memref<160x128xi32, #tpu.memory_space<hbm>>
          %dma_start3A_140 = arith.constant 0 : i32
          %dma_start3A_141 = tpu.memref_slice %dma_start3A_139[%add3A_128, %dma_start3A_140] : memref<160x128xi32, #tpu.memory_space<hbm>> -> memref<1x128xi32, #tpu.memory_space<hbm>>
          %dma_start3A_142 = tpu.memref_squeeze %dma_start3A_141 : memref<1x128xi32, #tpu.memory_space<hbm>> -> memref<128xi32, #tpu.memory_space<hbm>>
          tpu.enqueue_dma source(%dma_start3A_142 : memref<128xi32, #tpu.memory_space<hbm>>) target(%arg9 : memref<128xi32, #tpu.memory_space<vmem>>) target_semaphore(%arg15 : memref<!tpu.dma_semaphore, #tpu.memory_space<semaphore_mem>>)
          %add3A_143 = arith.constant 2 : i32
          %add3A_144 = arith.addi %mul3A_60, %add3A_143 : i32
          %dma_start3A_145 = arith.constant 0 : i32
          %dma_start3A_146 = tpu.memref_slice %arg8[%add3A_144, %dma_start3A_145] : memref<120x128xi32, #tpu.memory_space<vmem>> -> memref<1x128xi32, #tpu.memory_space<vmem>>
          %dma_start3A_147 = tpu.memref_squeeze %dma_start3A_146 : memref<1x128xi32, #tpu.memory_space<vmem>> -> memref<128xi32, #tpu.memory_space<vmem>>
          %dma_start3A_148 = arith.constant 0 : i32
          %dma_start3A_149 = arith.constant 0 : i32
          %dma_start3A_150 = tpu.memref_slice %arg2[%dma_start3A_148, %dma_start3A_149] : memref<10240x128xf32, #tpu.memory_space<hbm>> -> memref<10240x128xf32, #tpu.memory_space<hbm>>
          tpu.enqueue_indirect_dma source(%dma_start3A_150 : memref<10240x128xf32, #tpu.memory_space<hbm>>) target(%arg11 : memref<128x128xf32, #tpu.memory_space<vmem>>) offsets(%dma_start3A_147 : memref<128xi32, #tpu.memory_space<vmem>>) semaphore(%arg13 : memref<!tpu.dma_semaphore, #tpu.memory_space<semaphore_mem>>)
        } else {
        }
        %add3A_94 = arith.constant 1 : i32
        %add3A_95 = arith.addi %mul3A_60, %add3A_94 : i32
        %dma_wait3A_96 = arith.constant 0 : i32
        %dma_wait3A_97 = tpu.memref_slice %arg8[%add3A_95, %dma_wait3A_96] : memref<120x128xi32, #tpu.memory_space<vmem>> -> memref<1x128xi32, #tpu.memory_space<vmem>>
        %dma_wait3A_98 = tpu.memref_squeeze %dma_wait3A_97 : memref<1x128xi32, #tpu.memory_space<vmem>> -> memref<128xi32, #tpu.memory_space<vmem>>
        %dma_wait3A_99 = arith.constant 0 : i32
        %dma_wait3A_100 = arith.constant 0 : i32
        %dma_wait3A_101 = tpu.memref_slice %arg2[%dma_wait3A_99, %dma_wait3A_100] : memref<10240x128xf32, #tpu.memory_space<hbm>> -> memref<10240x128xf32, #tpu.memory_space<hbm>>
        tpu.wait_indirect_dma semaphore(%arg14 : memref<!tpu.dma_semaphore, #tpu.memory_space<semaphore_mem>>) src(%dma_wait3A_101 : memref<10240x128xf32, #tpu.memory_space<hbm>>) dst(%arg12 : memref<128x128xf32, #tpu.memory_space<vmem>>)
        %add3A_102 = arith.constant 120 : i32
        %add3A_103 = arith.addi %add3A_102, %mul3A_60 : i32
        %add3A_104 = arith.constant 1 : i32
        %add3A_105 = arith.addi %add3A_103, %add3A_104 : i32
        %dma_wait3A_106 = arith.constant 0 : i32
        %dma_wait3A_107 = arith.constant 0 : i32
        %dma_wait3A_108 = tpu.memref_slice %arg4[%arg1, %dma_wait3A_106, %dma_wait3A_107] : memref<16x160x128xi32, #tpu.memory_space<hbm>> -> memref<1x160x128xi32, #tpu.memory_space<hbm>>
        %dma_wait3A_109 = tpu.memref_squeeze %dma_wait3A_108 : memref<1x160x128xi32, #tpu.memory_space<hbm>> -> memref<160x128xi32, #tpu.memory_space<hbm>>
        %dma_wait3A_110 = arith.constant 0 : i32
        %dma_wait3A_111 = tpu.memref_slice %dma_wait3A_109[%add3A_105, %dma_wait3A_110] : memref<160x128xi32, #tpu.memory_space<hbm>> -> memref<1x128xi32, #tpu.memory_space<hbm>>
        %dma_wait3A_112 = tpu.memref_squeeze %dma_wait3A_111 : memref<1x128xi32, #tpu.memory_space<hbm>> -> memref<128xi32, #tpu.memory_space<hbm>>
        %dma_wait3A_113 = arith.constant 0 : i32
        %dma_wait3A_114 = arith.constant 0 : i32
        %dma_wait3A_115 = tpu.memref_slice %arg4[%arg1, %dma_wait3A_113, %dma_wait3A_114] : memref<16x160x128xi32, #tpu.memory_space<hbm>> -> memref<1x160x128xi32, #tpu.memory_space<hbm>>
        %dma_wait3A_116 = tpu.memref_squeeze %dma_wait3A_115 : memref<1x160x128xi32, #tpu.memory_space<hbm>> -> memref<160x128xi32, #tpu.memory_space<hbm>>
        %dma_wait3A_117 = arith.constant 0 : i32
        %dma_wait3A_118 = tpu.memref_slice %dma_wait3A_116[%add3A_105, %dma_wait3A_117] : memref<160x128xi32, #tpu.memory_space<hbm>> -> memref<1x128xi32, #tpu.memory_space<hbm>>
        %dma_wait3A_119 = tpu.memref_squeeze %dma_wait3A_118 : memref<1x128xi32, #tpu.memory_space<hbm>> -> memref<128xi32, #tpu.memory_space<hbm>>
        tpu.wait_dma2 semaphore(%arg16 : memref<!tpu.dma_semaphore, #tpu.memory_space<semaphore_mem>>) src(%dma_wait3A_119 : memref<128xi32, #tpu.memory_space<hbm>>) dst(%arg10 : memref<128xi32, #tpu.memory_space<vmem>>)
        "tpu.region"() ({
          %run_scoped3A = tpu.sem_alloc : memref<!tpu.dma_semaphore, #tpu.memory_space<semaphore_mem>>
          %dma_start3A_125 = arith.constant 0 : i32
          %dma_start3A_126 = arith.constant 0 : i32
          %dma_start3A_127 = tpu.memref_slice %arg7[%dma_start3A_125, %dma_start3A_126] : memref<10240x128xf32, #tpu.memory_space<vmem_shared>> -> memref<10240x128xf32, #tpu.memory_space<vmem_shared>>
          tpu.enqueue_indirect_dma source(%arg12 : memref<128x128xf32, #tpu.memory_space<vmem>>) target(%dma_start3A_127 : memref<10240x128xf32, #tpu.memory_space<vmem_shared>>) offsets(%arg10 : memref<128xi32, #tpu.memory_space<vmem>>) semaphore(%run_scoped3A : memref<!tpu.dma_semaphore, #tpu.memory_space<semaphore_mem>>) {add = true}
          %dma_wait3A_128 = arith.constant 0 : i32
          %dma_wait3A_129 = arith.constant 0 : i32
          %dma_wait3A_130 = tpu.memref_slice %arg7[%dma_wait3A_128, %dma_wait3A_129] : memref<10240x128xf32, #tpu.memory_space<vmem_shared>> -> memref<10240x128xf32, #tpu.memory_space<vmem_shared>>
          tpu.wait_indirect_dma semaphore(%run_scoped3A : memref<!tpu.dma_semaphore, #tpu.memory_space<semaphore_mem>>) src(%arg12 : memref<128x128xf32, #tpu.memory_space<vmem>>) dst(%dma_wait3A_130 : memref<10240x128xf32, #tpu.memory_space<vmem_shared>>)
          tpu.yield
        }) : () -> ()
        %lt3A_120 = arith.constant 19 : i32
        %lt3A_121 = arith.cmpi slt, %add3A_58, %lt3A_120 : i32
        %convert_element_type3A_122 = arith.extui %lt3A_121 : i1 to i32
        %cond3A_123 = arith.constant 0 : i32
        %cond3A_124 = arith.cmpi ne, %convert_element_type3A_122, %cond3A_123 : i32
        scf.if %cond3A_124 {
          %add3A_125 = arith.constant 120 : i32
          %add3A_126 = arith.addi %add3A_125, %mul3A_60 : i32
          %add3A_127 = arith.constant 3 : i32
          %add3A_128 = arith.addi %add3A_126, %add3A_127 : i32
          %dma_start3A_129 = arith.constant 0 : i32
          %dma_start3A_130 = arith.constant 0 : i32
          %dma_start3A_131 = tpu.memref_slice %arg4[%arg1, %dma_start3A_129, %dma_start3A_130] : memref<16x160x128xi32, #tpu.memory_space<hbm>> -> memref<1x160x128xi32, #tpu.memory_space<hbm>>
          %dma_start3A_132 = tpu.memref_squeeze %dma_start3A_131 : memref<1x160x128xi32, #tpu.memory_space<hbm>> -> memref<160x128xi32, #tpu.memory_space<hbm>>
          %dma_start3A_133 = arith.constant 0 : i32
          %dma_start3A_134 = tpu.memref_slice %dma_start3A_132[%add3A_128, %dma_start3A_133] : memref<160x128xi32, #tpu.memory_space<hbm>> -> memref<1x128xi32, #tpu.memory_space<hbm>>
          %dma_start3A_135 = tpu.memref_squeeze %dma_start3A_134 : memref<1x128xi32, #tpu.memory_space<hbm>> -> memref<128xi32, #tpu.memory_space<hbm>>
          %dma_start3A_136 = arith.constant 0 : i32
          %dma_start3A_137 = arith.constant 0 : i32
          %dma_start3A_138 = tpu.memref_slice %arg4[%arg1, %dma_start3A_136, %dma_start3A_137] : memref<16x160x128xi32, #tpu.memory_space<hbm>> -> memref<1x160x128xi32, #tpu.memory_space<hbm>>
          %dma_start3A_139 = tpu.memref_squeeze %dma_start3A_138 : memref<1x160x128xi32, #tpu.memory_space<hbm>> -> memref<160x128xi32, #tpu.memory_space<hbm>>
          %dma_start3A_140 = arith.constant 0 : i32
          %dma_start3A_141 = tpu.memref_slice %dma_start3A_139[%add3A_128, %dma_start3A_140] : memref<160x128xi32, #tpu.memory_space<hbm>> -> memref<1x128xi32, #tpu.memory_space<hbm>>
          %dma_start3A_142 = tpu.memref_squeeze %dma_start3A_141 : memref<1x128xi32, #tpu.memory_space<hbm>> -> memref<128xi32, #tpu.memory_space<hbm>>
          tpu.enqueue_dma source(%dma_start3A_142 : memref<128xi32, #tpu.memory_space<hbm>>) target(%arg10 : memref<128xi32, #tpu.memory_space<vmem>>) target_semaphore(%arg16 : memref<!tpu.dma_semaphore, #tpu.memory_space<semaphore_mem>>)
        } else {
        }
      }
      %scan3A_54 = arith.constant 20 : i32
    } else {
    }
    %barrier3A = arith.constant 0 : index
    tpu.barrier barrier_id(%barrier3A)
    %mul3A = arith.constant 640 : i32
    %mul3A_7 = arith.muli %arg1, %mul3A : i32
    %mul3A_8 = arith.constant 640 : i32
    %mul3A_9 = arith.muli %arg1, %mul3A_8 : i32
    "tpu.region"() ({
      %run_scoped3A = tpu.sem_alloc : memref<!tpu.dma_semaphore, #tpu.memory_space<semaphore_mem>>
      %dma_start3A = arith.constant 0 : i32
      %dma_start3A_10 = arith.constant 0 : i32
      %dma_start3A_11 = tpu.memref_slice %arg6[%arg0, %dma_start3A, %dma_start3A_10] : memref<2x10240x128xf32, #tpu.memory_space<hbm>> -> memref<1x10240x128xf32, #tpu.memory_space<hbm>>
      %dma_start3A_12 = tpu.memref_squeeze %dma_start3A_11 : memref<1x10240x128xf32, #tpu.memory_space<hbm>> -> memref<10240x128xf32, #tpu.memory_space<hbm>>
      %dma_start3A_13 = arith.constant 0 : i32
      %dma_start3A_14 = tpu.memref_slice %dma_start3A_12[%mul3A_9, %dma_start3A_13] : memref<10240x128xf32, #tpu.memory_space<hbm>> -> memref<640x128xf32, #tpu.memory_space<hbm>>
      %dma_start3A_15 = arith.constant 0 : i32
      %dma_start3A_16 = tpu.memref_slice %arg7[%mul3A_7, %dma_start3A_15] : memref<10240x128xf32, #tpu.memory_space<vmem_shared>> -> memref<640x128xf32, #tpu.memory_space<vmem_shared>>
      tpu.enqueue_dma source(%dma_start3A_16 : memref<640x128xf32, #tpu.memory_space<vmem_shared>>) target(%dma_start3A_14 : memref<640x128xf32, #tpu.memory_space<hbm>>) target_semaphore(%run_scoped3A : memref<!tpu.dma_semaphore, #tpu.memory_space<semaphore_mem>>)
      %dma_wait3A = arith.constant 0 : i32
      %dma_wait3A_17 = arith.constant 0 : i32
      %dma_wait3A_18 = tpu.memref_slice %arg6[%arg0, %dma_wait3A, %dma_wait3A_17] : memref<2x10240x128xf32, #tpu.memory_space<hbm>> -> memref<1x10240x128xf32, #tpu.memory_space<hbm>>
      %dma_wait3A_19 = tpu.memref_squeeze %dma_wait3A_18 : memref<1x10240x128xf32, #tpu.memory_space<hbm>> -> memref<10240x128xf32, #tpu.memory_space<hbm>>
      %dma_wait3A_20 = arith.constant 0 : i32
      %dma_wait3A_21 = tpu.memref_slice %dma_wait3A_19[%mul3A_9, %dma_wait3A_20] : memref<10240x128xf32, #tpu.memory_space<hbm>> -> memref<640x128xf32, #tpu.memory_space<hbm>>
      %dma_wait3A_22 = arith.constant 0 : i32
      %dma_wait3A_23 = tpu.memref_slice %arg7[%mul3A_7, %dma_wait3A_22] : memref<10240x128xf32, #tpu.memory_space<vmem_shared>> -> memref<640x128xf32, #tpu.memory_space<vmem_shared>>
      tpu.wait_dma2 semaphore(%run_scoped3A : memref<!tpu.dma_semaphore, #tpu.memory_space<semaphore_mem>>) src(%dma_wait3A_23 : memref<640x128xf32, #tpu.memory_space<vmem_shared>>) dst(%dma_wait3A_21 : memref<640x128xf32, #tpu.memory_space<hbm>>)
      tpu.yield
    }) : () -> ()
    return
  }
}

module attributes {stable_mosaic.version = 14 : i64} {
  func.func @body(%arg0: i32, %arg1: memref<32x1280xf32, #tpu.memory_space<vmem>>, %arg2: memref<1280x128xf32, #tpu.memory_space<vmem>>, %arg3: memref<1280x1xf32, #tpu.memory_space<vmem>>, %arg4: memref<1280x128xf32, #tpu.memory_space<vmem>>) attributes {dimension_semantics = [#tpu.dimension_semantics<arbitrary>], iteration_bounds = array<i64: 8>, scalar_prefetch = 0 : i64, scratch_operands = 0 : i64, tpu.core_type = #tpu.core_type<tc>, window_params = [{transform_indices = @transform_0, window_bounds = array<i64: 32, 1280>}, {transform_indices = @transform_1, window_bounds = array<i64: 1280, 128>}, {transform_indices = @transform_2, window_bounds = array<i64: 1280, 1>}, {transform_indices = @transform_3, window_bounds = array<i64: 1280, 128>}]} {
    %get3A = arith.constant 0 : index
    %get3A_0 = arith.constant 0 : index
    %get3A_1 = vector.load %arg1[%get3A, %get3A_0] : memref<32x1280xf32, #tpu.memory_space<vmem>>, vector<32x1280xf32>
    %reduce_sum3A = arith.constant dense<0.000000e+00> : vector<1280xf32>
    %reduce_sum3A_2 = vector.multi_reduction <add>, %get3A_1, %reduce_sum3A [0] : vector<32x1280xf32> to vector<1280xf32>
    %gt3A = arith.constant 0.000000e+00 : f32
    %gt3A_3 = vector.broadcast %gt3A : f32 to vector<1280xf32>
    %gt3A_4 = arith.cmpf ogt, %reduce_sum3A_2, %gt3A_3 : vector<1280xf32>
    %rsqrt3A = math.rsqrt %reduce_sum3A_2 : vector<1280xf32>
    %jit3A = arith.constant 0.000000e+00 : f32
    %broadcast_in_dim3A = vector.broadcast %jit3A : f32 to vector<1280xf32>
    %select_n3A = arith.select %gt3A_4, %rsqrt3A, %broadcast_in_dim3A : vector<1280xi1>, vector<1280xf32>
    %broadcast_in_dim3A_5 = vector.shape_cast %select_n3A : vector<1280xf32> to vector<1280x1xf32>
    %swap3A = arith.constant 0 : index
    %swap3A_6 = arith.constant 0 : index
    %swap3A_7 = vector.load %arg3[%swap3A, %swap3A_6] : memref<1280x1xf32, #tpu.memory_space<vmem>>, vector<1280x1xf32>
    tpu.vector_store %arg3[%swap3A, %swap3A_6], %broadcast_in_dim3A_5 {strides = array<i32>} : memref<1280x1xf32, #tpu.memory_space<vmem>>, vector<1280x1xf32>,
    %get3A_8 = arith.constant 0 : index
    %get3A_9 = arith.constant 0 : index
    %get3A_10 = vector.load %arg2[%get3A_8, %get3A_9] : memref<1280x128xf32, #tpu.memory_space<vmem>>, vector<1280x128xf32>
    %mul3A = vector.broadcast %broadcast_in_dim3A_5 : vector<1280x1xf32> to vector<1280x128xf32>
    %mul3A_11 = arith.mulf %get3A_10, %mul3A : vector<1280x128xf32>
    %swap3A_12 = arith.constant 0 : index
    %swap3A_13 = arith.constant 0 : index
    %swap3A_14 = vector.load %arg4[%swap3A_12, %swap3A_13] : memref<1280x128xf32, #tpu.memory_space<vmem>>, vector<1280x128xf32>
    tpu.vector_store %arg4[%swap3A_12, %swap3A_13], %mul3A_11 {strides = array<i32>} : memref<1280x128xf32, #tpu.memory_space<vmem>>, vector<1280x128xf32>,
    return
  }
  func.func @transform_0(%arg0: i32) -> (i32, i32) {
    %c0_i32 = arith.constant 0 : i32
    %c0_i32_0 = arith.constant 0 : i32
    return %c0_i32, %arg0 : i32, i32
  }
  func.func @transform_1(%arg0: i32) -> (i32, i32) {
    %c0_i32 = arith.constant 0 : i32
    %c0_i32_0 = arith.constant 0 : i32
    return %arg0, %c0_i32 : i32, i32
  }
  func.func @transform_2(%arg0: i32) -> (i32, i32) {
    %c0_i32 = arith.constant 0 : i32
    %c0_i32_0 = arith.constant 0 : i32
    return %arg0, %c0_i32 : i32, i32
  }
  func.func @transform_3(%arg0: i32) -> (i32, i32) {
    %c0_i32 = arith.constant 0 : i32
    %c0_i32_0 = arith.constant 0 : i32
    return %arg0, %c0_i32 : i32, i32
  }
}

module attributes {stable_mosaic.version = 14 : i64} {
  func.func @body(%arg0: i32, %arg1: memref<2x1280x128xf32, #tpu.memory_space<vmem>>, %arg2: memref<1280x1xf32, #tpu.memory_space<vmem>>, %arg3: memref<1280x128xf32, #tpu.memory_space<vmem>>, %arg4: memref<1280x128xf32, #tpu.memory_space<vmem>>) attributes {dimension_semantics = [#tpu.dimension_semantics<arbitrary>], iteration_bounds = array<i64: 8>, scalar_prefetch = 0 : i64, scratch_operands = 0 : i64, tpu.core_type = #tpu.core_type<tc>, window_params = [{transform_indices = @transform_0, window_bounds = array<i64: 2, 1280, 128>}, {transform_indices = @transform_1, window_bounds = array<i64: 1280, 1>}, {transform_indices = @transform_2, window_bounds = array<i64: 1280, 128>}, {transform_indices = @transform_3, window_bounds = array<i64: 1280, 128>}]} {
    %get3A = arith.constant 0 : index
    %get3A_0 = arith.constant 0 : index
    %get3A_1 = arith.constant 0 : index
    %get3A_2 = vector.load %arg1[%get3A, %get3A_0, %get3A_1] : memref<2x1280x128xf32, #tpu.memory_space<vmem>>, vector<1x1280x128xf32>
    %get3A_3 = vector.shape_cast %get3A_2 : vector<1x1280x128xf32> to vector<1280x128xf32>
    %get3A_4 = arith.constant 1 : index
    %get3A_5 = arith.constant 0 : index
    %get3A_6 = arith.constant 0 : index
    %get3A_7 = vector.load %arg1[%get3A_4, %get3A_5, %get3A_6] : memref<2x1280x128xf32, #tpu.memory_space<vmem>>, vector<1x1280x128xf32>
    %get3A_8 = vector.shape_cast %get3A_7 : vector<1x1280x128xf32> to vector<1280x128xf32>
    %add3A = arith.addf %get3A_3, %get3A_8 : vector<1280x128xf32>
    %get3A_9 = arith.constant 0 : index
    %get3A_10 = arith.constant 0 : index
    %get3A_11 = vector.load %arg2[%get3A_9, %get3A_10] : memref<1280x1xf32, #tpu.memory_space<vmem>>, vector<1280x1xf32>
    %neg3A = arith.constant 0.000000e+00 : f32
    %neg3A_12 = vector.broadcast %neg3A : f32 to vector<1280x1xf32>
    %neg3A_13 = arith.subf %neg3A_12, %get3A_11 : vector<1280x1xf32>
    %mul3A = vector.broadcast %neg3A_13 : vector<1280x1xf32> to vector<1280x128xf32>
    %mul3A_14 = arith.mulf %mul3A, %add3A : vector<1280x128xf32>
    %swap3A = arith.constant 0 : index
    %swap3A_15 = arith.constant 0 : index
    %swap3A_16 = vector.load %arg3[%swap3A, %swap3A_15] : memref<1280x128xf32, #tpu.memory_space<vmem>>, vector<1280x128xf32>
    tpu.vector_store %arg3[%swap3A, %swap3A_15], %mul3A_14 {strides = array<i32>} : memref<1280x128xf32, #tpu.memory_space<vmem>>, vector<1280x128xf32>,
    %mul3A_17 = vector.broadcast %get3A_11 : vector<1280x1xf32> to vector<1280x128xf32>
    %mul3A_18 = arith.mulf %mul3A_17, %mul3A_14 : vector<1280x128xf32>
    %swap3A_19 = arith.constant 0 : index
    %swap3A_20 = arith.constant 0 : index
    %swap3A_21 = vector.load %arg4[%swap3A_19, %swap3A_20] : memref<1280x128xf32, #tpu.memory_space<vmem>>, vector<1280x128xf32>
    tpu.vector_store %arg4[%swap3A_19, %swap3A_20], %mul3A_18 {strides = array<i32>} : memref<1280x128xf32, #tpu.memory_space<vmem>>, vector<1280x128xf32>,
    return
  }
  func.func @transform_0(%arg0: i32) -> (i32, i32, i32) {
    %c0_i32 = arith.constant 0 : i32
    %c0_i32_0 = arith.constant 0 : i32
    %c0_i32_1 = arith.constant 0 : i32
    return %c0_i32, %arg0, %c0_i32_0 : i32, i32, i32
  }
  func.func @transform_1(%arg0: i32) -> (i32, i32) {
    %c0_i32 = arith.constant 0 : i32
    %c0_i32_0 = arith.constant 0 : i32
    return %arg0, %c0_i32 : i32, i32
  }
  func.func @transform_2(%arg0: i32) -> (i32, i32) {
    %c0_i32 = arith.constant 0 : i32
    %c0_i32_0 = arith.constant 0 : i32
    return %arg0, %c0_i32 : i32, i32
  }
  func.func @transform_3(%arg0: i32) -> (i32, i32) {
    %c0_i32 = arith.constant 0 : i32
    %c0_i32_0 = arith.constant 0 : i32
    return %arg0, %c0_i32 : i32, i32
  }
}

module attributes {stable_mosaic.version = 14 : i64} {
  func.func @body(%arg0: i32, %arg1: memref<1280x128xf32, #tpu.memory_space<vmem>>, %arg2: memref<1280x128xf32, #tpu.memory_space<vmem>>, %arg3: memref<2x1280x128xf32, #tpu.memory_space<vmem>>, %arg4: memref<1280x1xf32, #tpu.memory_space<vmem>>, %arg5: memref<384x512xf32, #tpu.memory_space<vmem>>, %arg6: memref<1x512xf32, #tpu.memory_space<vmem>>, %arg7: memref<1x512xf32, #tpu.memory_space<vmem>>, %arg8: memref<256x128xf32, #tpu.memory_space<vmem>>, %arg9: memref<1x128xf32, #tpu.memory_space<vmem>>, %arg10: memref<1280x128xf32, #tpu.memory_space<vmem>>) attributes {dimension_semantics = [#tpu.dimension_semantics<arbitrary>], iteration_bounds = array<i64: 8>, scalar_prefetch = 0 : i64, scratch_operands = 0 : i64, tpu.core_type = #tpu.core_type<tc>, window_params = [{transform_indices = @transform_0, window_bounds = array<i64: 1280, 128>}, {transform_indices = @transform_1, window_bounds = array<i64: 1280, 128>}, {transform_indices = @transform_2, window_bounds = array<i64: 2, 1280, 128>}, {transform_indices = @transform_3, window_bounds = array<i64: 1280, 1>}, {pipeline_mode = #tpu.pipeline_mode<synchronous>, transform_indices = @transform_4, window_bounds = array<i64: 384, 512>}, {pipeline_mode = #tpu.pipeline_mode<synchronous>, transform_indices = @transform_5, window_bounds = array<i64: 1, 512>}, {pipeline_mode = #tpu.pipeline_mode<synchronous>, transform_indices = @transform_6, window_bounds = array<i64: 1, 512>}, {pipeline_mode = #tpu.pipeline_mode<synchronous>, transform_indices = @transform_7, window_bounds = array<i64: 256, 128>}, {pipeline_mode = #tpu.pipeline_mode<synchronous>, transform_indices = @transform_8, window_bounds = array<i64: 1, 128>}, {transform_indices = @transform_9, window_bounds = array<i64: 1280, 128>}]} {
    %get3A = arith.constant 0 : index
    %get3A_0 = arith.constant 0 : index
    %get3A_1 = vector.load %arg1[%get3A, %get3A_0] : memref<1280x128xf32, #tpu.memory_space<vmem>>, vector<1280x128xf32>
    %get3A_2 = arith.constant 0 : index
    %get3A_3 = arith.constant 0 : index
    %get3A_4 = vector.load %arg4[%get3A_2, %get3A_3] : memref<1280x1xf32, #tpu.memory_space<vmem>>, vector<1280x1xf32>
    %mul3A = arith.constant -2.000000e+00 : f32
    %mul3A_5 = vector.broadcast %mul3A : f32 to vector<1280x1xf32>
    %mul3A_6 = arith.mulf %mul3A_5, %get3A_4 : vector<1280x1xf32>
    %get3A_7 = arith.constant 0 : index
    %get3A_8 = arith.constant 0 : index
    %get3A_9 = arith.constant 0 : index
    %get3A_10 = vector.load %arg3[%get3A_7, %get3A_8, %get3A_9] : memref<2x1280x128xf32, #tpu.memory_space<vmem>>, vector<1x1280x128xf32>
    %get3A_11 = vector.shape_cast %get3A_10 : vector<1x1280x128xf32> to vector<1280x128xf32>
    %get3A_12 = arith.constant 1 : index
    %get3A_13 = arith.constant 0 : index
    %get3A_14 = arith.constant 0 : index
    %get3A_15 = vector.load %arg3[%get3A_12, %get3A_13, %get3A_14] : memref<2x1280x128xf32, #tpu.memory_space<vmem>>, vector<1x1280x128xf32>
    %get3A_16 = vector.shape_cast %get3A_15 : vector<1x1280x128xf32> to vector<1280x128xf32>
    %add3A = arith.addf %get3A_11, %get3A_16 : vector<1280x128xf32>
    %mul3A_17 = vector.broadcast %mul3A_6 : vector<1280x1xf32> to vector<1280x128xf32>
    %mul3A_18 = arith.mulf %mul3A_17, %add3A : vector<1280x128xf32>
    %sub3A = arith.subf %mul3A_18, %get3A_1 : vector<1280x128xf32>
    %get3A_19 = arith.constant 0 : index
    %get3A_20 = arith.constant 0 : index
    %get3A_21 = vector.load %arg2[%get3A_19, %get3A_20] : memref<1280x128xf32, #tpu.memory_space<vmem>>, vector<1280x128xf32>
    %concatenate3A = tpu.concatenate %get3A_1, %get3A_21, %sub3A in 1 : vector<1280x128xf32>, vector<1280x128xf32>, vector<1280x128xf32> -> vector<1280x384xf32>
    %get3A_22 = arith.constant 0 : index
    %get3A_23 = arith.constant 0 : index
    %get3A_24 = vector.load %arg5[%get3A_22, %get3A_23] : memref<384x512xf32, #tpu.memory_space<vmem>>, vector<384x512xf32>
    %dot_general3A = arith.constant dense<0.000000e+00> : vector<1280x512xf32>
    %dot_general3A_25 = tpu.matmul %concatenate3A, %get3A_24, %dot_general3A {dimension_numbers = #tpu.dot_dimension_numbers<[1], [0], [0], [1], [0, 0, 1, 1], [], []>, transpose_lhs_hint = false} : vector<1280x384xf32>, vector<384x512xf32>, vector<1280x512xf32> -> vector<1280x512xf32>
    %get3A_26 = arith.constant 0 : index
    %get3A_27 = arith.constant 0 : index
    %get3A_28 = vector.load %arg6[%get3A_26, %get3A_27] : memref<1x512xf32, #tpu.memory_space<vmem>>, vector<1x512xf32>
    %add3A_29 = vector.broadcast %get3A_28 : vector<1x512xf32> to vector<1280x512xf32>
    %add3A_30 = arith.addf %dot_general3A_25, %add3A_29 : vector<1280x512xf32>
    %get3A_31 = arith.constant 0 : index
    %get3A_32 = arith.constant 0 : index
    %get3A_33 = vector.load %arg7[%get3A_31, %get3A_32] : memref<1x512xf32, #tpu.memory_space<vmem>>, vector<1x512xf32>
    %add3A_34 = vector.broadcast %get3A_33 : vector<1x512xf32> to vector<1280x512xf32>
    %add3A_35 = arith.addf %add3A_30, %add3A_34 : vector<1280x512xf32>
    %slice3A = vector.extract_strided_slice %add3A_35 {offsets = [0, 0], sizes = [1280, 256], strides = [1, 1]} : vector<1280x512xf32> to vector<1280x256xf32>
    %logistic3A = arith.negf %slice3A : vector<1280x256xf32>
    %logistic3A_36 = math.exp %logistic3A : vector<1280x256xf32>
    %logistic3A_37 = arith.constant 1.000000e+00 : f32
    %logistic3A_38 = vector.broadcast %logistic3A_37 : f32 to vector<1280x256xf32>
    %logistic3A_39 = arith.addf %logistic3A_38, %logistic3A_36 : vector<1280x256xf32>
    %logistic3A_40 = arith.divf %logistic3A_38, %logistic3A_39 : vector<1280x256xf32>
    %slice3A_41 = vector.extract_strided_slice %add3A_35 {offsets = [0, 256], sizes = [1280, 256], strides = [1, 1]} : vector<1280x512xf32> to vector<1280x256xf32>
    %tanh3A = math.tanh %slice3A_41 : vector<1280x256xf32>
    %sub3A_42 = arith.constant 1.000000e+00 : f32
    %sub3A_43 = vector.broadcast %sub3A_42 : f32 to vector<1280x256xf32>
    %sub3A_44 = arith.subf %sub3A_43, %logistic3A_40 : vector<1280x256xf32>
    %mul3A_45 = arith.mulf %sub3A_44, %tanh3A : vector<1280x256xf32>
    %max3A = arith.constant 0.000000e+00 : f32
    %max3A_46 = vector.broadcast %max3A : f32 to vector<1280x256xf32>
    %max3A_47 = arith.maximumf %mul3A_45, %max3A_46 : vector<1280x256xf32>
    %get3A_48 = arith.constant 0 : index
    %get3A_49 = arith.constant 0 : index
    %get3A_50 = vector.load %arg8[%get3A_48, %get3A_49] : memref<256x128xf32, #tpu.memory_space<vmem>>, vector<256x128xf32>
    %dot_general3A_51 = arith.constant dense<0.000000e+00> : vector<1280x128xf32>
    %dot_general3A_52 = tpu.matmul %max3A_47, %get3A_50, %dot_general3A_51 {dimension_numbers = #tpu.dot_dimension_numbers<[1], [0], [0], [1], [0, 0, 1, 1], [], []>, transpose_lhs_hint = false} : vector<1280x256xf32>, vector<256x128xf32>, vector<1280x128xf32> -> vector<1280x128xf32>
    %get3A_53 = arith.constant 0 : index
    %get3A_54 = arith.constant 0 : index
    %get3A_55 = vector.load %arg9[%get3A_53, %get3A_54] : memref<1x128xf32, #tpu.memory_space<vmem>>, vector<1x128xf32>
    %add3A_56 = vector.broadcast %get3A_55 : vector<1x128xf32> to vector<1280x128xf32>
    %add3A_57 = arith.addf %dot_general3A_52, %add3A_56 : vector<1280x128xf32>
    %swap3A = arith.constant 0 : index
    %swap3A_58 = arith.constant 0 : index
    %swap3A_59 = vector.load %arg10[%swap3A, %swap3A_58] : memref<1280x128xf32, #tpu.memory_space<vmem>>, vector<1280x128xf32>
    tpu.vector_store %arg10[%swap3A, %swap3A_58], %add3A_57 {strides = array<i32>} : memref<1280x128xf32, #tpu.memory_space<vmem>>, vector<1280x128xf32>,
    return
  }
  func.func @transform_0(%arg0: i32) -> (i32, i32) {
    %c0_i32 = arith.constant 0 : i32
    %c0_i32_0 = arith.constant 0 : i32
    return %arg0, %c0_i32 : i32, i32
  }
  func.func @transform_1(%arg0: i32) -> (i32, i32) {
    %c0_i32 = arith.constant 0 : i32
    %c0_i32_0 = arith.constant 0 : i32
    return %arg0, %c0_i32 : i32, i32
  }
  func.func @transform_2(%arg0: i32) -> (i32, i32, i32) {
    %c0_i32 = arith.constant 0 : i32
    %c0_i32_0 = arith.constant 0 : i32
    %c0_i32_1 = arith.constant 0 : i32
    return %c0_i32, %arg0, %c0_i32_0 : i32, i32, i32
  }
  func.func @transform_3(%arg0: i32) -> (i32, i32) {
    %c0_i32 = arith.constant 0 : i32
    %c0_i32_0 = arith.constant 0 : i32
    return %arg0, %c0_i32 : i32, i32
  }
  func.func @transform_4(%arg0: i32) -> (i32, i32) {
    %c0_i32 = arith.constant 0 : i32
    %c0_i32_0 = arith.constant 0 : i32
    %c0_i32_1 = arith.constant 0 : i32
    return %c0_i32, %c0_i32_0 : i32, i32
  }
  func.func @transform_5(%arg0: i32) -> (i32, i32) {
    %c0_i32 = arith.constant 0 : i32
    %c0_i32_0 = arith.constant 0 : i32
    %c0_i32_1 = arith.constant 0 : i32
    return %c0_i32, %c0_i32_0 : i32, i32
  }
  func.func @transform_6(%arg0: i32) -> (i32, i32) {
    %c0_i32 = arith.constant 0 : i32
    %c0_i32_0 = arith.constant 0 : i32
    %c0_i32_1 = arith.constant 0 : i32
    return %c0_i32, %c0_i32_0 : i32, i32
  }
  func.func @transform_7(%arg0: i32) -> (i32, i32) {
    %c0_i32 = arith.constant 0 : i32
    %c0_i32_0 = arith.constant 0 : i32
    %c0_i32_1 = arith.constant 0 : i32
    return %c0_i32, %c0_i32_0 : i32, i32
  }
  func.func @transform_8(%arg0: i32) -> (i32, i32) {
    %c0_i32 = arith.constant 0 : i32
    %c0_i32_0 = arith.constant 0 : i32
    %c0_i32_1 = arith.constant 0 : i32
    return %c0_i32, %c0_i32_0 : i32, i32
  }
  func.func @transform_9(%arg0: i32) -> (i32, i32) {
    %c0_i32 = arith.constant 0 : i32
    %c0_i32_0 = arith.constant 0 : i32
    return %arg0, %c0_i32 : i32, i32
  }
}

</mosaic_0001>

<sc_bundles>
// kernel: kernel.11.cloned.1.call-start
scs
__scs_entry_jumppad:
0x0: {  	(pc) =	sbr.rel $0x88, $3  }
0x1: {  	(tag) =	ssettag $0x0;
	lr =	simm.s32 $0x1  }
0x2: {  	[smem:$0x3F97] =	sst lr;
	_ =	strace $0xD0000000  }
0x3: {  	_ = 	snop  }
0x4: {  	_ = 	snop  }
0x5: {  	_ = 	snop  }
0x6: {  	_ = 	snop  }
0x7: {  	_ = 	snop  }
__scs_overlays_trampoline_lowered:
0x8: {  	[smem:$0x3FA6] =	sst s0  }
0x9: {  	[smem:$0x3FA7] =	sst s1  }
0xa: {  	[smem:$0x3FA8] =	sst s2  }
0xb: {  	[smem:$0x3FA9] =	sst s3  }
0xc: {  	[smem:$0x3FAA] =	sst s4  }
0xd: {  	[smem:$0x3FAB] =	sst s5  }
0xe: {  	[smem:$0x3FAC] =	sst s6  }
0xf: {  	[smem:$0x3FAD] =	sst s7  }
0x10: {  	[smem:$0x3FAE] =	sst s8  }
0x11: {  	[smem:$0x3FAF] =	sst s9;
	s0 =	simm.s32 @!p0 $0x0  }
0x12: {  	s1 =	sld [smem:$0x3F95];
	s0 =	simm.s32 @p0 $0x1  }
0x13: {  	[smem:$0x3FB0] =	sst s0;
	s0 =	simm.s32 @!p1 $0x0  }
0x14: {  	s2 =	sld [smem:$0x3F94];
	s0 =	simm.s32 @p1 $0x1  }
0x15: {  	[smem:$0x3FB1] =	sst s0;
	s0 =	simm.s32 @!p2 $0x0  }
0x16: {  	s3 =	sld [smem:$0x3FDB];
	s0 =	simm.s32 @p2 $0x1  }
0x17: {  	s4 =	simm.s32 $0x1BF5;
	[smem:$0x3FB3] =	sst s0  }
0x18: {  	s0 =	sld [smem:$0x3F96];
	_ =	swait.ge [sflag:s4], $0x0  }
0x19: {  	s7 =	sld [smem:$0x3F97]  }
0x1a: {  	s8 =	sadd.s32 $0xFFFFE003, lr  }
0x1b: {  	s9 =	sadd.s32 $0xFFFFFEF7, lr;
	s5 =	simm.s32 $0xFFFFFFFF;
	p2 =	slt.u32 s8, $0xFFFFF086  }
0x1c: {  	p1 =	slt.u32 s9, $0xF7A;
	s5 =	simm.s32 @!p2 $0x0  }
0x1d: {  	s5 =	simm.s32 @p1 $0x1;
	p0 =	seq.s32 s7, s2  }
0x1e: {  	s7 =	smul.u32 @!p0 $0xF7A, s2;
	p2 =	seq.s32 @!p0 s5, $0x0  }
0x1f: {  	s9 =	smul.u32 $0xF7A, s1;
	s8 =	simm.s32 @!p0 $0x1BF5;
	p2 =	por !p2, p0  }
0x20: {  	[sflag:s8] =	ssyncset.s32 @!p0 $0xFFFFF086;
	s6 =	sadd.s32 @!p0 s3, s7;
	s7 =	simm.s32 @!p0 $0x108  }
0x21: {  	s3 =	sadd.s32 s3, s9;
	s6 =	sadd.s32 @!p0 $0x88, s6;
	s7 =	simm.s32 @p2 $0x1082  }
0x22: {  	[simem:s7], [sflag:s8] =	dma.local @!p0 [hbm:s6], $0xF7A  }
0x23: {  	s9 =	sor.u32 $0xD0000000, s2;
	s6 =	simm.s32 $0x108;
	_ =	swait.ge @!p0 [sflag:s8], $0x0  }
0x24: {  	s3 =	sadd.s32 $0x88, s3;
	s6 =	simm.s32 @!p1 $0x1082;
	[sflag:s4] =	ssyncset.s32 $0xFFFFF086  }
0x25: {  	[simem:s6], [sflag:s4] =	dma.local [hbm:s3], $0xF7A  }
0x26: {  	[smem:$0x3F97] =	sst s1;
	(tag) =	ssettag s2;
	_ =	strace s9  }
0x27: {  	s1 =	sld [smem:$0x3FA7]  }
0x28: {  	s2 =	sld [smem:$0x3FA8]  }
0x29: {  	s4 =	sld [smem:$0x3FAA]  }
0x2a: {  	p0 =	seq.s32 s5, $0x0;
	s5 =	sld [smem:$0x3FAB]  }
0x2b: {  	s6 =	sld [smem:$0x3FAC]  }
0x2c: {  	s7 =	sld [smem:$0x3FAD]  }
0x2d: {  	s3 =	simm.s32 $0x108;
	s8 =	sld [smem:$0x3FAE]  }
0x2e: {  	s3 =	simm.s32 @!p0 $0x1082;
	s9 =	sld [smem:$0x3FAF]  }
0x2f: {  	lr =	sadd.s32 s0, s3;
	s0 =	sld [smem:$0x3FA6]  }
0x30: {  	s3 =	sld [smem:$0x3FA9]  }
0x31: {  	[smem:$0x3FB2] =	sst s10  }
0x32: {  	s10 =	sld [smem:$0x3FB0];
	_ =	sdelay $0x3  }
0x33: {  	p0 =	seq.s32 s10, $0x1;
	s10 =	sld [smem:$0x3FB2];
	_ =	sdelay $0x3  }
0x34: {  	[smem:$0x3FB2] =	sst s10  }
0x35: {  	s10 =	sld [smem:$0x3FB1];
	_ =	sdelay $0x3  }
0x36: {  	p1 =	seq.s32 s10, $0x1;
	s10 =	sld [smem:$0x3FB2];
	_ =	sdelay $0x3  }
0x37: {  	[smem:$0x3FB2] =	sst s10  }
0x38: {  	s10 =	sld [smem:$0x3FB3]  }
0x39: {  	_ = 	snop;
	(pc) =	sbr.ind lr, $3  }
0x3a: {  	_ = 	snop  }
0x3b: {  	_ = 	snop  }
0x3c: {  	p2 =	seq.s32 s10, $0x1;
	s10 =	sld [smem:$0x3FB2]  }
0x3d: {  	_ =	shalt  }
0x3e: {  	_ =	shalt  }
0x3f: {  	_ =	shalt  }
0x40: {  	_ =	shalt  }
0x41: {  	_ =	shalt  }
0x42: {  	_ =	shalt  }
0x43: {  	_ =	shalt  }
0x44: {  	_ =	shalt  }
0x45: {  	_ =	shalt  }
0x46: {  	_ =	shalt  }
0x47: {  	_ =	shalt  }
0x48: {  	_ =	shalt  }
0x49: {  	_ =	shalt  }
0x4a: {  	_ =	shalt  }
0x4b: {  	_ =	shalt  }
0x4c: {  	_ =	shalt  }
0x4d: {  	_ =	shalt  }
0x4e: {  	_ =	shalt  }
0x4f: {  	_ =	shalt  }
0x50: {  	_ =	shalt  }
0x51: {  	_ =	shalt  }
0x52: {  	_ =	shalt  }
0x53: {  	_ =	shalt  }
0x54: {  	_ =	shalt  }
0x55: {  	_ =	shalt  }
0x56: {  	_ =	shalt  }
0x57: {  	_ =	shalt  }
0x58: {  	_ =	shalt  }
0x59: {  	_ =	shalt  }
0x5a: {  	_ =	shalt  }
0x5b: {  	_ =	shalt  }
0x5c: {  	_ =	shalt  }
0x5d: {  	_ =	shalt  }
0x5e: {  	_ =	shalt  }
0x5f: {  	_ =	shalt  }
0x60: {  	_ =	shalt  }
0x61: {  	_ =	shalt  }
0x62: {  	_ =	shalt  }
0x63: {  	_ =	shalt  }
0x64: {  	_ =	shalt  }
0x65: {  	_ =	shalt  }
0x66: {  	_ =	shalt  }
0x67: {  	_ =	shalt  }
0x68: {  	_ =	shalt  }
0x69: {  	_ =	shalt  }
0x6a: {  	_ =	shalt  }
0x6b: {  	_ =	shalt  }
0x6c: {  	_ =	shalt  }
0x6d: {  	_ =	shalt  }
0x6e: {  	_ =	shalt  }
0x6f: {  	_ =	shalt  }
0x70: {  	_ =	shalt  }
0x71: {  	_ =	shalt  }
0x72: {  	_ =	shalt  }
0x73: {  	_ =	shalt  }
0x74: {  	_ =	shalt  }
0x75: {  	_ =	shalt  }
0x76: {  	_ =	shalt  }
0x77: {  	_ =	shalt  }
0x78: {  	_ =	shalt  }
0x79: {  	_ =	shalt  }
0x7a: {  	_ =	shalt  }
0x7b: {  	_ =	shalt  }
0x7c: {  	_ =	shalt  }
0x7d: {  	_ =	shalt  }
0x7e: {  	_ =	shalt  }
0x7f: {  	_ =	shalt  }
0x80: {  	_ =	shalt  }
0x81: {  	_ =	shalt  }
0x82: {  	_ =	shalt  }
0x83: {  	_ =	shalt  }
0x84: {  	_ =	shalt  }
0x85: {  	_ =	shalt  }
0x86: {  	_ =	shalt  }
0x87: {  	_ =	shalt  }
.Lfunc_end0:
.L_simem_size_0:
called_computation.1_lowered:
.L_overlay_start_0:
0x88: {  	s2 =	sld [smem:$0x3FD9]  }
0x89: {  	s3 =	sld [smem:$0x3FFE];
	_ =	sdelay $0x1  }
0x8a: {  	s1 =	srdreg.scid  }
0x8b: {  	s0 =	sand.u32 $0x1, s1  }
0x8c: {  	s16 =	sshll.u32 s0, $0xA;
	s2 =	sadd.s32 s3, s2  }
0x8d: {  	s2 =	sadd.s32 s2, s16  }
0x8e: {  	[smem:$0x3FBE] =	sst s2  }
0x8f: {  	_ = 	snop  }
0x90: {  	(tm) =	ssettm $0x1  }
0x91: {  	s17 =	sld [smem:$0x3FFB];
	_ =	sdelay $0x3  }
0x92: {  	_ =	strace s17  }
0x93: {  	s2 =	sld [smem:$0x3FFC];
	_ =	sdelay $0x3  }
0x94: {  	_ =	strace s2  }
0x95: {  	s2 =	sld [smem:$0x3FFD];
	_ =	sdelay $0x3  }
0x96: {  	_ =	strace s2  }
0x97: {  	_ =	strace $0x8FFFFFFF  }
0x98: {  	s18 =	sld [smem:$0x3FDB];
	_ =	sdelay $0x1  }
0x99: {  	s19 =	simm.s32 $_scs_section_size  }
0x9a: {  	s4 =	simm.s32 $_size__tile_overlayer_lowered;
	s5 =	simm.s32 $_tile_overlayer_lowered  }
0x9b: {  	s22 =	simm.s32 $0x1BFF;
	s21 =	sshll.u32 s5, $0x1;
	s2 =	sadd.s32 s19, s18  }
0x9c: {  	s6 =	simm.s32 $0x0;
	s20 =	sshll.u32 s4, $0x1;
	s4 =	sadd.s32 s21, s2  }
0x9d: {  	[timem:s6], [sflag:s22] =	dma.local [hbm:s4], s20  }
0x9e: {  	_ =	swait.ge [sflag:s22], s20  }
0x9f: {  	s3 =	ssub.s32 $0x0, s20;
	[sflag:s22] =	ssyncset.done $0x0  }
0xa0: {  	[sflag:s22] =	ssyncadd.s32 s3;
	_ =	sdelay $0x1  }
0xa1: {  	s23 =	simm.s32 $0x1B8B  }
0xa2: {  	_ =	swait.ge [sflag:s23], $0x1  }
0xa3: {  	[sflag:s23] =	ssyncset.done $0x0  }
0xa4: {  	s25 =	simm.s32 $0x1B8E;
	s24 =	sld [smem:$0x3FFE];
	[sflag:s23] =	ssyncadd.s32 $0xFFFFFFFF  }
0xa5: {  	s26 =	simm.s32 $execute0_lowered;
	[smem:$0x3FD2] =	sst s25  }
0xa6: {  	s4 =	sshll.u32 s26, $0x1;
	_ =	strace $0x80000049;
	[dreg:$0x1] =	wrdreg $0xFFFFFFFF  }
0xa7: {  	s28 =	simm.s32 $_size_execute0_lowered;
	s2 =	sadd.s32 s2, s4;
	[dreg:$0x0] =	wrdreg $0x0  }
0xa8: {  	s4 =	sshll.u32 s28, $0x1;
	[dreg:$0x2] =	wrdreg s2  }
0xa9: {  	[dreg:$0x3] =	wrdreg s4  }
0xaa: {  	[dreg:$0x4] =	wrdreg $0xC0  }
0xab: {  	_ =	task [dreg:s6], $0x5FFFF  }
0xac: {  	[dreg:$0x1] =	wrdreg $0xFFFFFFFF  }
0xad: {  	[dreg:$0x0] =	wrdreg $0x60  }
0xae: {  	[dreg:$0x2] =	wrdreg s24  }
0xaf: {  	[dreg:$0x3] =	wrdreg $0x0  }
0xb0: {  	[dreg:$0x4] =	wrdreg $0x9  }
0xb1: {  	_ =	task.clear_ibuf [dreg:s6], $0x5FFFF;
	_ =	strace $0x90000049  }
0xb2: {  	s29 =	simm.s32 $0x9;
	_ =	strace $0x8000004B  }
0xb3: {  	_ =	swait.ge [sflag:s29], $0x1  }
0xb4: {  	[sflag:s29] =	ssyncadd.s32 $0xFFFFFFFF  }
0xb5: {  	_ =	strace $0x9000004B  }
0xb6: {  	_ =	sfence  }
0xb7: {  	s30 =	sld [smem:$0x0];
	_ =	sdelay $0x2  }
0xb8: {  	s31 =	sshll.u32 s1, $0xD;
	s1 =	sshrl.u32 s1, $0x2  }
0xb9: {  	s3 =	sand.u32 $0x4000, s31;
	s1 =	sadd.s32 s1, s30  }
0xba: {  	s0 =	sor.u32 s3, s0;
	s1 =	sshll.u32 s1, $0x11  }
0xbb: {  	s0 =	sor.u32 s1, s0  }
0xbc: {  	s0 =	sadd.s32 $0x8F2B, s0  }
0xbd: {  	[sflag:s0] =	ssyncadd.remote.s32 $0x1  }
0xbe: {  	_ =	sfence.sel $0xFFFF  }
0xbf: {  	[dreg:$0x0] =	wrdreg $0xFFFFFFFF;
	(pc) =	sbr.abs _section_cstart, $3  }
0xc0: {  	[dreg:$0x1] =	wrdreg $0xFFFFFFFF  }
0xc1: {  	_ =	task.clear_ibuf [dreg:s6], $0x2FFFF;
	_ =	strace $0x9FFFFFFF  }
0xc2: {  	(tm) =	ssettm $0x7FFFFFFF  }
0xc3: {  	_ =	shalt  }
tec
execute0_lowered:
.L_overlay_start_1:
0x0: {  	(tag) =	ssettag $0x1  }
0x1: {  	s0 =	rddreg [dreg:$0x0]  }
0x2: {  	s2 =	rddreg [dreg:$0x1]  }
0x3: {  	s3 =	simm.s32 $0x0;
	s1 =	stileid.u32;
	s6 =	srdreg.scid  }
0x4: {  	s13 =	simm.s32 $0x17C00;
	s15 =	simm.s32 $0x17C80;
	s18 =	simm.s32 $0x80  }
0x5: {  	s19 =	simm.s32 $0x17D00;
	s21 =	simm.s32 $0x1BD00;
	s22 =	simm.s32 $0x1  }
0x6: {  	s23 =	simm.s32 $0x3;
	s25 =	simm.s32 $0x2;
	s5 =	smul.u32 $0xA00, s1  }
0x7: {  	s28 =	simm.s32 $0x0;
	[smem:$0x7FF] =	sst s3;
	s24 =	smul.u32 $0x2800, s1  }
0x8: {  	s4 =	sadd.s32 $0x20A00, s0;
	s6 =	sand.u32 $0x1, s6;
	s11 =	smul.u32 $0x50000, s1  }
0x9: {  	s16 =	sshll.u32 s1, $0x6;
	_ =	strace $0x8000004A;
	s26 =	smul.u32 $0x28000, s6  }
0xa: {  	s7 =	ssub.s32 $0x2, s6;
	p0 =	seq.s32 s6, $0x1;
	s16 =	sor.u32 $0x1C05, s16  }
0xb: {  	s9 =	sadd.s32 s5, s0;
	s8 =	sadd.s32 s24, s0;
	s10 =	sshrl.u32 s7, $0x1  }
0xc: {  	s30 =	sshrl.u32 s11, $0x2;
	s11 =	simm.s32 $0x5;
	s0 =	sadd.s32 s26, s0  }
0xd: {  	s10 =	ssub.s32 s7, s10;
	s29 =	sadd.s32 $0x2A00, s9;
	s6 =	sadd.s32 $0x16A00, s9  }
.Ltmp0:
0xe: {  	s17 =	sadd.s32 s30, s2;
	s7 =	sadd.s32 $0x48A00, s8;
	(pc) =	sbr.rel .LBB2_1-.Ltmp0, $4  }
0xf: {  	s31 =	sadd.s32 $0x3180, s9;
	s26 =	simm.s32 $0x4;
	[dreg:$0x3] =	wrdreg s29  }
0x10: {  	s0 =	sadd.s32 $0x70A00, s0;
	s8 =	smax.u32 s10, $0x1;
	[dreg:$0x4] =	wrdreg s31  }
0x11: {  	s10 =	simm.s32 $0x14000;
	s12 =	sadd.s32 $0x780, s6;
	s14 =	sadd.s32 $0x790, s6  }
0x12: {  	s17 =	sshrl.u32 s17, $0x3;
	s20 =	sadd.s32 $0x7A0, s6;
	s24 =	sadd.s32 s24, s0  }
.LBB2_3:
0x13: {  	_ = 	snop  }
.LBB2_8:
0x14: {  	[tilespmem:s15], [sflag:$0x4] =	stream.linear.gather @p1 [hbm4b:s0+s3], $0x80, $0x38;
	[tilespmem:$0x1FD00] =	vst v63  }
0x15: {  	s5 =	sadd.s32 $0x17B80, s30  }
0x16: {  	[tilespmem:s21], [sflag:$0x2] =	stream.indirect.gather [hbm4b:s4+s18], $0x80, s5, s18, $0xb8;
	[tilespmem:$0x1FD00] =	vst v63  }
0x17: {  	_ =	swait.ge [sflag:s22], $0x4000  }
0x18: {  	[sflag:s22] =	ssyncset.done $0x0  }
0x19: {  	[sflag:s22] =	ssyncadd.s32 $0xFFFFC000  }
0x1a: {  	_ =	swait.ge [sflag:s23], $0x80  }
0x1b: {  	[sflag:s23] =	ssyncset.done $0x0  }
0x1c: {  	[sflag:s23] =	ssyncadd.s32 $0xFFFFFF80  }
0x1d: {  	[spmem:s2] =	stream.indirect.scatter.add.f32 [tilespmem:s19], [sflag:$0x5], $0x80, s13, s18, $0xb8;
	[tilespmem:$0x1FD00] =	vst v63  }
0x1e: {  	_ =	swait.ge [sflag:s11], $0x4000  }
0x1f: {  	[sflag:s11] =	ssyncset.done $0x0  }
0x20: {  	s9 =	sadd.s32 $0xFFFFFFF0, s29;
	[sflag:s11] =	ssyncadd.s32 $0xFFFFC000  }
0x21: {  	[tilespmem:s13], [sflag:$0x3] =	stream.linear.gather [hbm4b:s9+s3], $0x80, $0x38;
	[tilespmem:$0x1FD00] =	vst v63  }
0x22: {  	s31 =	sadd.s32 $0x17C00, s30  }
0x23: {  	[tilespmem:s19], [sflag:$0x1] =	stream.indirect.gather [hbm4b:s4+s18], $0x80, s31, s18, $0xb8;
	[tilespmem:$0x1FD00] =	vst v63  }
0x24: {  	_ =	swait.ge [sflag:s25], $0x4000  }
0x25: {  	[sflag:s25] =	ssyncset.done $0x0  }
0x26: {  	[sflag:s25] =	ssyncadd.s32 $0xFFFFC000  }
0x27: {  	_ =	swait.ge [sflag:s26], $0x80  }
0x28: {  	[sflag:s26] =	ssyncset.done $0x0  }
0x29: {  	[sflag:s26] =	ssyncadd.s32 $0xFFFFFF80  }
0x2a: {  	[spmem:s2] =	stream.indirect.scatter.add.f32 [tilespmem:s21], [sflag:$0x5], $0x80, s15, s18, $0xb8;
	[tilespmem:$0x1FD00] =	vst v63  }
0x2b: {  	_ =	swait.ge [sflag:s11], $0x4000  }
0x2c: {  	[sflag:s11] =	ssyncset.done $0x0  }
0x2d: {  	s0 =	simm.s32 $0x17B80;
	[sflag:s11] =	ssyncadd.s32 $0xFFFFC000  }
0x2e: {  	[tilespmem:s15], [sflag:$0x4] =	stream.linear.gather [hbm4b:s29+s3], $0x80, $0x38;
	[tilespmem:$0x1FD00] =	vst v63  }
.LBB2_12:
0x2f: {  	[tilespmem:s21], [sflag:$0x2] =	stream.indirect.gather [hbm4b:s4+s18], $0x80, s0, s18, $0xb8;
	[tilespmem:$0x1FD00] =	vst v63  }
0x30: {  	_ =	swait.ge [sflag:s22], $0x4000  }
0x31: {  	[sflag:s22] =	ssyncset.done $0x0  }
0x32: {  	[sflag:s22] =	ssyncadd.s32 $0xFFFFC000  }
0x33: {  	_ =	swait.ge [sflag:s23], $0x80  }
0x34: {  	[sflag:s23] =	ssyncset.done $0x0  }
0x35: {  	[sflag:s23] =	ssyncadd.s32 $0xFFFFFF80  }
0x36: {  	[spmem:s2] =	stream.indirect.scatter.add.f32 [tilespmem:s19], [sflag:$0x5], $0x80, s13, s18, $0xb8;
	[tilespmem:$0x1FD00] =	vst v63  }
0x37: {  	_ =	swait.ge [sflag:s11], $0x4000  }
0x38: {  	[sflag:s11] =	ssyncset.done $0x0  }
0x39: {  	[sflag:s11] =	ssyncadd.s32 $0xFFFFC000  }
0x3a: {  	_ =	swait.ge [sflag:s25], $0x4000  }
0x3b: {  	[sflag:s25] =	ssyncset.done $0x0  }
0x3c: {  	[sflag:s25] =	ssyncadd.s32 $0xFFFFC000  }
0x3d: {  	_ =	swait.ge [sflag:s26], $0x80  }
0x3e: {  	[sflag:s26] =	ssyncset.done $0x0  }
0x3f: {  	[sflag:s26] =	ssyncadd.s32 $0xFFFFFF80  }
0x40: {  	[spmem:s2] =	stream.indirect.scatter.add.f32 [tilespmem:s21], [sflag:$0x5], $0x80, s15, s18, $0xb8;
	[tilespmem:$0x1FD00] =	vst v63  }
0x41: {  	_ =	swait.ge [sflag:s11], $0x4000  }
0x42: {  	s28 =	sadd.s32 $0x1, s28;
	[sflag:s11] =	ssyncset.done $0x0  }
0x43: {  	p1 =	sne.s32 s28, s8;
	[sflag:s11] =	ssyncadd.s32 $0xFFFFC000  }
.Ltmp1:
0x44: {  	[bflag:$0x0] =	sbarrier.arrive $0xFFFF;
	(pc) =	sbr.rel @!p1 .LBB2_13-.Ltmp1, $4  }
0x45: {  	[hbm:s24], [sflag:s16] =	dma.local [spmem:s17], $0x2800  }
0x46: {  	_ =	swait.ge [sflag:s11], $0x2800  }
0x47: {  	[sflag:s11] =	ssyncset.done $0x0  }
0x48: {  	[sflag:s11] =	ssyncadd.s32 $0xFFFFD800  }
.LBB2_1:
.Ltmp2:
0x49: {  	(pc) =	sbr.rel @!p0 .LBB2_2-.Ltmp2, $1  }
0x4a: {  	_ =	sdelay $0x3  }
0x4b: {  	s0 =	rddreg [dreg:$0x4]  }
0x4c: {  	[tilespmem:s10], [sflag:$0x5] =	stream.linear.gather [hbm4b:s0+s3], $0x1400, $0x38;
	[tilespmem:$0x1FD00] =	vst v63  }
0x4d: {  	_ =	swait.ge [sflag:s11], $0x1400  }
0x4e: {  	[sflag:s11] =	ssyncset.done $0x0  }
0x4f: {  	[sflag:s11] =	ssyncadd.s32 $0xFFFFEC00  }
0x50: {  	[tilespmem:s13], [sflag:$0x3] =	stream.linear.gather [hbm4b:s12+s3], $0x80, $0x38;
	[tilespmem:$0x1FD00] =	vst v63  }
0x51: {  	_ = 	snop  }
0x52: {  	[tilespmem:s15], [sflag:$0x4] =	stream.linear.gather [hbm4b:s14+s3], $0x80, $0x38;
	[tilespmem:$0x1FD00] =	vst v63  }
0x53: {  	[spmem:s17], [sflag:s16] =	dma.local [hbm:s7], $0x2800  }
0x54: {  	_ =	swait.ge [sflag:s11], $0x2800  }
0x55: {  	[sflag:s11] =	ssyncset.done $0x0  }
0x56: {  	[sflag:s11] =	ssyncadd.s32 $0xFFFFD800  }
0x57: {  	[bflag:$0x0] =	sbarrier.arrive $0xFFFF  }
0x58: {  	[tilespmem:s19], [sflag:$0x1] =	stream.indirect.gather [hbm4b:s4+s18], $0x80, s10, s18, $0xb8;
	[tilespmem:$0x1FD00] =	vst v63  }
0x59: {  	s5 =	simm.s32 $0x14080  }
0x5a: {  	[tilespmem:s21], [sflag:$0x2] =	stream.indirect.gather [hbm4b:s4+s18], $0x80, s5, s18, $0xb8;
	[tilespmem:$0x1FD00] =	vst v63  }
0x5b: {  	_ =	swait.ge [sflag:s22], $0x4000  }
0x5c: {  	[sflag:s22] =	ssyncset.done $0x0  }
0x5d: {  	[sflag:s22] =	ssyncadd.s32 $0xFFFFC000  }
0x5e: {  	_ =	swait.ge [sflag:s23], $0x80  }
0x5f: {  	[sflag:s23] =	ssyncset.done $0x0  }
0x60: {  	[sflag:s23] =	ssyncadd.s32 $0xFFFFFF80  }
0x61: {  	[spmem:s2] =	stream.indirect.scatter.add.f32 [tilespmem:s19], [sflag:$0x5], $0x80, s13, s18, $0xb8;
	[tilespmem:$0x1FD00] =	vst v63  }
0x62: {  	_ =	swait.ge [sflag:s11], $0x4000  }
0x63: {  	[sflag:s11] =	ssyncset.done $0x0  }
0x64: {  	[sflag:s11] =	ssyncadd.s32 $0xFFFFC000  }
0x65: {  	[tilespmem:s13], [sflag:$0x3] =	stream.linear.gather [hbm4b:s20+s3], $0x80, $0x38;
	[tilespmem:$0x1FD00] =	vst v63  }
0x66: {  	s9 =	simm.s32 $0x14100  }
0x67: {  	[tilespmem:s19], [sflag:$0x1] =	stream.indirect.gather [hbm4b:s4+s18], $0x80, s9, s18, $0xb8;
	[tilespmem:$0x1FD00] =	vst v63  }
0x68: {  	_ =	swait.ge [sflag:s25], $0x4000  }
0x69: {  	[sflag:s25] =	ssyncset.done $0x0  }
0x6a: {  	[sflag:s25] =	ssyncadd.s32 $0xFFFFC000  }
0x6b: {  	_ =	swait.ge [sflag:s26], $0x80  }
0x6c: {  	[sflag:s26] =	ssyncset.done $0x0  }
0x6d: {  	[sflag:s26] =	ssyncadd.s32 $0xFFFFFF80  }
0x6e: {  	[spmem:s2] =	stream.indirect.scatter.add.f32 [tilespmem:s21], [sflag:$0x5], $0x80, s15, s18, $0xb8;
	[tilespmem:$0x1FD00] =	vst v63  }
0x6f: {  	_ =	swait.ge [sflag:s11], $0x4000  }
0x70: {  	s30 =	simm.s32 $0xFFFFEE00;
	s31 =	sadd.s32 $0x10, s20;
	[sflag:s11] =	ssyncset.done $0x0  }
0x71: {  	s29 =	sadd.s32 $0x20, s20;
	s0 =	simm.s32 $0xFFFFBC00;
	[sflag:s11] =	ssyncadd.s32 $0xFFFFC000  }
.LBB2_10:
0x72: {  	[tilespmem:s15], [sflag:$0x4] =	stream.linear.gather [hbm4b:s31+s3], $0x80, $0x38;
	[tilespmem:$0x1FD00] =	vst v63  }
0x73: {  	s1 =	smov.u32 s0  }
0x74: {  	s5 =	sadd.s32 $0x400, s0;
	s9 =	sadd.s32 $0x15380, s30;
	s1 =	sshra.s32 s1, $0x2  }
0x75: {  	[tilespmem:s21], [sflag:$0x2] =	stream.indirect.gather [hbm4b:s4+s18], $0x80, s9, s18, $0xb8;
	[tilespmem:$0x1FD00] =	vst v63  }
0x76: {  	p1 =	sne.s32 s0, $0xFFFFFC00;
	_ =	swait.ge [sflag:s22], $0x4000  }
0x77: {  	[sflag:s22] =	ssyncset.done $0x0  }
0x78: {  	[sflag:s22] =	ssyncadd.s32 $0xFFFFC000  }
0x79: {  	_ =	swait.ge [sflag:s23], $0x80  }
0x7a: {  	[sflag:s23] =	ssyncset.done $0x0  }
0x7b: {  	[sflag:s23] =	ssyncadd.s32 $0xFFFFFF80  }
0x7c: {  	[spmem:s2] =	stream.indirect.scatter.add.f32 [tilespmem:s19], [sflag:$0x5], $0x80, s13, s18, $0xb8;
	[tilespmem:$0x1FD00] =	vst v63  }
0x7d: {  	_ =	swait.ge [sflag:s11], $0x4000  }
0x7e: {  	[sflag:s11] =	ssyncset.done $0x0  }
0x7f: {  	[sflag:s11] =	ssyncadd.s32 $0xFFFFC000  }
0x80: {  	[tilespmem:s13], [sflag:$0x3] =	stream.linear.gather [hbm4b:s29+s3], $0x80, $0x38;
	[tilespmem:$0x1FD00] =	vst v63  }
0x81: {  	s0 =	sadd.s32 $0x15400, s30;
	s30 =	smov.u32 s1  }
0x82: {  	[tilespmem:s19], [sflag:$0x1] =	stream.indirect.gather [hbm4b:s4+s18], $0x80, s0, s18, $0xb8;
	[tilespmem:$0x1FD00] =	vst v63  }
0x83: {  	_ =	swait.ge [sflag:s25], $0x4000  }
0x84: {  	[sflag:s25] =	ssyncset.done $0x0  }
0x85: {  	[sflag:s25] =	ssyncadd.s32 $0xFFFFC000  }
0x86: {  	_ =	swait.ge [sflag:s26], $0x80  }
0x87: {  	[sflag:s26] =	ssyncset.done $0x0  }
.Ltmp3:
0x88: {  	[sflag:s26] =	ssyncadd.s32 $0xFFFFFF80;
	(pc) =	sbr.rel @p1 .LBB2_10-.Ltmp3, $4  }
0x89: {  	[spmem:s2] =	stream.indirect.scatter.add.f32 [tilespmem:s21], [sflag:$0x5], $0x80, s15, s18, $0xb8;
	[tilespmem:$0x1FD00] =	vst v63  }
0x8a: {  	_ =	swait.ge [sflag:s11], $0x4000  }
0x8b: {  	s31 =	sadd.s32 $0x10, s29;
	[sflag:s11] =	ssyncset.done $0x0  }
0x8c: {  	s29 =	sadd.s32 $0x20, s29;
	s0 =	smov.u32 s5;
	[sflag:s11] =	ssyncadd.s32 $0xFFFFC000  }
0x8d: {  	[tilespmem:s15], [sflag:$0x4] =	stream.linear.gather [hbm4b:s31+s3], $0x80, $0x38;
	[tilespmem:$0x1FD00] =	vst v63  }
0x8e: {  	s0 =	sadd.s32 $0x15380, s30  }
0x8f: {  	[tilespmem:s21], [sflag:$0x2] =	stream.indirect.gather [hbm4b:s4+s18], $0x80, s0, s18, $0xb8;
	[tilespmem:$0x1FD00] =	vst v63  }
0x90: {  	_ =	swait.ge [sflag:s22], $0x4000  }
0x91: {  	[sflag:s22] =	ssyncset.done $0x0  }
0x92: {  	[sflag:s22] =	ssyncadd.s32 $0xFFFFC000  }
0x93: {  	_ =	swait.ge [sflag:s23], $0x80  }
0x94: {  	[sflag:s23] =	ssyncset.done $0x0  }
0x95: {  	[sflag:s23] =	ssyncadd.s32 $0xFFFFFF80  }
0x96: {  	[spmem:s2] =	stream.indirect.scatter.add.f32 [tilespmem:s19], [sflag:$0x5], $0x80, s13, s18, $0xb8;
	[tilespmem:$0x1FD00] =	vst v63  }
0x97: {  	_ =	swait.ge [sflag:s11], $0x4000  }
0x98: {  	[sflag:s11] =	ssyncset.done $0x0  }
0x99: {  	[sflag:s11] =	ssyncadd.s32 $0xFFFFC000  }
0x9a: {  	[tilespmem:s13], [sflag:$0x3] =	stream.linear.gather [hbm4b:s29+s3], $0x80, $0x38;
	[tilespmem:$0x1FD00] =	vst v63  }
0x9b: {  	s30 =	sadd.s32 $0x15400, s30  }
0x9c: {  	[tilespmem:s19], [sflag:$0x1] =	stream.indirect.gather [hbm4b:s4+s18], $0x80, s30, s18, $0xb8;
	[tilespmem:$0x1FD00] =	vst v63  }
0x9d: {  	_ =	swait.ge [sflag:s25], $0x4000  }
0x9e: {  	[sflag:s25] =	ssyncset.done $0x0  }
0x9f: {  	[sflag:s25] =	ssyncadd.s32 $0xFFFFC000  }
0xa0: {  	_ =	swait.ge [sflag:s26], $0x80  }
0xa1: {  	[sflag:s26] =	ssyncset.done $0x0  }
0xa2: {  	[sflag:s26] =	ssyncadd.s32 $0xFFFFFF80  }
0xa3: {  	[spmem:s2] =	stream.indirect.scatter.add.f32 [tilespmem:s21], [sflag:$0x5], $0x80, s15, s18, $0xb8;
	[tilespmem:$0x1FD00] =	vst v63  }
.Ltmp4:
0xa4: {  	_ = 	snop;
	(pc) =	sbr.rel .LBB2_12-.Ltmp4, $4  }
0xa5: {  	_ =	swait.ge [sflag:s11], $0x4000  }
0xa6: {  	[sflag:s11] =	ssyncset.done $0x0  }
0xa7: {  	s31 =	sadd.s32 $0x10, s29;
	s0 =	simm.s32 $0x15380;
	[sflag:s11] =	ssyncadd.s32 $0xFFFFC000  }
0xa8: {  	[tilespmem:s15], [sflag:$0x4] =	stream.linear.gather [hbm4b:s31+s3], $0x80, $0x38;
	[tilespmem:$0x1FD00] =	vst v63  }
.LBB2_2:
0xa9: {  	s0 =	rddreg [dreg:$0x3]  }
0xaa: {  	[tilespmem:s10], [sflag:$0x5] =	stream.linear.gather [hbm4b:s0+s3], $0x3C00, $0x38;
	[tilespmem:$0x1FD00] =	vst v63  }
0xab: {  	_ =	swait.ge [sflag:s11], $0x3C00  }
0xac: {  	[sflag:s11] =	ssyncset.done $0x0  }
0xad: {  	[sflag:s11] =	ssyncadd.s32 $0xFFFFC400  }
0xae: {  	[tilespmem:s13], [sflag:$0x3] =	stream.linear.gather [hbm4b:s6+s3], $0x80, $0x38;
	[tilespmem:$0x1FD00] =	vst v63  }
0xaf: {  	s31 =	sadd.s32 $0x10, s6;
	p2 =	por $0x0, $0x0  }
0xb0: {  	[tilespmem:s15], [sflag:$0x4] =	stream.linear.gather [hbm4b:s31+s3], $0x80, $0x38;
	[tilespmem:$0x1FD00] =	vst v63  }
0xb1: {  	[spmem:s17], [sflag:s16] =	dma.local [hbm:s7], $0x2800  }
.Ltmp5:
0xb2: {  	_ =	swait.ge [sflag:s11], $0x2800;
	(pc) =	sbr.rel @p2 .LBB2_3-.Ltmp5, $4  }
0xb3: {  	[sflag:s11] =	ssyncset.done $0x0  }
0xb4: {  	s29 =	sadd.s32 $0x30, s6;
	[sflag:s11] =	ssyncadd.s32 $0xFFFFD800  }
0xb5: {  	s30 =	simm.s32 $0xFFFFC500;
	p1 =	por $0x0, $0x0;
	[bflag:$0x0] =	sbarrier.arrive $0xFFFF  }
0xb6: {  	[tilespmem:s19], [sflag:$0x1] =	stream.indirect.gather [hbm4b:s4+s18], $0x80, s10, s18, $0xb8;
	[tilespmem:$0x1FD00] =	vst v63  }
0xb7: {  	s0 =	simm.s32 $0x14080  }
0xb8: {  	[tilespmem:s21], [sflag:$0x2] =	stream.indirect.gather [hbm4b:s4+s18], $0x80, s0, s18, $0xb8;
	[tilespmem:$0x1FD00] =	vst v63  }
0xb9: {  	_ =	swait.ge [sflag:s22], $0x4000  }
0xba: {  	[sflag:s22] =	ssyncset.done $0x0  }
0xbb: {  	[sflag:s22] =	ssyncadd.s32 $0xFFFFC000  }
0xbc: {  	_ =	swait.ge [sflag:s23], $0x80  }
0xbd: {  	[sflag:s23] =	ssyncset.done $0x0  }
0xbe: {  	[sflag:s23] =	ssyncadd.s32 $0xFFFFFF80  }
0xbf: {  	[spmem:s2] =	stream.indirect.scatter.add.f32 [tilespmem:s19], [sflag:$0x5], $0x80, s13, s18, $0xb8;
	[tilespmem:$0x1FD00] =	vst v63  }
0xc0: {  	_ =	swait.ge [sflag:s11], $0x4000  }
0xc1: {  	[sflag:s11] =	ssyncset.done $0x0  }
0xc2: {  	s5 =	sadd.s32 $0xFFFFFFF0, s29;
	[sflag:s11] =	ssyncadd.s32 $0xFFFFC000  }
0xc3: {  	[tilespmem:s13], [sflag:$0x3] =	stream.linear.gather [hbm4b:s5+s3], $0x80, $0x38;
	[tilespmem:$0x1FD00] =	vst v63  }
0xc4: {  	s9 =	simm.s32 $0x14100  }
0xc5: {  	[tilespmem:s19], [sflag:$0x1] =	stream.indirect.gather [hbm4b:s4+s18], $0x80, s9, s18, $0xb8;
	[tilespmem:$0x1FD00] =	vst v63  }
0xc6: {  	_ =	swait.ge [sflag:s25], $0x4000  }
0xc7: {  	[sflag:s25] =	ssyncset.done $0x0  }
0xc8: {  	[sflag:s25] =	ssyncadd.s32 $0xFFFFC000  }
0xc9: {  	_ =	swait.ge [sflag:s26], $0x80  }
0xca: {  	p2 =	por $0x0, $0x0;
	[sflag:s26] =	ssyncset.done $0x0  }
.Ltmp6:
0xcb: {  	[sflag:s26] =	ssyncadd.s32 $0xFFFFFF80;
	(pc) =	sbr.rel @p2 .LBB2_5-.Ltmp6, $4  }
0xcc: {  	[spmem:s2] =	stream.indirect.scatter.add.f32 [tilespmem:s21], [sflag:$0x5], $0x80, s15, s18, $0xb8;
	[tilespmem:$0x1FD00] =	vst v63  }
0xcd: {  	_ =	swait.ge [sflag:s11], $0x4000  }
0xce: {  	s30 =	simm.s32 $0xFFFFC600;
	s31 =	sadd.s32 $0x20, s29;
	[sflag:s11] =	ssyncset.done $0x0  }
0xcf: {  	p1 =	por $0x1, $0x1;
	s0 =	simm.s32 $0xFFFF1C00;
	[sflag:s11] =	ssyncadd.s32 $0xFFFFC000  }
.LBB2_6:
0xd0: {  	[tilespmem:s15], [sflag:$0x4] =	stream.linear.gather [hbm4b:s29+s3], $0x80, $0x38;
	[tilespmem:$0x1FD00] =	vst v63  }
0xd1: {  	s1 =	smov.u32 s0;
	s29 =	smov.u32 s31  }
0xd2: {  	s5 =	sadd.s32 $0x400, s0;
	s9 =	sadd.s32 $0x17B80, s30;
	s1 =	sshra.s32 s1, $0x2  }
0xd3: {  	[tilespmem:s21], [sflag:$0x2] =	stream.indirect.gather [hbm4b:s4+s18], $0x80, s9, s18, $0xb8;
	[tilespmem:$0x1FD00] =	vst v63  }
0xd4: {  	p2 =	seq.s32 s0, $0xFFFFFC00;
	_ =	swait.ge [sflag:s22], $0x4000  }
0xd5: {  	[sflag:s22] =	ssyncset.done $0x0  }
0xd6: {  	[sflag:s22] =	ssyncadd.s32 $0xFFFFC000  }
0xd7: {  	_ =	swait.ge [sflag:s23], $0x80  }
0xd8: {  	[sflag:s23] =	ssyncset.done $0x0  }
0xd9: {  	[sflag:s23] =	ssyncadd.s32 $0xFFFFFF80  }
0xda: {  	[spmem:s2] =	stream.indirect.scatter.add.f32 [tilespmem:s19], [sflag:$0x5], $0x80, s13, s18, $0xb8;
	[tilespmem:$0x1FD00] =	vst v63  }
0xdb: {  	_ =	swait.ge [sflag:s11], $0x4000  }
0xdc: {  	[sflag:s11] =	ssyncset.done $0x0  }
0xdd: {  	s0 =	sadd.s32 $0xFFFFFFF0, s31;
	[sflag:s11] =	ssyncadd.s32 $0xFFFFC000  }
0xde: {  	[tilespmem:s13], [sflag:$0x3] =	stream.linear.gather [hbm4b:s0+s3], $0x80, $0x38;
	[tilespmem:$0x1FD00] =	vst v63  }
0xdf: {  	s0 =	sadd.s32 $0x17C00, s30;
	s30 =	smov.u32 s1  }
0xe0: {  	[tilespmem:s19], [sflag:$0x1] =	stream.indirect.gather [hbm4b:s4+s18], $0x80, s0, s18, $0xb8;
	[tilespmem:$0x1FD00] =	vst v63  }
0xe1: {  	_ =	swait.ge [sflag:s25], $0x4000  }
0xe2: {  	[sflag:s25] =	ssyncset.done $0x0  }
0xe3: {  	[sflag:s25] =	ssyncadd.s32 $0xFFFFC000  }
0xe4: {  	_ =	swait.ge [sflag:s26], $0x80  }
0xe5: {  	[sflag:s26] =	ssyncset.done $0x0  }
.Ltmp7:
0xe6: {  	[sflag:s26] =	ssyncadd.s32 $0xFFFFFF80;
	(pc) =	sbr.rel @!p2 .LBB2_6-.Ltmp7, $4  }
0xe7: {  	[spmem:s2] =	stream.indirect.scatter.add.f32 [tilespmem:s21], [sflag:$0x5], $0x80, s15, s18, $0xb8;
	[tilespmem:$0x1FD00] =	vst v63  }
0xe8: {  	_ =	swait.ge [sflag:s11], $0x4000  }
0xe9: {  	[sflag:s11] =	ssyncset.done $0x0  }
0xea: {  	s31 =	sadd.s32 $0x20, s31;
	s0 =	smov.u32 s5;
	[sflag:s11] =	ssyncadd.s32 $0xFFFFC000  }
.Ltmp8:
0xeb: {  	(pc) =	sbr.rel .LBB2_8-.Ltmp8, $2  }
0xec: {  	_ =	sdelay $0x2  }
0xed: {  	s0 =	smov.u32 s29;
	s29 =	smov.u32 s31  }
.LBB2_5:
.Ltmp9:
0xee: {  	(pc) =	sbr.rel .LBB2_8-.Ltmp9, $2  }
0xef: {  	_ =	sdelay $0x2  }
0xf0: {  	s0 =	smov.u32 s29;
	s29 =	smov.u32 s31  }
.LBB2_13:
0xf1: {  	_ =	sfence.sel $0x180000  }
0xf2: {  	[bflag:$0x0] =	sbarrier.arrive $0xFFFF  }
0xf3: {  	_ =	strace $0x9000004A  }
0xf4: {  	s0 =	stileid.u32;
	[bflag:$0x2] =	sbarrier.arrive $0xFFFF  }
0xf5: {  	p0 =	sne.s32 s0, $0x0;
	s0 =	rddreg [dreg:$0x2]  }
0xf6: {  	s0 =	sadd.s32 @!p0 $0x100000, s0  }
0xf7: {  	[sflag:s0] =	ssyncadd.tile.s32 @!p0 $0x1;
	_ =	shalt  }
.Lfunc_end2:
_tile_overlayer_lowered:
.L_overlay_start_2:
0xf8: {  	(tag) =	ssettag $0x2  }
0xf9: {  	s0 =	rddreg [dreg:$0x0];
	s2 =	stileid.u32  }
0xfa: {  	s1 =	rddreg [dreg:$0x1];
	p0 =	sne.s32 s2, $0x0  }
0xfb: {  	s3 =	rddreg [dreg:$0x2];
	[bflag:$0x3] =	sbarrier.arrive $0xFFFF;
	s2 =	simm.s32 @!p0 $0x1C05  }
0xfc: {  	[timem:s3], [sflag:s2] =	dma.local @!p0 [hbm:s0], s1  }
0xfd: {  	s0 =	simm.s32 @!p0 $0x5  }
0xfe: {  	_ =	swait.ge @!p0 [sflag:s0], s1  }
0xff: {  	s1 =	ssub.s32 @!p0 $0x0, s1;
	[sflag:s0] =	ssyncset.done @!p0 $0x0  }
0x100: {  	[sflag:s0] =	ssyncadd.s32 @!p0 s1  }
0x101: {  	[bflag:$0x3] =	sbarrier.arrive $0xFFFF  }
0x102: {  	_ =	shalt  }

// kernel: kernel.14.cloned.1.call-start
scs
__scs_entry_jumppad:
0x0: {  	(pc) =	sbr.rel $0x88, $3  }
0x1: {  	(tag) =	ssettag $0x0;
	lr =	simm.s32 $0x1  }
0x2: {  	[smem:$0x3F97] =	sst lr;
	_ =	strace $0xD0000000  }
0x3: {  	_ = 	snop  }
0x4: {  	_ = 	snop  }
0x5: {  	_ = 	snop  }
0x6: {  	_ = 	snop  }
0x7: {  	_ = 	snop  }
__scs_overlays_trampoline_lowered:
0x8: {  	[smem:$0x3FA6] =	sst s0  }
0x9: {  	[smem:$0x3FA7] =	sst s1  }
0xa: {  	[smem:$0x3FA8] =	sst s2  }
0xb: {  	[smem:$0x3FA9] =	sst s3  }
0xc: {  	[smem:$0x3FAA] =	sst s4  }
0xd: {  	[smem:$0x3FAB] =	sst s5  }
0xe: {  	[smem:$0x3FAC] =	sst s6  }
0xf: {  	[smem:$0x3FAD] =	sst s7  }
0x10: {  	[smem:$0x3FAE] =	sst s8  }
0x11: {  	[smem:$0x3FAF] =	sst s9;
	s0 =	simm.s32 @!p0 $0x0  }
0x12: {  	s1 =	sld [smem:$0x3F95];
	s0 =	simm.s32 @p0 $0x1  }
0x13: {  	[smem:$0x3FB0] =	sst s0;
	s0 =	simm.s32 @!p1 $0x0  }
0x14: {  	s2 =	sld [smem:$0x3F94];
	s0 =	simm.s32 @p1 $0x1  }
0x15: {  	[smem:$0x3FB1] =	sst s0;
	s0 =	simm.s32 @!p2 $0x0  }
0x16: {  	s3 =	sld [smem:$0x3FDB];
	s0 =	simm.s32 @p2 $0x1  }
0x17: {  	s4 =	simm.s32 $0x1BF5;
	[smem:$0x3FB3] =	sst s0  }
0x18: {  	s0 =	sld [smem:$0x3F96];
	_ =	swait.ge [sflag:s4], $0x0  }
0x19: {  	s7 =	sld [smem:$0x3F97]  }
0x1a: {  	s8 =	sadd.s32 $0xFFFFE003, lr  }
0x1b: {  	s9 =	sadd.s32 $0xFFFFFEF7, lr;
	s5 =	simm.s32 $0xFFFFFFFF;
	p2 =	slt.u32 s8, $0xFFFFF086  }
0x1c: {  	p1 =	slt.u32 s9, $0xF7A;
	s5 =	simm.s32 @!p2 $0x0  }
0x1d: {  	s5 =	simm.s32 @p1 $0x1;
	p0 =	seq.s32 s7, s2  }
0x1e: {  	s7 =	smul.u32 @!p0 $0xF7A, s2;
	p2 =	seq.s32 @!p0 s5, $0x0  }
0x1f: {  	s9 =	smul.u32 $0xF7A, s1;
	s8 =	simm.s32 @!p0 $0x1BF5;
	p2 =	por !p2, p0  }
0x20: {  	[sflag:s8] =	ssyncset.s32 @!p0 $0xFFFFF086;
	s6 =	sadd.s32 @!p0 s3, s7;
	s7 =	simm.s32 @!p0 $0x108  }
0x21: {  	s3 =	sadd.s32 s3, s9;
	s6 =	sadd.s32 @!p0 $0x88, s6;
	s7 =	simm.s32 @p2 $0x1082  }
0x22: {  	[simem:s7], [sflag:s8] =	dma.local @!p0 [hbm:s6], $0xF7A  }
0x23: {  	s9 =	sor.u32 $0xD0000000, s2;
	s6 =	simm.s32 $0x108;
	_ =	swait.ge @!p0 [sflag:s8], $0x0  }
0x24: {  	s3 =	sadd.s32 $0x88, s3;
	s6 =	simm.s32 @!p1 $0x1082;
	[sflag:s4] =	ssyncset.s32 $0xFFFFF086  }
0x25: {  	[simem:s6], [sflag:s4] =	dma.local [hbm:s3], $0xF7A  }
0x26: {  	[smem:$0x3F97] =	sst s1;
	(tag) =	ssettag s2;
	_ =	strace s9  }
0x27: {  	s1 =	sld [smem:$0x3FA7]  }
0x28: {  	s2 =	sld [smem:$0x3FA8]  }
0x29: {  	s4 =	sld [smem:$0x3FAA]  }
0x2a: {  	p0 =	seq.s32 s5, $0x0;
	s5 =	sld [smem:$0x3FAB]  }
0x2b: {  	s6 =	sld [smem:$0x3FAC]  }
0x2c: {  	s7 =	sld [smem:$0x3FAD]  }
0x2d: {  	s3 =	simm.s32 $0x108;
	s8 =	sld [smem:$0x3FAE]  }
0x2e: {  	s3 =	simm.s32 @!p0 $0x1082;
	s9 =	sld [smem:$0x3FAF]  }
0x2f: {  	lr =	sadd.s32 s0, s3;
	s0 =	sld [smem:$0x3FA6]  }
0x30: {  	s3 =	sld [smem:$0x3FA9]  }
0x31: {  	[smem:$0x3FB2] =	sst s10  }
0x32: {  	s10 =	sld [smem:$0x3FB0];
	_ =	sdelay $0x3  }
0x33: {  	p0 =	seq.s32 s10, $0x1;
	s10 =	sld [smem:$0x3FB2];
	_ =	sdelay $0x3  }
0x34: {  	[smem:$0x3FB2] =	sst s10  }
0x35: {  	s10 =	sld [smem:$0x3FB1];
	_ =	sdelay $0x3  }
0x36: {  	p1 =	seq.s32 s10, $0x1;
	s10 =	sld [smem:$0x3FB2];
	_ =	sdelay $0x3  }
0x37: {  	[smem:$0x3FB2] =	sst s10  }
0x38: {  	s10 =	sld [smem:$0x3FB3]  }
0x39: {  	_ = 	snop;
	(pc) =	sbr.ind lr, $3  }
0x3a: {  	_ = 	snop  }
0x3b: {  	_ = 	snop  }
0x3c: {  	p2 =	seq.s32 s10, $0x1;
	s10 =	sld [smem:$0x3FB2]  }
0x3d: {  	_ =	shalt  }
0x3e: {  	_ =	shalt  }
0x3f: {  	_ =	shalt  }
0x40: {  	_ =	shalt  }
0x41: {  	_ =	shalt  }
0x42: {  	_ =	shalt  }
0x43: {  	_ =	shalt  }
0x44: {  	_ =	shalt  }
0x45: {  	_ =	shalt  }
0x46: {  	_ =	shalt  }
0x47: {  	_ =	shalt  }
0x48: {  	_ =	shalt  }
0x49: {  	_ =	shalt  }
0x4a: {  	_ =	shalt  }
0x4b: {  	_ =	shalt  }
0x4c: {  	_ =	shalt  }
0x4d: {  	_ =	shalt  }
0x4e: {  	_ =	shalt  }
0x4f: {  	_ =	shalt  }
0x50: {  	_ =	shalt  }
0x51: {  	_ =	shalt  }
0x52: {  	_ =	shalt  }
0x53: {  	_ =	shalt  }
0x54: {  	_ =	shalt  }
0x55: {  	_ =	shalt  }
0x56: {  	_ =	shalt  }
0x57: {  	_ =	shalt  }
0x58: {  	_ =	shalt  }
0x59: {  	_ =	shalt  }
0x5a: {  	_ =	shalt  }
0x5b: {  	_ =	shalt  }
0x5c: {  	_ =	shalt  }
0x5d: {  	_ =	shalt  }
0x5e: {  	_ =	shalt  }
0x5f: {  	_ =	shalt  }
0x60: {  	_ =	shalt  }
0x61: {  	_ =	shalt  }
0x62: {  	_ =	shalt  }
0x63: {  	_ =	shalt  }
0x64: {  	_ =	shalt  }
0x65: {  	_ =	shalt  }
0x66: {  	_ =	shalt  }
0x67: {  	_ =	shalt  }
0x68: {  	_ =	shalt  }
0x69: {  	_ =	shalt  }
0x6a: {  	_ =	shalt  }
0x6b: {  	_ =	shalt  }
0x6c: {  	_ =	shalt  }
0x6d: {  	_ =	shalt  }
0x6e: {  	_ =	shalt  }
0x6f: {  	_ =	shalt  }
0x70: {  	_ =	shalt  }
0x71: {  	_ =	shalt  }
0x72: {  	_ =	shalt  }
0x73: {  	_ =	shalt  }
0x74: {  	_ =	shalt  }
0x75: {  	_ =	shalt  }
0x76: {  	_ =	shalt  }
0x77: {  	_ =	shalt  }
0x78: {  	_ =	shalt  }
0x79: {  	_ =	shalt  }
0x7a: {  	_ =	shalt  }
0x7b: {  	_ =	shalt  }
0x7c: {  	_ =	shalt  }
0x7d: {  	_ =	shalt  }
0x7e: {  	_ =	shalt  }
0x7f: {  	_ =	shalt  }
0x80: {  	_ =	shalt  }
0x81: {  	_ =	shalt  }
0x82: {  	_ =	shalt  }
0x83: {  	_ =	shalt  }
0x84: {  	_ =	shalt  }
0x85: {  	_ =	shalt  }
0x86: {  	_ =	shalt  }
0x87: {  	_ =	shalt  }
.Lfunc_end0:
.L_simem_size_0:
called_computation.2_lowered:
.L_overlay_start_0:
0x88: {  	s2 =	sld [smem:$0x3FD9]  }
0x89: {  	s3 =	sld [smem:$0x3FFE];
	_ =	sdelay $0x1  }
0x8a: {  	s1 =	srdreg.scid  }
0x8b: {  	s0 =	sand.u32 $0x1, s1  }
0x8c: {  	s16 =	sshll.u32 s0, $0xA;
	s2 =	sadd.s32 s3, s2  }
0x8d: {  	s2 =	sadd.s32 s2, s16  }
0x8e: {  	[smem:$0x3FBE] =	sst s2  }
0x8f: {  	_ = 	snop  }
0x90: {  	(tm) =	ssettm $0x1  }
0x91: {  	s17 =	sld [smem:$0x3FFB];
	_ =	sdelay $0x3  }
0x92: {  	_ =	strace s17  }
0x93: {  	s2 =	sld [smem:$0x3FFC];
	_ =	sdelay $0x3  }
0x94: {  	_ =	strace s2  }
0x95: {  	s2 =	sld [smem:$0x3FFD];
	_ =	sdelay $0x3  }
0x96: {  	_ =	strace s2  }
0x97: {  	_ =	strace $0x8FFFFFFF  }
0x98: {  	s18 =	sld [smem:$0x3FDB];
	_ =	sdelay $0x1  }
0x99: {  	s19 =	simm.s32 $_scs_section_size  }
0x9a: {  	s4 =	simm.s32 $_size__tile_overlayer_lowered;
	s5 =	simm.s32 $_tile_overlayer_lowered  }
0x9b: {  	s22 =	simm.s32 $0x1BFF;
	s21 =	sshll.u32 s5, $0x1;
	s2 =	sadd.s32 s19, s18  }
0x9c: {  	s6 =	simm.s32 $0x0;
	s20 =	sshll.u32 s4, $0x1;
	s4 =	sadd.s32 s21, s2  }
0x9d: {  	[timem:s6], [sflag:s22] =	dma.local [hbm:s4], s20  }
0x9e: {  	_ =	swait.ge [sflag:s22], s20  }
0x9f: {  	s3 =	ssub.s32 $0x0, s20;
	[sflag:s22] =	ssyncset.done $0x0  }
0xa0: {  	[sflag:s22] =	ssyncadd.s32 s3;
	_ =	sdelay $0x1  }
0xa1: {  	s23 =	simm.s32 $0x1B8B  }
0xa2: {  	_ =	swait.ge [sflag:s23], $0x1  }
0xa3: {  	[sflag:s23] =	ssyncset.done $0x0  }
0xa4: {  	s25 =	simm.s32 $0x1B8E;
	s24 =	sld [smem:$0x3FFE];
	[sflag:s23] =	ssyncadd.s32 $0xFFFFFFFF  }
0xa5: {  	s26 =	simm.s32 $execute0_lowered;
	[smem:$0x3FD2] =	sst s25  }
0xa6: {  	s4 =	sshll.u32 s26, $0x1;
	_ =	strace $0x8000004C;
	[dreg:$0x1] =	wrdreg $0xFFFFFFFF  }
0xa7: {  	s28 =	simm.s32 $_size_execute0_lowered;
	s2 =	sadd.s32 s2, s4;
	[dreg:$0x0] =	wrdreg $0x0  }
0xa8: {  	s4 =	sshll.u32 s28, $0x1;
	[dreg:$0x2] =	wrdreg s2  }
0xa9: {  	[dreg:$0x3] =	wrdreg s4  }
0xaa: {  	[dreg:$0x4] =	wrdreg $0xC0  }
0xab: {  	_ =	task [dreg:s6], $0x5FFFF  }
0xac: {  	[dreg:$0x1] =	wrdreg $0xFFFFFFFF  }
0xad: {  	[dreg:$0x0] =	wrdreg $0x60  }
0xae: {  	[dreg:$0x2] =	wrdreg s24  }
0xaf: {  	[dreg:$0x3] =	wrdreg $0x0  }
0xb0: {  	[dreg:$0x4] =	wrdreg $0x9  }
0xb1: {  	_ =	task.clear_ibuf [dreg:s6], $0x5FFFF;
	_ =	strace $0x9000004C  }
0xb2: {  	s29 =	simm.s32 $0x9;
	_ =	strace $0x8000004E  }
0xb3: {  	_ =	swait.ge [sflag:s29], $0x1  }
0xb4: {  	[sflag:s29] =	ssyncadd.s32 $0xFFFFFFFF  }
0xb5: {  	_ =	strace $0x9000004E  }
0xb6: {  	_ =	sfence  }
0xb7: {  	s30 =	sld [smem:$0x0];
	_ =	sdelay $0x2  }
0xb8: {  	s31 =	sshll.u32 s1, $0xD;
	s1 =	sshrl.u32 s1, $0x2  }
0xb9: {  	s3 =	sand.u32 $0x4000, s31;
	s1 =	sadd.s32 s1, s30  }
0xba: {  	s0 =	sor.u32 s3, s0;
	s1 =	sshll.u32 s1, $0x11  }
0xbb: {  	s0 =	sor.u32 s1, s0  }
0xbc: {  	s0 =	sadd.s32 $0x8F2B, s0  }
0xbd: {  	[sflag:s0] =	ssyncadd.remote.s32 $0x1  }
0xbe: {  	_ =	sfence.sel $0xFFFF  }
0xbf: {  	[dreg:$0x0] =	wrdreg $0xFFFFFFFF;
	(pc) =	sbr.abs _section_cstart, $3  }
0xc0: {  	[dreg:$0x1] =	wrdreg $0xFFFFFFFF  }
0xc1: {  	_ =	task.clear_ibuf [dreg:s6], $0x2FFFF;
	_ =	strace $0x9FFFFFFF  }
0xc2: {  	(tm) =	ssettm $0x7FFFFFFF  }
0xc3: {  	_ =	shalt  }
tec
execute0_lowered:
.L_overlay_start_1:
0x0: {  	(tag) =	ssettag $0x1  }
0x1: {  	s0 =	rddreg [dreg:$0x0]  }
0x2: {  	s2 =	rddreg [dreg:$0x1]  }
0x3: {  	s3 =	simm.s32 $0x0;
	s1 =	stileid.u32;
	s6 =	srdreg.scid  }
0x4: {  	s13 =	simm.s32 $0x17C00;
	s15 =	simm.s32 $0x17C80;
	s18 =	simm.s32 $0x80  }
0x5: {  	s19 =	simm.s32 $0x17D00;
	s21 =	simm.s32 $0x1BD00;
	s22 =	simm.s32 $0x1  }
0x6: {  	s23 =	simm.s32 $0x3;
	s25 =	simm.s32 $0x2;
	s5 =	smul.u32 $0xA00, s1  }
0x7: {  	s28 =	simm.s32 $0x0;
	[smem:$0x7FF] =	sst s3;
	s24 =	smul.u32 $0x2800, s1  }
0x8: {  	s4 =	sadd.s32 $0x20A00, s0;
	s6 =	sand.u32 $0x1, s6;
	s11 =	smul.u32 $0x50000, s1  }
0x9: {  	s16 =	sshll.u32 s1, $0x6;
	_ =	strace $0x8000004D;
	s26 =	smul.u32 $0x28000, s6  }
0xa: {  	s7 =	ssub.s32 $0x2, s6;
	p0 =	seq.s32 s6, $0x1;
	s16 =	sor.u32 $0x1C05, s16  }
0xb: {  	s9 =	sadd.s32 s5, s0;
	s8 =	sadd.s32 s24, s0;
	s10 =	sshrl.u32 s7, $0x1  }
0xc: {  	s30 =	sshrl.u32 s11, $0x2;
	s11 =	simm.s32 $0x5;
	s0 =	sadd.s32 s26, s0  }
0xd: {  	s10 =	ssub.s32 s7, s10;
	s29 =	sadd.s32 $0x2A00, s9;
	s6 =	sadd.s32 $0x16A00, s9  }
.Ltmp0:
0xe: {  	s17 =	sadd.s32 s30, s2;
	s7 =	sadd.s32 $0x48A00, s8;
	(pc) =	sbr.rel .LBB2_1-.Ltmp0, $4  }
0xf: {  	s31 =	sadd.s32 $0x3180, s9;
	s26 =	simm.s32 $0x4;
	[dreg:$0x3] =	wrdreg s29  }
0x10: {  	s0 =	sadd.s32 $0x70A00, s0;
	s8 =	smax.u32 s10, $0x1;
	[dreg:$0x4] =	wrdreg s31  }
0x11: {  	s10 =	simm.s32 $0x14000;
	s12 =	sadd.s32 $0x780, s6;
	s14 =	sadd.s32 $0x790, s6  }
0x12: {  	s17 =	sshrl.u32 s17, $0x3;
	s20 =	sadd.s32 $0x7A0, s6;
	s24 =	sadd.s32 s24, s0  }
.LBB2_3:
0x13: {  	_ = 	snop  }
.LBB2_8:
0x14: {  	[tilespmem:s15], [sflag:$0x4] =	stream.linear.gather @p1 [hbm4b:s0+s3], $0x80, $0x38;
	[tilespmem:$0x1FD00] =	vst v63  }
0x15: {  	s5 =	sadd.s32 $0x17B80, s30  }
0x16: {  	[tilespmem:s21], [sflag:$0x2] =	stream.indirect.gather [hbm4b:s4+s18], $0x80, s5, s18, $0xb8;
	[tilespmem:$0x1FD00] =	vst v63  }
0x17: {  	_ =	swait.ge [sflag:s22], $0x4000  }
0x18: {  	[sflag:s22] =	ssyncset.done $0x0  }
0x19: {  	[sflag:s22] =	ssyncadd.s32 $0xFFFFC000  }
0x1a: {  	_ =	swait.ge [sflag:s23], $0x80  }
0x1b: {  	[sflag:s23] =	ssyncset.done $0x0  }
0x1c: {  	[sflag:s23] =	ssyncadd.s32 $0xFFFFFF80  }
0x1d: {  	[spmem:s2] =	stream.indirect.scatter.add.f32 [tilespmem:s19], [sflag:$0x5], $0x80, s13, s18, $0xb8;
	[tilespmem:$0x1FD00] =	vst v63  }
0x1e: {  	_ =	swait.ge [sflag:s11], $0x4000  }
0x1f: {  	[sflag:s11] =	ssyncset.done $0x0  }
0x20: {  	s9 =	sadd.s32 $0xFFFFFFF0, s29;
	[sflag:s11] =	ssyncadd.s32 $0xFFFFC000  }
0x21: {  	[tilespmem:s13], [sflag:$0x3] =	stream.linear.gather [hbm4b:s9+s3], $0x80, $0x38;
	[tilespmem:$0x1FD00] =	vst v63  }
0x22: {  	s31 =	sadd.s32 $0x17C00, s30  }
0x23: {  	[tilespmem:s19], [sflag:$0x1] =	stream.indirect.gather [hbm4b:s4+s18], $0x80, s31, s18, $0xb8;
	[tilespmem:$0x1FD00] =	vst v63  }
0x24: {  	_ =	swait.ge [sflag:s25], $0x4000  }
0x25: {  	[sflag:s25] =	ssyncset.done $0x0  }
0x26: {  	[sflag:s25] =	ssyncadd.s32 $0xFFFFC000  }
0x27: {  	_ =	swait.ge [sflag:s26], $0x80  }
0x28: {  	[sflag:s26] =	ssyncset.done $0x0  }
0x29: {  	[sflag:s26] =	ssyncadd.s32 $0xFFFFFF80  }
0x2a: {  	[spmem:s2] =	stream.indirect.scatter.add.f32 [tilespmem:s21], [sflag:$0x5], $0x80, s15, s18, $0xb8;
	[tilespmem:$0x1FD00] =	vst v63  }
0x2b: {  	_ =	swait.ge [sflag:s11], $0x4000  }
0x2c: {  	[sflag:s11] =	ssyncset.done $0x0  }
0x2d: {  	s0 =	simm.s32 $0x17B80;
	[sflag:s11] =	ssyncadd.s32 $0xFFFFC000  }
0x2e: {  	[tilespmem:s15], [sflag:$0x4] =	stream.linear.gather [hbm4b:s29+s3], $0x80, $0x38;
	[tilespmem:$0x1FD00] =	vst v63  }
.LBB2_12:
0x2f: {  	[tilespmem:s21], [sflag:$0x2] =	stream.indirect.gather [hbm4b:s4+s18], $0x80, s0, s18, $0xb8;
	[tilespmem:$0x1FD00] =	vst v63  }
0x30: {  	_ =	swait.ge [sflag:s22], $0x4000  }
0x31: {  	[sflag:s22] =	ssyncset.done $0x0  }
0x32: {  	[sflag:s22] =	ssyncadd.s32 $0xFFFFC000  }
0x33: {  	_ =	swait.ge [sflag:s23], $0x80  }
0x34: {  	[sflag:s23] =	ssyncset.done $0x0  }
0x35: {  	[sflag:s23] =	ssyncadd.s32 $0xFFFFFF80  }
0x36: {  	[spmem:s2] =	stream.indirect.scatter.add.f32 [tilespmem:s19], [sflag:$0x5], $0x80, s13, s18, $0xb8;
	[tilespmem:$0x1FD00] =	vst v63  }
0x37: {  	_ =	swait.ge [sflag:s11], $0x4000  }
0x38: {  	[sflag:s11] =	ssyncset.done $0x0  }
0x39: {  	[sflag:s11] =	ssyncadd.s32 $0xFFFFC000  }
0x3a: {  	_ =	swait.ge [sflag:s25], $0x4000  }
0x3b: {  	[sflag:s25] =	ssyncset.done $0x0  }
0x3c: {  	[sflag:s25] =	ssyncadd.s32 $0xFFFFC000  }
0x3d: {  	_ =	swait.ge [sflag:s26], $0x80  }
0x3e: {  	[sflag:s26] =	ssyncset.done $0x0  }
0x3f: {  	[sflag:s26] =	ssyncadd.s32 $0xFFFFFF80  }
0x40: {  	[spmem:s2] =	stream.indirect.scatter.add.f32 [tilespmem:s21], [sflag:$0x5], $0x80, s15, s18, $0xb8;
	[tilespmem:$0x1FD00] =	vst v63  }
0x41: {  	_ =	swait.ge [sflag:s11], $0x4000  }
0x42: {  	s28 =	sadd.s32 $0x1, s28;
	[sflag:s11] =	ssyncset.done $0x0  }
0x43: {  	p1 =	sne.s32 s28, s8;
	[sflag:s11] =	ssyncadd.s32 $0xFFFFC000  }
.Ltmp1:
0x44: {  	[bflag:$0x0] =	sbarrier.arrive $0xFFFF;
	(pc) =	sbr.rel @!p1 .LBB2_13-.Ltmp1, $4  }
0x45: {  	[hbm:s24], [sflag:s16] =	dma.local [spmem:s17], $0x2800  }
0x46: {  	_ =	swait.ge [sflag:s11], $0x2800  }
0x47: {  	[sflag:s11] =	ssyncset.done $0x0  }
0x48: {  	[sflag:s11] =	ssyncadd.s32 $0xFFFFD800  }
.LBB2_1:
.Ltmp2:
0x49: {  	(pc) =	sbr.rel @!p0 .LBB2_2-.Ltmp2, $1  }
0x4a: {  	_ =	sdelay $0x3  }
0x4b: {  	s0 =	rddreg [dreg:$0x4]  }
0x4c: {  	[tilespmem:s10], [sflag:$0x5] =	stream.linear.gather [hbm4b:s0+s3], $0x1400, $0x38;
	[tilespmem:$0x1FD00] =	vst v63  }
0x4d: {  	_ =	swait.ge [sflag:s11], $0x1400  }
0x4e: {  	[sflag:s11] =	ssyncset.done $0x0  }
0x4f: {  	[sflag:s11] =	ssyncadd.s32 $0xFFFFEC00  }
0x50: {  	[tilespmem:s13], [sflag:$0x3] =	stream.linear.gather [hbm4b:s12+s3], $0x80, $0x38;
	[tilespmem:$0x1FD00] =	vst v63  }
0x51: {  	_ = 	snop  }
0x52: {  	[tilespmem:s15], [sflag:$0x4] =	stream.linear.gather [hbm4b:s14+s3], $0x80, $0x38;
	[tilespmem:$0x1FD00] =	vst v63  }
0x53: {  	[spmem:s17], [sflag:s16] =	dma.local [hbm:s7], $0x2800  }
0x54: {  	_ =	swait.ge [sflag:s11], $0x2800  }
0x55: {  	[sflag:s11] =	ssyncset.done $0x0  }
0x56: {  	[sflag:s11] =	ssyncadd.s32 $0xFFFFD800  }
0x57: {  	[bflag:$0x0] =	sbarrier.arrive $0xFFFF  }
0x58: {  	[tilespmem:s19], [sflag:$0x1] =	stream.indirect.gather [hbm4b:s4+s18], $0x80, s10, s18, $0xb8;
	[tilespmem:$0x1FD00] =	vst v63  }
0x59: {  	s5 =	simm.s32 $0x14080  }
0x5a: {  	[tilespmem:s21], [sflag:$0x2] =	stream.indirect.gather [hbm4b:s4+s18], $0x80, s5, s18, $0xb8;
	[tilespmem:$0x1FD00] =	vst v63  }
0x5b: {  	_ =	swait.ge [sflag:s22], $0x4000  }
0x5c: {  	[sflag:s22] =	ssyncset.done $0x0  }
0x5d: {  	[sflag:s22] =	ssyncadd.s32 $0xFFFFC000  }
0x5e: {  	_ =	swait.ge [sflag:s23], $0x80  }
0x5f: {  	[sflag:s23] =	ssyncset.done $0x0  }
0x60: {  	[sflag:s23] =	ssyncadd.s32 $0xFFFFFF80  }
0x61: {  	[spmem:s2] =	stream.indirect.scatter.add.f32 [tilespmem:s19], [sflag:$0x5], $0x80, s13, s18, $0xb8;
	[tilespmem:$0x1FD00] =	vst v63  }
0x62: {  	_ =	swait.ge [sflag:s11], $0x4000  }
0x63: {  	[sflag:s11] =	ssyncset.done $0x0  }
0x64: {  	[sflag:s11] =	ssyncadd.s32 $0xFFFFC000  }
0x65: {  	[tilespmem:s13], [sflag:$0x3] =	stream.linear.gather [hbm4b:s20+s3], $0x80, $0x38;
	[tilespmem:$0x1FD00] =	vst v63  }
0x66: {  	s9 =	simm.s32 $0x14100  }
0x67: {  	[tilespmem:s19], [sflag:$0x1] =	stream.indirect.gather [hbm4b:s4+s18], $0x80, s9, s18, $0xb8;
	[tilespmem:$0x1FD00] =	vst v63  }
0x68: {  	_ =	swait.ge [sflag:s25], $0x4000  }
0x69: {  	[sflag:s25] =	ssyncset.done $0x0  }
0x6a: {  	[sflag:s25] =	ssyncadd.s32 $0xFFFFC000  }
0x6b: {  	_ =	swait.ge [sflag:s26], $0x80  }
0x6c: {  	[sflag:s26] =	ssyncset.done $0x0  }
0x6d: {  	[sflag:s26] =	ssyncadd.s32 $0xFFFFFF80  }
0x6e: {  	[spmem:s2] =	stream.indirect.scatter.add.f32 [tilespmem:s21], [sflag:$0x5], $0x80, s15, s18, $0xb8;
	[tilespmem:$0x1FD00] =	vst v63  }
0x6f: {  	_ =	swait.ge [sflag:s11], $0x4000  }
0x70: {  	s30 =	simm.s32 $0xFFFFEE00;
	s31 =	sadd.s32 $0x10, s20;
	[sflag:s11] =	ssyncset.done $0x0  }
0x71: {  	s29 =	sadd.s32 $0x20, s20;
	s0 =	simm.s32 $0xFFFFBC00;
	[sflag:s11] =	ssyncadd.s32 $0xFFFFC000  }
.LBB2_10:
0x72: {  	[tilespmem:s15], [sflag:$0x4] =	stream.linear.gather [hbm4b:s31+s3], $0x80, $0x38;
	[tilespmem:$0x1FD00] =	vst v63  }
0x73: {  	s1 =	smov.u32 s0  }
0x74: {  	s5 =	sadd.s32 $0x400, s0;
	s9 =	sadd.s32 $0x15380, s30;
	s1 =	sshra.s32 s1, $0x2  }
0x75: {  	[tilespmem:s21], [sflag:$0x2] =	stream.indirect.gather [hbm4b:s4+s18], $0x80, s9, s18, $0xb8;
	[tilespmem:$0x1FD00] =	vst v63  }
0x76: {  	p1 =	sne.s32 s0, $0xFFFFFC00;
	_ =	swait.ge [sflag:s22], $0x4000  }
0x77: {  	[sflag:s22] =	ssyncset.done $0x0  }
0x78: {  	[sflag:s22] =	ssyncadd.s32 $0xFFFFC000  }
0x79: {  	_ =	swait.ge [sflag:s23], $0x80  }
0x7a: {  	[sflag:s23] =	ssyncset.done $0x0  }
0x7b: {  	[sflag:s23] =	ssyncadd.s32 $0xFFFFFF80  }
0x7c: {  	[spmem:s2] =	stream.indirect.scatter.add.f32 [tilespmem:s19], [sflag:$0x5], $0x80, s13, s18, $0xb8;
	[tilespmem:$0x1FD00] =	vst v63  }
0x7d: {  	_ =	swait.ge [sflag:s11], $0x4000  }
0x7e: {  	[sflag:s11] =	ssyncset.done $0x0  }
0x7f: {  	[sflag:s11] =	ssyncadd.s32 $0xFFFFC000  }
0x80: {  	[tilespmem:s13], [sflag:$0x3] =	stream.linear.gather [hbm4b:s29+s3], $0x80, $0x38;
	[tilespmem:$0x1FD00] =	vst v63  }
0x81: {  	s0 =	sadd.s32 $0x15400, s30;
	s30 =	smov.u32 s1  }
0x82: {  	[tilespmem:s19], [sflag:$0x1] =	stream.indirect.gather [hbm4b:s4+s18], $0x80, s0, s18, $0xb8;
	[tilespmem:$0x1FD00] =	vst v63  }
0x83: {  	_ =	swait.ge [sflag:s25], $0x4000  }
0x84: {  	[sflag:s25] =	ssyncset.done $0x0  }
0x85: {  	[sflag:s25] =	ssyncadd.s32 $0xFFFFC000  }
0x86: {  	_ =	swait.ge [sflag:s26], $0x80  }
0x87: {  	[sflag:s26] =	ssyncset.done $0x0  }
.Ltmp3:
0x88: {  	[sflag:s26] =	ssyncadd.s32 $0xFFFFFF80;
	(pc) =	sbr.rel @p1 .LBB2_10-.Ltmp3, $4  }
0x89: {  	[spmem:s2] =	stream.indirect.scatter.add.f32 [tilespmem:s21], [sflag:$0x5], $0x80, s15, s18, $0xb8;
	[tilespmem:$0x1FD00] =	vst v63  }
0x8a: {  	_ =	swait.ge [sflag:s11], $0x4000  }
0x8b: {  	s31 =	sadd.s32 $0x10, s29;
	[sflag:s11] =	ssyncset.done $0x0  }
0x8c: {  	s29 =	sadd.s32 $0x20, s29;
	s0 =	smov.u32 s5;
	[sflag:s11] =	ssyncadd.s32 $0xFFFFC000  }
0x8d: {  	[tilespmem:s15], [sflag:$0x4] =	stream.linear.gather [hbm4b:s31+s3], $0x80, $0x38;
	[tilespmem:$0x1FD00] =	vst v63  }
0x8e: {  	s0 =	sadd.s32 $0x15380, s30  }
0x8f: {  	[tilespmem:s21], [sflag:$0x2] =	stream.indirect.gather [hbm4b:s4+s18], $0x80, s0, s18, $0xb8;
	[tilespmem:$0x1FD00] =	vst v63  }
0x90: {  	_ =	swait.ge [sflag:s22], $0x4000  }
0x91: {  	[sflag:s22] =	ssyncset.done $0x0  }
0x92: {  	[sflag:s22] =	ssyncadd.s32 $0xFFFFC000  }
0x93: {  	_ =	swait.ge [sflag:s23], $0x80  }
0x94: {  	[sflag:s23] =	ssyncset.done $0x0  }
0x95: {  	[sflag:s23] =	ssyncadd.s32 $0xFFFFFF80  }
0x96: {  	[spmem:s2] =	stream.indirect.scatter.add.f32 [tilespmem:s19], [sflag:$0x5], $0x80, s13, s18, $0xb8;
	[tilespmem:$0x1FD00] =	vst v63  }
0x97: {  	_ =	swait.ge [sflag:s11], $0x4000  }
0x98: {  	[sflag:s11] =	ssyncset.done $0x0  }
0x99: {  	[sflag:s11] =	ssyncadd.s32 $0xFFFFC000  }
0x9a: {  	[tilespmem:s13], [sflag:$0x3] =	stream.linear.gather [hbm4b:s29+s3], $0x80, $0x38;
	[tilespmem:$0x1FD00] =	vst v63  }
0x9b: {  	s30 =	sadd.s32 $0x15400, s30  }
0x9c: {  	[tilespmem:s19], [sflag:$0x1] =	stream.indirect.gather [hbm4b:s4+s18], $0x80, s30, s18, $0xb8;
	[tilespmem:$0x1FD00] =	vst v63  }
0x9d: {  	_ =	swait.ge [sflag:s25], $0x4000  }
0x9e: {  	[sflag:s25] =	ssyncset.done $0x0  }
0x9f: {  	[sflag:s25] =	ssyncadd.s32 $0xFFFFC000  }
0xa0: {  	_ =	swait.ge [sflag:s26], $0x80  }
0xa1: {  	[sflag:s26] =	ssyncset.done $0x0  }
0xa2: {  	[sflag:s26] =	ssyncadd.s32 $0xFFFFFF80  }
0xa3: {  	[spmem:s2] =	stream.indirect.scatter.add.f32 [tilespmem:s21], [sflag:$0x5], $0x80, s15, s18, $0xb8;
	[tilespmem:$0x1FD00] =	vst v63  }
.Ltmp4:
0xa4: {  	_ = 	snop;
	(pc) =	sbr.rel .LBB2_12-.Ltmp4, $4  }
0xa5: {  	_ =	swait.ge [sflag:s11], $0x4000  }
0xa6: {  	[sflag:s11] =	ssyncset.done $0x0  }
0xa7: {  	s31 =	sadd.s32 $0x10, s29;
	s0 =	simm.s32 $0x15380;
	[sflag:s11] =	ssyncadd.s32 $0xFFFFC000  }
0xa8: {  	[tilespmem:s15], [sflag:$0x4] =	stream.linear.gather [hbm4b:s31+s3], $0x80, $0x38;
	[tilespmem:$0x1FD00] =	vst v63  }
.LBB2_2:
0xa9: {  	s0 =	rddreg [dreg:$0x3]  }
0xaa: {  	[tilespmem:s10], [sflag:$0x5] =	stream.linear.gather [hbm4b:s0+s3], $0x3C00, $0x38;
	[tilespmem:$0x1FD00] =	vst v63  }
0xab: {  	_ =	swait.ge [sflag:s11], $0x3C00  }
0xac: {  	[sflag:s11] =	ssyncset.done $0x0  }
0xad: {  	[sflag:s11] =	ssyncadd.s32 $0xFFFFC400  }
0xae: {  	[tilespmem:s13], [sflag:$0x3] =	stream.linear.gather [hbm4b:s6+s3], $0x80, $0x38;
	[tilespmem:$0x1FD00] =	vst v63  }
0xaf: {  	s31 =	sadd.s32 $0x10, s6;
	p2 =	por $0x0, $0x0  }
0xb0: {  	[tilespmem:s15], [sflag:$0x4] =	stream.linear.gather [hbm4b:s31+s3], $0x80, $0x38;
	[tilespmem:$0x1FD00] =	vst v63  }
0xb1: {  	[spmem:s17], [sflag:s16] =	dma.local [hbm:s7], $0x2800  }
.Ltmp5:
0xb2: {  	_ =	swait.ge [sflag:s11], $0x2800;
	(pc) =	sbr.rel @p2 .LBB2_3-.Ltmp5, $4  }
0xb3: {  	[sflag:s11] =	ssyncset.done $0x0  }
0xb4: {  	s29 =	sadd.s32 $0x30, s6;
	[sflag:s11] =	ssyncadd.s32 $0xFFFFD800  }
0xb5: {  	s30 =	simm.s32 $0xFFFFC500;
	p1 =	por $0x0, $0x0;
	[bflag:$0x0] =	sbarrier.arrive $0xFFFF  }
0xb6: {  	[tilespmem:s19], [sflag:$0x1] =	stream.indirect.gather [hbm4b:s4+s18], $0x80, s10, s18, $0xb8;
	[tilespmem:$0x1FD00] =	vst v63  }
0xb7: {  	s0 =	simm.s32 $0x14080  }
0xb8: {  	[tilespmem:s21], [sflag:$0x2] =	stream.indirect.gather [hbm4b:s4+s18], $0x80, s0, s18, $0xb8;
	[tilespmem:$0x1FD00] =	vst v63  }
0xb9: {  	_ =	swait.ge [sflag:s22], $0x4000  }
0xba: {  	[sflag:s22] =	ssyncset.done $0x0  }
0xbb: {  	[sflag:s22] =	ssyncadd.s32 $0xFFFFC000  }
0xbc: {  	_ =	swait.ge [sflag:s23], $0x80  }
0xbd: {  	[sflag:s23] =	ssyncset.done $0x0  }
0xbe: {  	[sflag:s23] =	ssyncadd.s32 $0xFFFFFF80  }
0xbf: {  	[spmem:s2] =	stream.indirect.scatter.add.f32 [tilespmem:s19], [sflag:$0x5], $0x80, s13, s18, $0xb8;
	[tilespmem:$0x1FD00] =	vst v63  }
0xc0: {  	_ =	swait.ge [sflag:s11], $0x4000  }
0xc1: {  	[sflag:s11] =	ssyncset.done $0x0  }
0xc2: {  	s5 =	sadd.s32 $0xFFFFFFF0, s29;
	[sflag:s11] =	ssyncadd.s32 $0xFFFFC000  }
0xc3: {  	[tilespmem:s13], [sflag:$0x3] =	stream.linear.gather [hbm4b:s5+s3], $0x80, $0x38;
	[tilespmem:$0x1FD00] =	vst v63  }
0xc4: {  	s9 =	simm.s32 $0x14100  }
0xc5: {  	[tilespmem:s19], [sflag:$0x1] =	stream.indirect.gather [hbm4b:s4+s18], $0x80, s9, s18, $0xb8;
	[tilespmem:$0x1FD00] =	vst v63  }
0xc6: {  	_ =	swait.ge [sflag:s25], $0x4000  }
0xc7: {  	[sflag:s25] =	ssyncset.done $0x0  }
0xc8: {  	[sflag:s25] =	ssyncadd.s32 $0xFFFFC000  }
0xc9: {  	_ =	swait.ge [sflag:s26], $0x80  }
0xca: {  	p2 =	por $0x0, $0x0;
	[sflag:s26] =	ssyncset.done $0x0  }
.Ltmp6:
0xcb: {  	[sflag:s26] =	ssyncadd.s32 $0xFFFFFF80;
	(pc) =	sbr.rel @p2 .LBB2_5-.Ltmp6, $4  }
0xcc: {  	[spmem:s2] =	stream.indirect.scatter.add.f32 [tilespmem:s21], [sflag:$0x5], $0x80, s15, s18, $0xb8;
	[tilespmem:$0x1FD00] =	vst v63  }
0xcd: {  	_ =	swait.ge [sflag:s11], $0x4000  }
0xce: {  	s30 =	simm.s32 $0xFFFFC600;
	s31 =	sadd.s32 $0x20, s29;
	[sflag:s11] =	ssyncset.done $0x0  }
0xcf: {  	p1 =	por $0x1, $0x1;
	s0 =	simm.s32 $0xFFFF1C00;
	[sflag:s11] =	ssyncadd.s32 $0xFFFFC000  }
.LBB2_6:
0xd0: {  	[tilespmem:s15], [sflag:$0x4] =	stream.linear.gather [hbm4b:s29+s3], $0x80, $0x38;
	[tilespmem:$0x1FD00] =	vst v63  }
0xd1: {  	s1 =	smov.u32 s0;
	s29 =	smov.u32 s31  }
0xd2: {  	s5 =	sadd.s32 $0x400, s0;
	s9 =	sadd.s32 $0x17B80, s30;
	s1 =	sshra.s32 s1, $0x2  }
0xd3: {  	[tilespmem:s21], [sflag:$0x2] =	stream.indirect.gather [hbm4b:s4+s18], $0x80, s9, s18, $0xb8;
	[tilespmem:$0x1FD00] =	vst v63  }
0xd4: {  	p2 =	seq.s32 s0, $0xFFFFFC00;
	_ =	swait.ge [sflag:s22], $0x4000  }
0xd5: {  	[sflag:s22] =	ssyncset.done $0x0  }
0xd6: {  	[sflag:s22] =	ssyncadd.s32 $0xFFFFC000  }
0xd7: {  	_ =	swait.ge [sflag:s23], $0x80  }
0xd8: {  	[sflag:s23] =	ssyncset.done $0x0  }
0xd9: {  	[sflag:s23] =	ssyncadd.s32 $0xFFFFFF80  }
0xda: {  	[spmem:s2] =	stream.indirect.scatter.add.f32 [tilespmem:s19], [sflag:$0x5], $0x80, s13, s18, $0xb8;
	[tilespmem:$0x1FD00] =	vst v63  }
0xdb: {  	_ =	swait.ge [sflag:s11], $0x4000  }
0xdc: {  	[sflag:s11] =	ssyncset.done $0x0  }
0xdd: {  	s0 =	sadd.s32 $0xFFFFFFF0, s31;
	[sflag:s11] =	ssyncadd.s32 $0xFFFFC000  }
0xde: {  	[tilespmem:s13], [sflag:$0x3] =	stream.linear.gather [hbm4b:s0+s3], $0x80, $0x38;
	[tilespmem:$0x1FD00] =	vst v63  }
0xdf: {  	s0 =	sadd.s32 $0x17C00, s30;
	s30 =	smov.u32 s1  }
0xe0: {  	[tilespmem:s19], [sflag:$0x1] =	stream.indirect.gather [hbm4b:s4+s18], $0x80, s0, s18, $0xb8;
	[tilespmem:$0x1FD00] =	vst v63  }
0xe1: {  	_ =	swait.ge [sflag:s25], $0x4000  }
0xe2: {  	[sflag:s25] =	ssyncset.done $0x0  }
0xe3: {  	[sflag:s25] =	ssyncadd.s32 $0xFFFFC000  }
0xe4: {  	_ =	swait.ge [sflag:s26], $0x80  }
0xe5: {  	[sflag:s26] =	ssyncset.done $0x0  }
.Ltmp7:
0xe6: {  	[sflag:s26] =	ssyncadd.s32 $0xFFFFFF80;
	(pc) =	sbr.rel @!p2 .LBB2_6-.Ltmp7, $4  }
0xe7: {  	[spmem:s2] =	stream.indirect.scatter.add.f32 [tilespmem:s21], [sflag:$0x5], $0x80, s15, s18, $0xb8;
	[tilespmem:$0x1FD00] =	vst v63  }
0xe8: {  	_ =	swait.ge [sflag:s11], $0x4000  }
0xe9: {  	[sflag:s11] =	ssyncset.done $0x0  }
0xea: {  	s31 =	sadd.s32 $0x20, s31;
	s0 =	smov.u32 s5;
	[sflag:s11] =	ssyncadd.s32 $0xFFFFC000  }
.Ltmp8:
0xeb: {  	(pc) =	sbr.rel .LBB2_8-.Ltmp8, $2  }
0xec: {  	_ =	sdelay $0x2  }
0xed: {  	s0 =	smov.u32 s29;
	s29 =	smov.u32 s31  }
.LBB2_5:
.Ltmp9:
0xee: {  	(pc) =	sbr.rel .LBB2_8-.Ltmp9, $2  }
0xef: {  	_ =	sdelay $0x2  }
0xf0: {  	s0 =	smov.u32 s29;
	s29 =	smov.u32 s31  }
.LBB2_13:
0xf1: {  	_ =	sfence.sel $0x180000  }
0xf2: {  	[bflag:$0x0] =	sbarrier.arrive $0xFFFF  }
0xf3: {  	_ =	strace $0x9000004D  }
0xf4: {  	s0 =	stileid.u32;
	[bflag:$0x2] =	sbarrier.arrive $0xFFFF  }
0xf5: {  	p0 =	sne.s32 s0, $0x0;
	s0 =	rddreg [dreg:$0x2]  }
0xf6: {  	s0 =	sadd.s32 @!p0 $0x100000, s0  }
0xf7: {  	[sflag:s0] =	ssyncadd.tile.s32 @!p0 $0x1;
	_ =	shalt  }
.Lfunc_end2:
_tile_overlayer_lowered:
.L_overlay_start_2:
0xf8: {  	(tag) =	ssettag $0x2  }
0xf9: {  	s0 =	rddreg [dreg:$0x0];
	s2 =	stileid.u32  }
0xfa: {  	s1 =	rddreg [dreg:$0x1];
	p0 =	sne.s32 s2, $0x0  }
0xfb: {  	s3 =	rddreg [dreg:$0x2];
	[bflag:$0x3] =	sbarrier.arrive $0xFFFF;
	s2 =	simm.s32 @!p0 $0x1C05  }
0xfc: {  	[timem:s3], [sflag:s2] =	dma.local @!p0 [hbm:s0], s1  }
0xfd: {  	s0 =	simm.s32 @!p0 $0x5  }
0xfe: {  	_ =	swait.ge @!p0 [sflag:s0], s1  }
0xff: {  	s1 =	ssub.s32 @!p0 $0x0, s1;
	[sflag:s0] =	ssyncset.done @!p0 $0x0  }
0x100: {  	[sflag:s0] =	ssyncadd.s32 @!p0 s1  }
0x101: {  	[bflag:$0x3] =	sbarrier.arrive $0xFFFF  }
0x102: {  	_ =	shalt  }

// kernel: kernel.8.cloned.1.call-start
scs
__scs_entry_jumppad:
0x0: {  	(pc) =	sbr.rel $0x88, $3  }
0x1: {  	(tag) =	ssettag $0x0;
	lr =	simm.s32 $0x1  }
0x2: {  	[smem:$0x3F97] =	sst lr;
	_ =	strace $0xD0000000  }
0x3: {  	_ = 	snop  }
0x4: {  	_ = 	snop  }
0x5: {  	_ = 	snop  }
0x6: {  	_ = 	snop  }
0x7: {  	_ = 	snop  }
__scs_overlays_trampoline_lowered:
0x8: {  	[smem:$0x3FA6] =	sst s0  }
0x9: {  	[smem:$0x3FA7] =	sst s1  }
0xa: {  	[smem:$0x3FA8] =	sst s2  }
0xb: {  	[smem:$0x3FA9] =	sst s3  }
0xc: {  	[smem:$0x3FAA] =	sst s4  }
0xd: {  	[smem:$0x3FAB] =	sst s5  }
0xe: {  	[smem:$0x3FAC] =	sst s6  }
0xf: {  	[smem:$0x3FAD] =	sst s7  }
0x10: {  	[smem:$0x3FAE] =	sst s8  }
0x11: {  	[smem:$0x3FAF] =	sst s9;
	s0 =	simm.s32 @!p0 $0x0  }
0x12: {  	s1 =	sld [smem:$0x3F95];
	s0 =	simm.s32 @p0 $0x1  }
0x13: {  	[smem:$0x3FB0] =	sst s0;
	s0 =	simm.s32 @!p1 $0x0  }
0x14: {  	s2 =	sld [smem:$0x3F94];
	s0 =	simm.s32 @p1 $0x1  }
0x15: {  	[smem:$0x3FB1] =	sst s0;
	s0 =	simm.s32 @!p2 $0x0  }
0x16: {  	s3 =	sld [smem:$0x3FDB];
	s0 =	simm.s32 @p2 $0x1  }
0x17: {  	s4 =	simm.s32 $0x1BF5;
	[smem:$0x3FB3] =	sst s0  }
0x18: {  	s0 =	sld [smem:$0x3F96];
	_ =	swait.ge [sflag:s4], $0x0  }
0x19: {  	s7 =	sld [smem:$0x3F97]  }
0x1a: {  	s8 =	sadd.s32 $0xFFFFE003, lr  }
0x1b: {  	s9 =	sadd.s32 $0xFFFFFEF7, lr;
	s5 =	simm.s32 $0xFFFFFFFF;
	p2 =	slt.u32 s8, $0xFFFFF086  }
0x1c: {  	p1 =	slt.u32 s9, $0xF7A;
	s5 =	simm.s32 @!p2 $0x0  }
0x1d: {  	s5 =	simm.s32 @p1 $0x1;
	p0 =	seq.s32 s7, s2  }
0x1e: {  	s7 =	smul.u32 @!p0 $0xF7A, s2;
	p2 =	seq.s32 @!p0 s5, $0x0  }
0x1f: {  	s9 =	smul.u32 $0xF7A, s1;
	s8 =	simm.s32 @!p0 $0x1BF5;
	p2 =	por !p2, p0  }
0x20: {  	[sflag:s8] =	ssyncset.s32 @!p0 $0xFFFFF086;
	s6 =	sadd.s32 @!p0 s3, s7;
	s7 =	simm.s32 @!p0 $0x108  }
0x21: {  	s3 =	sadd.s32 s3, s9;
	s6 =	sadd.s32 @!p0 $0x88, s6;
	s7 =	simm.s32 @p2 $0x1082  }
0x22: {  	[simem:s7], [sflag:s8] =	dma.local @!p0 [hbm:s6], $0xF7A  }
0x23: {  	s9 =	sor.u32 $0xD0000000, s2;
	s6 =	simm.s32 $0x108;
	_ =	swait.ge @!p0 [sflag:s8], $0x0  }
0x24: {  	s3 =	sadd.s32 $0x88, s3;
	s6 =	simm.s32 @!p1 $0x1082;
	[sflag:s4] =	ssyncset.s32 $0xFFFFF086  }
0x25: {  	[simem:s6], [sflag:s4] =	dma.local [hbm:s3], $0xF7A  }
0x26: {  	[smem:$0x3F97] =	sst s1;
	(tag) =	ssettag s2;
	_ =	strace s9  }
0x27: {  	s1 =	sld [smem:$0x3FA7]  }
0x28: {  	s2 =	sld [smem:$0x3FA8]  }
0x29: {  	s4 =	sld [smem:$0x3FAA]  }
0x2a: {  	p0 =	seq.s32 s5, $0x0;
	s5 =	sld [smem:$0x3FAB]  }
0x2b: {  	s6 =	sld [smem:$0x3FAC]  }
0x2c: {  	s7 =	sld [smem:$0x3FAD]  }
0x2d: {  	s3 =	simm.s32 $0x108;
	s8 =	sld [smem:$0x3FAE]  }
0x2e: {  	s3 =	simm.s32 @!p0 $0x1082;
	s9 =	sld [smem:$0x3FAF]  }
0x2f: {  	lr =	sadd.s32 s0, s3;
	s0 =	sld [smem:$0x3FA6]  }
0x30: {  	s3 =	sld [smem:$0x3FA9]  }
0x31: {  	[smem:$0x3FB2] =	sst s10  }
0x32: {  	s10 =	sld [smem:$0x3FB0];
	_ =	sdelay $0x3  }
0x33: {  	p0 =	seq.s32 s10, $0x1;
	s10 =	sld [smem:$0x3FB2];
	_ =	sdelay $0x3  }
0x34: {  	[smem:$0x3FB2] =	sst s10  }
0x35: {  	s10 =	sld [smem:$0x3FB1];
	_ =	sdelay $0x3  }
0x36: {  	p1 =	seq.s32 s10, $0x1;
	s10 =	sld [smem:$0x3FB2];
	_ =	sdelay $0x3  }
0x37: {  	[smem:$0x3FB2] =	sst s10  }
0x38: {  	s10 =	sld [smem:$0x3FB3]  }
0x39: {  	_ = 	snop;
	(pc) =	sbr.ind lr, $3  }
0x3a: {  	_ = 	snop  }
0x3b: {  	_ = 	snop  }
0x3c: {  	p2 =	seq.s32 s10, $0x1;
	s10 =	sld [smem:$0x3FB2]  }
0x3d: {  	_ =	shalt  }
0x3e: {  	_ =	shalt  }
0x3f: {  	_ =	shalt  }
0x40: {  	_ =	shalt  }
0x41: {  	_ =	shalt  }
0x42: {  	_ =	shalt  }
0x43: {  	_ =	shalt  }
0x44: {  	_ =	shalt  }
0x45: {  	_ =	shalt  }
0x46: {  	_ =	shalt  }
0x47: {  	_ =	shalt  }
0x48: {  	_ =	shalt  }
0x49: {  	_ =	shalt  }
0x4a: {  	_ =	shalt  }
0x4b: {  	_ =	shalt  }
0x4c: {  	_ =	shalt  }
0x4d: {  	_ =	shalt  }
0x4e: {  	_ =	shalt  }
0x4f: {  	_ =	shalt  }
0x50: {  	_ =	shalt  }
0x51: {  	_ =	shalt  }
0x52: {  	_ =	shalt  }
0x53: {  	_ =	shalt  }
0x54: {  	_ =	shalt  }
0x55: {  	_ =	shalt  }
0x56: {  	_ =	shalt  }
0x57: {  	_ =	shalt  }
0x58: {  	_ =	shalt  }
0x59: {  	_ =	shalt  }
0x5a: {  	_ =	shalt  }
0x5b: {  	_ =	shalt  }
0x5c: {  	_ =	shalt  }
0x5d: {  	_ =	shalt  }
0x5e: {  	_ =	shalt  }
0x5f: {  	_ =	shalt  }
0x60: {  	_ =	shalt  }
0x61: {  	_ =	shalt  }
0x62: {  	_ =	shalt  }
0x63: {  	_ =	shalt  }
0x64: {  	_ =	shalt  }
0x65: {  	_ =	shalt  }
0x66: {  	_ =	shalt  }
0x67: {  	_ =	shalt  }
0x68: {  	_ =	shalt  }
0x69: {  	_ =	shalt  }
0x6a: {  	_ =	shalt  }
0x6b: {  	_ =	shalt  }
0x6c: {  	_ =	shalt  }
0x6d: {  	_ =	shalt  }
0x6e: {  	_ =	shalt  }
0x6f: {  	_ =	shalt  }
0x70: {  	_ =	shalt  }
0x71: {  	_ =	shalt  }
0x72: {  	_ =	shalt  }
0x73: {  	_ =	shalt  }
0x74: {  	_ =	shalt  }
0x75: {  	_ =	shalt  }
0x76: {  	_ =	shalt  }
0x77: {  	_ =	shalt  }
0x78: {  	_ =	shalt  }
0x79: {  	_ =	shalt  }
0x7a: {  	_ =	shalt  }
0x7b: {  	_ =	shalt  }
0x7c: {  	_ =	shalt  }
0x7d: {  	_ =	shalt  }
0x7e: {  	_ =	shalt  }
0x7f: {  	_ =	shalt  }
0x80: {  	_ =	shalt  }
0x81: {  	_ =	shalt  }
0x82: {  	_ =	shalt  }
0x83: {  	_ =	shalt  }
0x84: {  	_ =	shalt  }
0x85: {  	_ =	shalt  }
0x86: {  	_ =	shalt  }
0x87: {  	_ =	shalt  }
.Lfunc_end0:
.L_simem_size_0:
called_computation_lowered:
.L_overlay_start_0:
0x88: {  	s2 =	sld [smem:$0x3FD9]  }
0x89: {  	s3 =	sld [smem:$0x3FFE];
	_ =	sdelay $0x1  }
0x8a: {  	s1 =	srdreg.scid  }
0x8b: {  	s0 =	sand.u32 $0x1, s1  }
0x8c: {  	s17 =	sshll.u32 s0, $0xA;
	s2 =	sadd.s32 s3, s2  }
0x8d: {  	s2 =	sadd.s32 s2, s17  }
0x8e: {  	[smem:$0x3FBE] =	sst s2  }
0x8f: {  	_ = 	snop  }
0x90: {  	s2 =	sld [smem:$0x3FD0];
	(tm) =	ssettm $0x1  }
0x91: {  	s18 =	sld [smem:$0x3FFB];
	_ =	sdelay $0x3  }
0x92: {  	_ =	strace s18  }
0x93: {  	s3 =	sld [smem:$0x3FFC];
	_ =	sdelay $0x3  }
0x94: {  	_ =	strace s3  }
0x95: {  	s3 =	sld [smem:$0x3FFD];
	_ =	sdelay $0x3  }
0x96: {  	_ =	strace s3  }
0x97: {  	_ =	strace $0x8FFFFFFF  }
0x98: {  	s19 =	sld [smem:$0x3FDB];
	_ =	sdelay $0x1  }
0x99: {  	s4 =	simm.s32 $_scs_section_size  }
0x9a: {  	s5 =	simm.s32 $_size__tile_overlayer_lowered;
	s6 =	simm.s32 $_tile_overlayer_lowered  }
0x9b: {  	s22 =	simm.s32 $0x1BFF;
	s21 =	sshll.u32 s6, $0x1;
	s3 =	sadd.s32 s4, s19  }
0x9c: {  	s7 =	simm.s32 $0x0;
	s20 =	sshll.u32 s5, $0x1;
	s5 =	sadd.s32 s21, s3  }
0x9d: {  	[timem:s7], [sflag:s22] =	dma.local [hbm:s5], s20  }
0x9e: {  	_ =	swait.ge [sflag:s22], s20  }
0x9f: {  	s4 =	ssub.s32 $0x0, s20;
	[sflag:s22] =	ssyncset.done $0x0  }
0xa0: {  	[sflag:s22] =	ssyncadd.s32 s4;
	_ =	sdelay $0x1  }
0xa1: {  	s23 =	simm.s32 $0x1B8B  }
0xa2: {  	_ =	swait.ge [sflag:s23], $0x1  }
0xa3: {  	[sflag:s23] =	ssyncset.done $0x0  }
0xa4: {  	s25 =	simm.s32 $0x1B8E;
	s24 =	sld [smem:$0x3FFE];
	[sflag:s23] =	ssyncadd.s32 $0xFFFFFFFF  }
0xa5: {  	s26 =	simm.s32 $execute0_lowered;
	[smem:$0x3FD2] =	sst s25  }
0xa6: {  	s5 =	sshll.u32 s26, $0x1;
	_ =	strace $0x80000046;
	[dreg:$0x1] =	wrdreg $0xFFFFFFFF  }
0xa7: {  	s28 =	simm.s32 $_size_execute0_lowered;
	s3 =	sadd.s32 s3, s5;
	[dreg:$0x0] =	wrdreg $0x0  }
0xa8: {  	s5 =	sshll.u32 s28, $0x1;
	[dreg:$0x2] =	wrdreg s3  }
0xa9: {  	[dreg:$0x3] =	wrdreg s5  }
0xaa: {  	[dreg:$0x4] =	wrdreg $0xC0  }
0xab: {  	_ =	task [dreg:s7], $0x5FFFF  }
0xac: {  	[dreg:$0x1] =	wrdreg $0xFFFFFFFF  }
0xad: {  	[dreg:$0x0] =	wrdreg $0x60  }
0xae: {  	[dreg:$0x2] =	wrdreg s2  }
0xaf: {  	[dreg:$0x3] =	wrdreg s24  }
0xb0: {  	[dreg:$0x4] =	wrdreg $0x9  }
0xb1: {  	_ =	task.clear_ibuf [dreg:s7], $0x5FFFF;
	_ =	strace $0x90000046  }
0xb2: {  	s29 =	simm.s32 $0x9;
	_ =	strace $0x80000048  }
0xb3: {  	_ =	swait.ge [sflag:s29], $0x1  }
0xb4: {  	[sflag:s29] =	ssyncadd.s32 $0xFFFFFFFF  }
0xb5: {  	_ =	strace $0x90000048  }
0xb6: {  	_ =	sfence  }
0xb7: {  	s30 =	sld [smem:$0x0];
	_ =	sdelay $0x2  }
0xb8: {  	s31 =	sshll.u32 s1, $0xD;
	s1 =	sshrl.u32 s1, $0x2  }
0xb9: {  	s3 =	sand.u32 $0x4000, s31;
	s1 =	sadd.s32 s1, s30  }
0xba: {  	s0 =	sor.u32 s3, s0;
	s1 =	sshll.u32 s1, $0x11  }
0xbb: {  	s0 =	sor.u32 s1, s0  }
0xbc: {  	s0 =	sadd.s32 $0x8F2B, s0  }
0xbd: {  	[sflag:s0] =	ssyncadd.remote.s32 $0x1  }
0xbe: {  	_ =	sfence.sel $0xFFFF  }
0xbf: {  	[dreg:$0x0] =	wrdreg $0xFFFFFFFF;
	(pc) =	sbr.abs _section_cstart, $3  }
0xc0: {  	[dreg:$0x1] =	wrdreg $0xFFFFFFFF  }
0xc1: {  	_ =	task.clear_ibuf [dreg:s7], $0x2FFFF;
	_ =	strace $0x9FFFFFFF  }
0xc2: {  	(tm) =	ssettm $0x7FFFFFFF  }
0xc3: {  	_ =	shalt  }
tec
execute0_lowered:
.L_overlay_start_1:
0x0: {  	(tag) =	ssettag $0x1  }
0x1: {  	s3 =	rddreg [dreg:$0x0];
	s1 =	srdreg.scid  }
0x2: {  	s0 =	stileid.u32;
	s6 =	rddreg [dreg:$0x1];
	s8 =	simm.s32 $0x1  }
0x3: {  	s9 =	simm.s32 $0x2800;
	s10 =	simm.s32 $0x0;
	s4 =	sand.u32 $0x1, s1  }
0x4: {  	s29 =	sshrl.u32 s0, $0x2;
	s2 =	sshll.u32 s0, $0x8;
	s1 =	rddreg [dreg:$0x2]  }
0x5: {  	s5 =	smul.u32 $0x14000, s29;
	s30 =	sshll.u32 s4, $0x7;
	s2 =	sand.u32 $0x300, s2  }
0x6: {  	s4 =	ssub.s32 $0x2, s4;
	s7 =	sor.u32 s30, s2;
	s2 =	simm.s32 $0x0  }
0x7: {  	s31 =	sshrl.u32 s4, $0x1;
	s5 =	sor.u32 s5, s7;
	[smem:$0x7FF] =	sst s2  }
0x8: {  	s7 =	ssub.s32 s4, s31;
	s5 =	sshrl.u32 s5, $0x3;
	_ =	strace $0x80000047  }
0x9: {  	s6 =	sadd.s32 s5, s6;
	s3 =	sadd.s32 s3, s5;
	s5 =	smax.u32 s7, $0x1  }
0xa: {  	v0 =	vimm.f32 $0.0e+00;
	v1 =	vimm.f32 $1.000000000e+00;
	s7 =	simm.s32 $0x400;
	s4 =	sadd.s32 $0xCA00, s6;
	s6 =	simm.s32 $0x80  }
.LBB2_1:
0xb: {  	[tilespmem:s2], [sflag:$0x1] =	stream.strided.gather [hbm4b:s3+s6], $0x2800, s7, s6, $0x38;
	[tilespmem:$0x5000] =	vst v63  }
0xc: {  	_ =	swait.ge [sflag:s8], $0x2800  }
0xd: {  	[sflag:s8] =	ssyncset.done $0x0  }
0xe: {  	s11 =	simm.s32 $0x0;
	[sflag:s8] =	ssyncadd.s32 $0xFFFFD800  }
.LBB2_2:
0xf: {  	p0 =	sne.s32 s11, $0x9FC0  }
.Ltmp0:
0x10: {  	_ = 	snop;
	(pc) =	sbr.rel @p0 .LBB2_2-.Ltmp0, $3  }
0x11: {  	_ =	sdelay $0x1  }
0x12: {  	s12 =	sshra.s32 s11, $0x2  }
0x13: {  	s11 =	sadd.s32 $0x40, s11;
	[tilespmem:s12+$0x2800] =	vst v0  }
0x14: {  	s12 =	simm.s32 $0x0;
	s11 =	simm.s32 $0x40  }
.LBB2_4:
0x15: {  	p0 =	sne.s32 s11, $0x9FC0;
	v2 =	vld [tilespmem:s12+$0x0];
	_ =	sdelay $0x3  }
.Ltmp1:
0x16: {  	(pc) =	sbr.rel @p0 .LBB2_4-.Ltmp1, $2  }
0x17: {  	_ =	sdelay $0x2  }
0x18: {  	s12 =	sshra.s32 s11, $0x2;
	s11 =	sadd.s32 $0x40, s11;
	[tilespmem:v2+s9+$0x0] =	vst.idx.add.f32.msk $0xffff, v1  }
0x19: {  	v2 =	vld [tilespmem:s12+$0x0];
	_ =	sdelay $0x5  }
0x1a: {  	s10 =	sadd.s32 $0x1, s10  }
0x1b: {  	p0 =	sne.s32 s10, s5  }
.Ltmp2:
0x1c: {  	[tilespmem:v2+s9+$0x0] =	vst.idx.add.f32.msk $0xffff, v1;
	(pc) =	sbr.rel @p0 .LBB2_1-.Ltmp2, $4  }
0x1d: {  	[hbm4b:s4+s6] =	stream.strided.scatter [tilespmem:s9], [sflag:$0x1], $0x2800, s7, s6, $0x38;
	[tilespmem:$0x5000] =	vst v63  }
0x1e: {  	_ =	swait.ge [sflag:s8], $0x2800  }
0x1f: {  	[sflag:s8] =	ssyncset.done $0x0  }
0x20: {  	[sflag:s8] =	ssyncadd.s32 $0xFFFFD800  }
0x21: {  	_ =	sfence.sel $0x180000  }
0x22: {  	[bflag:$0x0] =	sbarrier.arrive $0xFFFF  }
0x23: {  	p0 =	sne.s32 s0, $0x0;
	_ =	strace $0x90000047  }
0x24: {  	s0 =	sadd.s32 @!p0 $0x100000, s1;
	[bflag:$0x2] =	sbarrier.arrive $0xFFFF  }
0x25: {  	[sflag:s0] =	ssyncadd.tile.s32 @!p0 $0x1;
	_ =	shalt  }
.Lfunc_end2:
_tile_overlayer_lowered:
.L_overlay_start_2:
0x26: {  	(tag) =	ssettag $0x2  }
0x27: {  	s0 =	rddreg [dreg:$0x0];
	s2 =	stileid.u32  }
0x28: {  	s1 =	rddreg [dreg:$0x1];
	p0 =	sne.s32 s2, $0x0  }
0x29: {  	s3 =	rddreg [dreg:$0x2];
	[bflag:$0x3] =	sbarrier.arrive $0xFFFF;
	s2 =	simm.s32 @!p0 $0x1C02  }
0x2a: {  	[timem:s3], [sflag:s2] =	dma.local @!p0 [hbm:s0], s1  }
0x2b: {  	s0 =	simm.s32 @!p0 $0x2  }
0x2c: {  	_ =	swait.ge @!p0 [sflag:s0], s1  }
0x2d: {  	s1 =	ssub.s32 @!p0 $0x0, s1;
	[sflag:s0] =	ssyncset.done @!p0 $0x0  }
0x2e: {  	[sflag:s0] =	ssyncadd.s32 @!p0 s1  }
0x2f: {  	[bflag:$0x3] =	sbarrier.arrive $0xFFFF  }
0x30: {  	_ =	shalt  }

</sc_bundles>
